<compile_context>
chip_gen: v7x
topology: tpu7x:2x2x1
jax: 0.10.2.dev20260603
libtpu: 0.0.44.dev20260713+nightly
codegen_flags: <defaults>
</compile_context>

<pallas_src>
import functools

import jax
import jax.numpy as jnp
from jax import lax
from jax.experimental import pallas as pl
from jax.experimental.pallas import tpu as pltpu
from jax.experimental.pallas import tpu_sc as plsc

VOCAB = 30522
HIDDEN = 768
MAX_POS = 512
TYPE_VOCAB = 2
LN_EPS = 1e-12
B, S = 1024, 512
N = B * S

NC, NS, L = 2, 16, 16
NW = NC * NS
TPW = N // NW
C = 16
NCHUNK = TPW // C

_mesh = plsc.VectorSubcoreMesh(core_axis_name="c", subcore_axis_name="s")


@functools.partial(
    pl.kernel,
    mesh=_mesh,
    out_type=jax.ShapeDtypeStruct((B, S, HIDDEN), jnp.float32),
    compiler_params=pltpu.CompilerParams(needs_layout_passes=False),
    scratch_types=[
        pltpu.VMEM((TPW,), jnp.int32),
        pltpu.VMEM((TPW,), jnp.int32),
        pltpu.VMEM((HIDDEN,), jnp.float32),
        pltpu.VMEM((HIDDEN,), jnp.float32),
        pltpu.VMEM((C, HIDDEN), jnp.float32),
        pltpu.VMEM((C, HIDDEN), jnp.float32),
        pltpu.VMEM((C, HIDDEN), jnp.float32),
        pltpu.VMEM((C, HIDDEN), jnp.float32),
        pltpu.VMEM((C, HIDDEN), jnp.float32),
        pltpu.VMEM((C, HIDDEN), jnp.float32),
        pltpu.VMEM((C, HIDDEN), jnp.float32),
        pltpu.VMEM((C, 17), jnp.float32),
        pltpu.VMEM((C, 17), jnp.float32),
        pltpu.SemaphoreType.DMA,
        pltpu.SemaphoreType.DMA,
        pltpu.SemaphoreType.DMA,
        pltpu.SemaphoreType.DMA,
        pltpu.SemaphoreType.DMA,
        pltpu.SemaphoreType.DMA,
    ],
)
def _sc_embed(ids_hbm, cids_hbm, wtab, ctab, gam, bet,
              out_hbm,
              widx, cidx, gvm, bvm,
              wb0, wb1, cb0, cb1, ob0, ob1, xb, st_s, st_q,
              sw0, sw1, sc0, sc1, so0, so1):
    wid = lax.axis_index("s") * NC + lax.axis_index("c")
    base = wid * TPW

    pltpu.sync_copy(ids_hbm.at[pl.ds(base, TPW)], widx)
    pltpu.sync_copy(cids_hbm.at[pl.ds(base, TPW)], cidx)
    pltpu.sync_copy(gam, gvm)
    pltpu.sync_copy(bet, bvm)

    lanes = lax.iota(jnp.int32, L)
    slots = ((wb0, cb0, ob0, sw0, sc0, so0),
             (wb1, cb1, ob1, sw1, sc1, so1))

    def issue(g, slot):
        wb, cb, _, sw, sc_, _ = slots[slot]
        c0 = g * C
        wvec = widx[pl.ds(c0, C)]
        cvec = cidx[pl.ds(c0, C)]
        pltpu.async_copy(wtab.at[wvec], wb, sw)
        pltpu.async_copy(ctab.at[cvec], cb, sc_)

    issue(0, 0)

    def outer(g2, carry):
        for sl in range(2):
            wb, cb, ob, sw, sc_, so = slots[sl]
            g = g2 * 2 + sl

            @pl.when(g + 1 < NCHUNK)
            def _():
                issue(g + 1, 1 - sl)

            dummy = widx[pl.ds(0, C)]
            pltpu.make_async_copy(wtab.at[dummy], wb, sw).wait()
            pltpu.make_async_copy(ctab.at[dummy], cb, sc_).wait()

            zero = jnp.zeros((L,), jnp.float32)

            def tok1(c, carry1):
                def blk(jb, acc):
                    s0, q0 = acc
                    offs = [(jb * 8 + u) * L for u in range(8)]
                    ws = [wb[c, pl.ds(o, L)] for o in offs]
                    cs = [cb[c, pl.ds(o, L)] for o in offs]
                    xs = [ws[u] + cs[u] for u in range(8)]
                    for u in range(8):
                        xb[c, pl.ds(offs[u], L)] = xs[u]
                    qs = [x * x for x in xs]
                    s0 = s0 + (((xs[0] + xs[1]) + (xs[2] + xs[3]))
                               + ((xs[4] + xs[5]) + (xs[6] + xs[7])))
                    q0 = q0 + (((qs[0] + qs[1]) + (qs[2] + qs[3]))
                               + ((qs[4] + qs[5]) + (qs[6] + qs[7])))
                    return (s0, q0)

                s0, q0 = lax.fori_loop(
                    0, HIDDEN // (8 * L), blk, (zero, zero))
                st_s[c, pl.ds(0, L)] = s0
                st_q[c, pl.ds(0, L)] = q0
                return carry1

            lax.fori_loop(0, C, tok1, 0)

            s = zero
            q = zero
            for k in range(L):
                ksp = jnp.full((L,), k, jnp.int32)
                s = s + plsc.load_gather(st_s, [lanes, ksp])
                q = q + plsc.load_gather(st_q, [lanes, ksp])
            mean = s * (1.0 / HIDDEN)
            var = q * (1.0 / HIDDEN) - mean * mean
            y = var + LN_EPS
            ib = plsc.bitcast(y, jnp.int32)
            ib = 0x5F3759DF - lax.shift_right_logical(ib, 1)
            r = plsc.bitcast(ib, jnp.float32)
            for _ in range(4):
                r = r * (1.5 - 0.5 * y * r * r)
            mr = mean * r

            @pl.when(g >= 2)
            def _():
                pltpu.make_async_copy(
                    ob, out_hbm.at[0, pl.ds(0, C)], so).wait()

            rb = [jnp.full((L,), r[c], jnp.float32) for c in range(C)]
            mrb = [jnp.full((L,), mr[c], jnp.float32) for c in range(C)]

            def pass2(jb, carry2):
                j0 = jb * L
                gv = gvm[pl.ds(j0, L)]
                bv = bvm[pl.ds(j0, L)]
                xs = [xb[c, pl.ds(j0, L)] for c in range(C)]
                ys = [(xs[c] * rb[c] - mrb[c]) * gv + bv for c in range(C)]
                for c in range(C):
                    ob[c, pl.ds(j0, L)] = ys[c]
                return carry2

            lax.fori_loop(0, HIDDEN // L, pass2, 0)
            token0 = base + g * C
            bi = lax.shift_right_logical(token0, 9)
            si = pl.multiple_of(lax.bitwise_and(token0, S - 1), C)
            pltpu.async_copy(ob, out_hbm.at[bi, pl.ds(si, C)], so)
        return carry

    lax.fori_loop(0, NCHUNK // 2, outer, 0)

    for sl in range(2):
        _, _, ob, _, _, so = slots[sl]
        pltpu.make_async_copy(ob, out_hbm.at[0, pl.ds(0, C)], so).wait()


def kernel(input_ids, token_type_ids, position_ids, word_embeddings,
           position_embeddings, token_type_embeddings, ln_gamma, ln_beta):
    ids = input_ids.reshape(-1).astype(jnp.int32)
    pids = position_ids.reshape(-1).astype(jnp.int32)
    tids = token_type_ids.reshape(-1).astype(jnp.int32)
    cids = pids * TYPE_VOCAB + tids
    ctab = (position_embeddings[:, None, :]
            + token_type_embeddings[None, :, :]).reshape(
                MAX_POS * TYPE_VOCAB, HIDDEN)
    return _sc_embed(ids, cids, word_embeddings, ctab, ln_gamma, ln_beta)

# --- scband reference (transcript-rebuilt; emitter-appended) ---
"""Pipeline reference for scband-bertembeddings-68315749810796 (READ-ONLY COPY).

The authoritative reference and input builder live on the scoring server;
editing this copy changes nothing except your own understanding.
"""

import jax, jax.numpy as jnp
import numpy as np

VOCAB = 30522
HIDDEN = 768
MAX_POS = 512
TYPE_VOCAB = 2
LN_EPS = 1e-12
B, S = 1024, 512


def setup_inputs(seed: int = 0) -> dict:
    key = jax.random.key(seed)
    k1, k2, k3, k4, k5, k6 = jax.random.split(key, 6)
    input_ids = jax.random.randint(k1, (B, S), 0, VOCAB, dtype=jnp.int64 if jax.config.jax_enable_x64 else jnp.int32)
    token_type_ids = jax.random.randint(k2, (B, S), 0, TYPE_VOCAB, dtype=input_ids.dtype)
    position_ids = jax.random.randint(k3, (B, S), 0, MAX_POS, dtype=input_ids.dtype)
    word_embeddings = jax.random.normal(k4, (VOCAB, HIDDEN), dtype=jnp.float32) * 0.02
    position_embeddings = jax.random.normal(k5, (MAX_POS, HIDDEN), dtype=jnp.float32) * 0.02
    token_type_embeddings = jax.random.normal(k6, (TYPE_VOCAB, HIDDEN), dtype=jnp.float32) * 0.02
    ln_gamma = jnp.ones((HIDDEN,), dtype=jnp.float32)
    ln_beta = jnp.zeros((HIDDEN,), dtype=jnp.float32)
    return {
        "input_ids": input_ids,
        "token_type_ids": token_type_ids,
        "position_ids": position_ids,
        "word_embeddings": word_embeddings,
        "position_embeddings": position_embeddings,
        "token_type_embeddings": token_type_embeddings,
        "ln_gamma": ln_gamma,
        "ln_beta": ln_beta,
    }


def _layer_norm(x, gamma, beta, eps):
    mean = jnp.mean(x, axis=-1, keepdims=True)
    var = jnp.mean(jnp.square(x - mean), axis=-1, keepdims=True)
    xhat = (x - mean) * jax.lax.rsqrt(var + eps)
    return xhat * gamma + beta


def reference(input_ids, token_type_ids, position_ids, word_embeddings,
              position_embeddings, token_type_embeddings, ln_gamma, ln_beta):
    # Embedding gathers (SparseCore-mappable)
    words = jnp.take(word_embeddings, input_ids, axis=0)
    positions = jnp.take(position_embeddings, position_ids, axis=0)
    types = jnp.take(token_type_embeddings, token_type_ids, axis=0)
    embeddings = words + positions + types
    embeddings = _layer_norm(embeddings, ln_gamma, ln_beta, LN_EPS)
    # dropout is identity in eval mode
    return embeddings

if __name__ == "__main__":
    import jax
    _d = setup_inputs()
    print(jax.jit(kernel)(*tuple(_d.values())))

</pallas_src>

<mosaic_0001>
#map = affine_map<(d0, d1) -> (0)>
#map1 = affine_map<(d0, d1) -> (0, 0)>
#map2 = affine_map<(d0, d1) -> (0, 0, 0)>
module attributes {stable_mosaic.version = 14 : i64} {
  func.func @_sc_embed(%arg0: i32, %arg1: i32, %arg2: memref<524288xi32, #tpu.memory_space<hbm>>, %arg3: memref<524288xi32, #tpu.memory_space<hbm>>, %arg4: memref<30522x768xf32, #tpu.memory_space<hbm>>, %arg5: memref<1024x768xf32, #tpu.memory_space<hbm>>, %arg6: memref<768xf32, #tpu.memory_space<hbm>>, %arg7: memref<768xf32, #tpu.memory_space<hbm>>, %arg8: memref<1024x512x768xf32, #tpu.memory_space<hbm>>, %arg9: memref<16384xi32, #tpu.memory_space<vmem>>, %arg10: memref<16384xi32, #tpu.memory_space<vmem>>, %arg11: memref<768xf32, #tpu.memory_space<vmem>>, %arg12: memref<768xf32, #tpu.memory_space<vmem>>, %arg13: memref<16x768xf32, #tpu.memory_space<vmem>>, %arg14: memref<16x768xf32, #tpu.memory_space<vmem>>, %arg15: memref<16x768xf32, #tpu.memory_space<vmem>>, %arg16: memref<16x768xf32, #tpu.memory_space<vmem>>, %arg17: memref<16x768xf32, #tpu.memory_space<vmem>>, %arg18: memref<16x768xf32, #tpu.memory_space<vmem>>, %arg19: memref<16x768xf32, #tpu.memory_space<vmem>>, %arg20: memref<16x17xf32, #tpu.memory_space<vmem>>, %arg21: memref<16x17xf32, #tpu.memory_space<vmem>>, %arg22: memref<!tpu.dma_semaphore, #tpu.memory_space<semaphore_mem>>, %arg23: memref<!tpu.dma_semaphore, #tpu.memory_space<semaphore_mem>>, %arg24: memref<!tpu.dma_semaphore, #tpu.memory_space<semaphore_mem>>, %arg25: memref<!tpu.dma_semaphore, #tpu.memory_space<semaphore_mem>>, %arg26: memref<!tpu.dma_semaphore, #tpu.memory_space<semaphore_mem>>, %arg27: memref<!tpu.dma_semaphore, #tpu.memory_space<semaphore_mem>>) attributes {dimension_semantics = [#tpu.dimension_semantics<core_parallel>, #tpu.dimension_semantics<subcore_parallel>], iteration_bounds = array<i64: 2, 16>, scalar_prefetch = 0 : i64, scratch_operands = 19 : i64, tpu.core_type = #tpu.core_type<sc_vector_subcore>, window_params = [{transform_indices = #map}, {transform_indices = #map}, {transform_indices = #map1}, {transform_indices = #map1}, {transform_indices = #map}, {transform_indices = #map}, {transform_indices = #map2}]} {
    %mul3A = arith.constant 2 : i32
    %mul3A_0 = arith.muli %arg1, %mul3A : i32
    %add3A = arith.addi %mul3A_0, %arg0 : i32
    %mul3A_1 = arith.constant 16384 : i32
    %mul3A_2 = arith.muli %add3A, %mul3A_1 : i32
    "tpu.region"() ({
      %run_scoped3A = tpu.sem_alloc : memref<!tpu.dma_semaphore, #tpu.memory_space<semaphore_mem>>
      %dma_start3A_33 = tpu.memref_slice %arg2[%mul3A_2] : memref<524288xi32, #tpu.memory_space<hbm>> -> memref<16384xi32, #tpu.memory_space<hbm>>
      %dma_start3A_34 = tpu.memref_slice %arg2[%mul3A_2] : memref<524288xi32, #tpu.memory_space<hbm>> -> memref<16384xi32, #tpu.memory_space<hbm>>
      tpu.enqueue_dma source(%dma_start3A_34 : memref<16384xi32, #tpu.memory_space<hbm>>) target(%arg9 : memref<16384xi32, #tpu.memory_space<vmem>>) target_semaphore(%run_scoped3A : memref<!tpu.dma_semaphore, #tpu.memory_space<semaphore_mem>>)
      %dma_wait3A_35 = tpu.memref_slice %arg2[%mul3A_2] : memref<524288xi32, #tpu.memory_space<hbm>> -> memref<16384xi32, #tpu.memory_space<hbm>>
      %dma_wait3A_36 = tpu.memref_slice %arg2[%mul3A_2] : memref<524288xi32, #tpu.memory_space<hbm>> -> memref<16384xi32, #tpu.memory_space<hbm>>
      tpu.wait_dma2 semaphore(%run_scoped3A : memref<!tpu.dma_semaphore, #tpu.memory_space<semaphore_mem>>) src(%dma_wait3A_36 : memref<16384xi32, #tpu.memory_space<hbm>>) dst(%arg9 : memref<16384xi32, #tpu.memory_space<vmem>>)
      tpu.yield
    }) : () -> ()
    "tpu.region"() ({
      %run_scoped3A = tpu.sem_alloc : memref<!tpu.dma_semaphore, #tpu.memory_space<semaphore_mem>>
      %dma_start3A_33 = tpu.memref_slice %arg3[%mul3A_2] : memref<524288xi32, #tpu.memory_space<hbm>> -> memref<16384xi32, #tpu.memory_space<hbm>>
      %dma_start3A_34 = tpu.memref_slice %arg3[%mul3A_2] : memref<524288xi32, #tpu.memory_space<hbm>> -> memref<16384xi32, #tpu.memory_space<hbm>>
      tpu.enqueue_dma source(%dma_start3A_34 : memref<16384xi32, #tpu.memory_space<hbm>>) target(%arg10 : memref<16384xi32, #tpu.memory_space<vmem>>) target_semaphore(%run_scoped3A : memref<!tpu.dma_semaphore, #tpu.memory_space<semaphore_mem>>)
      %dma_wait3A_35 = tpu.memref_slice %arg3[%mul3A_2] : memref<524288xi32, #tpu.memory_space<hbm>> -> memref<16384xi32, #tpu.memory_space<hbm>>
      %dma_wait3A_36 = tpu.memref_slice %arg3[%mul3A_2] : memref<524288xi32, #tpu.memory_space<hbm>> -> memref<16384xi32, #tpu.memory_space<hbm>>
      tpu.wait_dma2 semaphore(%run_scoped3A : memref<!tpu.dma_semaphore, #tpu.memory_space<semaphore_mem>>) src(%dma_wait3A_36 : memref<16384xi32, #tpu.memory_space<hbm>>) dst(%arg10 : memref<16384xi32, #tpu.memory_space<vmem>>)
      tpu.yield
    }) : () -> ()
    "tpu.region"() ({
      %run_scoped3A = tpu.sem_alloc : memref<!tpu.dma_semaphore, #tpu.memory_space<semaphore_mem>>
      tpu.enqueue_dma source(%arg6 : memref<768xf32, #tpu.memory_space<hbm>>) target(%arg11 : memref<768xf32, #tpu.memory_space<vmem>>) target_semaphore(%run_scoped3A : memref<!tpu.dma_semaphore, #tpu.memory_space<semaphore_mem>>)
      tpu.wait_dma2 semaphore(%run_scoped3A : memref<!tpu.dma_semaphore, #tpu.memory_space<semaphore_mem>>) src(%arg6 : memref<768xf32, #tpu.memory_space<hbm>>) dst(%arg11 : memref<768xf32, #tpu.memory_space<vmem>>)
      tpu.yield
    }) : () -> ()
    "tpu.region"() ({
      %run_scoped3A = tpu.sem_alloc : memref<!tpu.dma_semaphore, #tpu.memory_space<semaphore_mem>>
      tpu.enqueue_dma source(%arg7 : memref<768xf32, #tpu.memory_space<hbm>>) target(%arg12 : memref<768xf32, #tpu.memory_space<vmem>>) target_semaphore(%run_scoped3A : memref<!tpu.dma_semaphore, #tpu.memory_space<semaphore_mem>>)
      tpu.wait_dma2 semaphore(%run_scoped3A : memref<!tpu.dma_semaphore, #tpu.memory_space<semaphore_mem>>) src(%arg7 : memref<768xf32, #tpu.memory_space<hbm>>) dst(%arg12 : memref<768xf32, #tpu.memory_space<vmem>>)
      tpu.yield
    }) : () -> ()
    %iota3A = tpu.iota {dimensions = array<i32: 0>} : vector<16xi32>
    %get3A = arith.constant 0 : index
    %get3A_3 = tpu.vector_load %arg9[%get3A] {strides = array<i32>} : memref<16384xi32, #tpu.memory_space<vmem>>, vector<16xi32>,
    %get3A_4 = arith.constant 0 : index
    %get3A_5 = tpu.vector_load %arg10[%get3A_4] {strides = array<i32>} : memref<16384xi32, #tpu.memory_space<vmem>>, vector<16xi32>,
    %dma_start3A = arith.constant 0 : i32
    %dma_start3A_6 = arith.constant 0 : i32
    %dma_start3A_7 = tpu.memref_slice %arg4[%dma_start3A, %dma_start3A_6] : memref<30522x768xf32, #tpu.memory_space<hbm>> -> memref<30522x768xf32, #tpu.memory_space<hbm>>
    tpu.enqueue_indirect_dma source(%dma_start3A_7 : memref<30522x768xf32, #tpu.memory_space<hbm>>) target(%arg13 : memref<16x768xf32, #tpu.memory_space<vmem>>) offsets(%get3A_3 : vector<16xi32>) semaphore(%arg22 : memref<!tpu.dma_semaphore, #tpu.memory_space<semaphore_mem>>)
    %dma_start3A_8 = arith.constant 0 : i32
    %dma_start3A_9 = arith.constant 0 : i32
    %dma_start3A_10 = tpu.memref_slice %arg5[%dma_start3A_8, %dma_start3A_9] : memref<1024x768xf32, #tpu.memory_space<hbm>> -> memref<1024x768xf32, #tpu.memory_space<hbm>>
    tpu.enqueue_indirect_dma source(%dma_start3A_10 : memref<1024x768xf32, #tpu.memory_space<hbm>>) target(%arg15 : memref<16x768xf32, #tpu.memory_space<vmem>>) offsets(%get3A_5 : vector<16xi32>) semaphore(%arg24 : memref<!tpu.dma_semaphore, #tpu.memory_space<semaphore_mem>>)
    %scan3A = arith.constant 0 : i32
    %scan3A_11 = arith.constant 0 : i32
    %scan3A_12 = arith.constant 512 : i32
    %scan3A_13 = arith.addi %scan3A_11, %scan3A_12 : i32
    %scan3A_14 = arith.constant 1 : i32
    scf.for %scan3A_33 = %scan3A_11 to %scan3A_13 step %scan3A_14  : i32 {
      %mul3A_34 = arith.constant 2 : i32
      %mul3A_35 = arith.muli %scan3A_33, %mul3A_34 : i32
      %add3A_36 = arith.constant 0 : i32
      %add3A_37 = arith.addi %mul3A_35, %add3A_36 : i32
      %add3A_38 = arith.constant 1 : i32
      %add3A_39 = arith.addi %add3A_37, %add3A_38 : i32
      %lt3A = arith.constant 1024 : i32
      %lt3A_40 = arith.cmpi slt, %add3A_39, %lt3A : i32
      %convert_element_type3A = arith.extui %lt3A_40 : i1 to i32
      %cond3A = arith.constant 0 : i32
      %cond3A_41 = arith.cmpi ne, %convert_element_type3A, %cond3A : i32
      scf.if %cond3A_41 {
        %add3A_621 = arith.constant 1 : i32
        %add3A_622 = arith.addi %add3A_37, %add3A_621 : i32
        %mul3A_623 = arith.constant 16 : i32
        %mul3A_624 = arith.muli %add3A_622, %mul3A_623 : i32
        %get3A_625 = arith.index_cast %mul3A_624 : i32 to index
        %get3A_626 = tpu.vector_load %arg9[%get3A_625] {strides = array<i32>} : memref<16384xi32, #tpu.memory_space<vmem>>, vector<16xi32>,
        %get3A_627 = arith.index_cast %mul3A_624 : i32 to index
        %get3A_628 = tpu.vector_load %arg10[%get3A_627] {strides = array<i32>} : memref<16384xi32, #tpu.memory_space<vmem>>, vector<16xi32>,
        %dma_start3A_629 = arith.constant 0 : i32
        %dma_start3A_630 = arith.constant 0 : i32
        %dma_start3A_631 = tpu.memref_slice %arg4[%dma_start3A_629, %dma_start3A_630] : memref<30522x768xf32, #tpu.memory_space<hbm>> -> memref<30522x768xf32, #tpu.memory_space<hbm>>
        tpu.enqueue_indirect_dma source(%dma_start3A_631 : memref<30522x768xf32, #tpu.memory_space<hbm>>) target(%arg14 : memref<16x768xf32, #tpu.memory_space<vmem>>) offsets(%get3A_626 : vector<16xi32>) semaphore(%arg23 : memref<!tpu.dma_semaphore, #tpu.memory_space<semaphore_mem>>)
        %dma_start3A_632 = arith.constant 0 : i32
        %dma_start3A_633 = arith.constant 0 : i32
        %dma_start3A_634 = tpu.memref_slice %arg5[%dma_start3A_632, %dma_start3A_633] : memref<1024x768xf32, #tpu.memory_space<hbm>> -> memref<1024x768xf32, #tpu.memory_space<hbm>>
        tpu.enqueue_indirect_dma source(%dma_start3A_634 : memref<1024x768xf32, #tpu.memory_space<hbm>>) target(%arg16 : memref<16x768xf32, #tpu.memory_space<vmem>>) offsets(%get3A_628 : vector<16xi32>) semaphore(%arg25 : memref<!tpu.dma_semaphore, #tpu.memory_space<semaphore_mem>>)
      } else {
      }
      %get3A_42 = arith.constant 0 : index
      %get3A_43 = tpu.vector_load %arg9[%get3A_42] {strides = array<i32>} : memref<16384xi32, #tpu.memory_space<vmem>>, vector<16xi32>,
      %dma_wait3A_44 = arith.constant 0 : i32
      %dma_wait3A_45 = arith.constant 0 : i32
      %dma_wait3A_46 = tpu.memref_slice %arg4[%dma_wait3A_44, %dma_wait3A_45] : memref<30522x768xf32, #tpu.memory_space<hbm>> -> memref<30522x768xf32, #tpu.memory_space<hbm>>
      tpu.wait_indirect_dma semaphore(%arg22 : memref<!tpu.dma_semaphore, #tpu.memory_space<semaphore_mem>>) src(%dma_wait3A_46 : memref<30522x768xf32, #tpu.memory_space<hbm>>) dst(%arg13 : memref<16x768xf32, #tpu.memory_space<vmem>>)
      %dma_wait3A_47 = arith.constant 0 : i32
      %dma_wait3A_48 = arith.constant 0 : i32
      %dma_wait3A_49 = tpu.memref_slice %arg5[%dma_wait3A_47, %dma_wait3A_48] : memref<1024x768xf32, #tpu.memory_space<hbm>> -> memref<1024x768xf32, #tpu.memory_space<hbm>>
      tpu.wait_indirect_dma semaphore(%arg24 : memref<!tpu.dma_semaphore, #tpu.memory_space<semaphore_mem>>) src(%dma_wait3A_49 : memref<1024x768xf32, #tpu.memory_space<hbm>>) dst(%arg15 : memref<16x768xf32, #tpu.memory_space<vmem>>)
      %broadcast_in_dim3A = arith.constant 0.000000e+00 : f32
      %broadcast_in_dim3A_50 = vector.broadcast %broadcast_in_dim3A : f32 to vector<16xf32>
      %scan3A_51 = arith.constant 0 : i32
      %scan3A_52 = arith.constant 0 : i32
      %scan3A_53 = arith.constant 16 : i32
      %scan3A_54 = arith.addi %scan3A_52, %scan3A_53 : i32
      %scan3A_55 = arith.constant 1 : i32
      scf.for %scan3A_621 = %scan3A_52 to %scan3A_54 step %scan3A_55  : i32 {
        %scan3A_622 = arith.constant 0 : i32
        %scan3A_623 = arith.constant 6 : i32
        %scan3A_624 = arith.addi %scan3A_622, %scan3A_623 : i32
        %scan3A_625 = arith.constant 1 : i32
        %scan3A_626:2 = scf.for %scan3A_633 = %scan3A_622 to %scan3A_624 step %scan3A_625 iter_args(%scan3A_634 = %broadcast_in_dim3A_50, %scan3A_635 = %broadcast_in_dim3A_50) -> (vector<16xf32>, vector<16xf32>)  : i32 {
          %mul3A_636 = arith.constant 8 : i32
          %mul3A_637 = arith.muli %scan3A_633, %mul3A_636 : i32
          %add3A_638 = arith.constant 0 : i32
          %add3A_639 = arith.addi %mul3A_637, %add3A_638 : i32
          %mul3A_640 = arith.constant 16 : i32
          %mul3A_641 = arith.muli %add3A_639, %mul3A_640 : i32
          %mul3A_642 = arith.constant 8 : i32
          %mul3A_643 = arith.muli %scan3A_633, %mul3A_642 : i32
          %add3A_644 = arith.constant 1 : i32
          %add3A_645 = arith.addi %mul3A_643, %add3A_644 : i32
          %mul3A_646 = arith.constant 16 : i32
          %mul3A_647 = arith.muli %add3A_645, %mul3A_646 : i32
          %mul3A_648 = arith.constant 8 : i32
          %mul3A_649 = arith.muli %scan3A_633, %mul3A_648 : i32
          %add3A_650 = arith.constant 2 : i32
          %add3A_651 = arith.addi %mul3A_649, %add3A_650 : i32
          %mul3A_652 = arith.constant 16 : i32
          %mul3A_653 = arith.muli %add3A_651, %mul3A_652 : i32
          %mul3A_654 = arith.constant 8 : i32
          %mul3A_655 = arith.muli %scan3A_633, %mul3A_654 : i32
          %add3A_656 = arith.constant 3 : i32
          %add3A_657 = arith.addi %mul3A_655, %add3A_656 : i32
          %mul3A_658 = arith.constant 16 : i32
          %mul3A_659 = arith.muli %add3A_657, %mul3A_658 : i32
          %mul3A_660 = arith.constant 8 : i32
          %mul3A_661 = arith.muli %scan3A_633, %mul3A_660 : i32
          %add3A_662 = arith.constant 4 : i32
          %add3A_663 = arith.addi %mul3A_661, %add3A_662 : i32
          %mul3A_664 = arith.constant 16 : i32
          %mul3A_665 = arith.muli %add3A_663, %mul3A_664 : i32
          %mul3A_666 = arith.constant 8 : i32
          %mul3A_667 = arith.muli %scan3A_633, %mul3A_666 : i32
          %add3A_668 = arith.constant 5 : i32
          %add3A_669 = arith.addi %mul3A_667, %add3A_668 : i32
          %mul3A_670 = arith.constant 16 : i32
          %mul3A_671 = arith.muli %add3A_669, %mul3A_670 : i32
          %mul3A_672 = arith.constant 8 : i32
          %mul3A_673 = arith.muli %scan3A_633, %mul3A_672 : i32
          %add3A_674 = arith.constant 6 : i32
          %add3A_675 = arith.addi %mul3A_673, %add3A_674 : i32
          %mul3A_676 = arith.constant 16 : i32
          %mul3A_677 = arith.muli %add3A_675, %mul3A_676 : i32
          %mul3A_678 = arith.constant 8 : i32
          %mul3A_679 = arith.muli %scan3A_633, %mul3A_678 : i32
          %add3A_680 = arith.constant 7 : i32
          %add3A_681 = arith.addi %mul3A_679, %add3A_680 : i32
          %mul3A_682 = arith.constant 16 : i32
          %mul3A_683 = arith.muli %add3A_681, %mul3A_682 : i32
          %get3A_684 = arith.index_cast %scan3A_621 : i32 to index
          %get3A_685 = arith.index_cast %mul3A_641 : i32 to index
          %get3A_686 = tpu.vector_load %arg13[%get3A_684, %get3A_685] {strides = array<i32>} : memref<16x768xf32, #tpu.memory_space<vmem>>, vector<16xf32>,
          %get3A_687 = arith.index_cast %scan3A_621 : i32 to index
          %get3A_688 = arith.index_cast %mul3A_647 : i32 to index
          %get3A_689 = tpu.vector_load %arg13[%get3A_687, %get3A_688] {strides = array<i32>} : memref<16x768xf32, #tpu.memory_space<vmem>>, vector<16xf32>,
          %get3A_690 = arith.index_cast %scan3A_621 : i32 to index
          %get3A_691 = arith.index_cast %mul3A_653 : i32 to index
          %get3A_692 = tpu.vector_load %arg13[%get3A_690, %get3A_691] {strides = array<i32>} : memref<16x768xf32, #tpu.memory_space<vmem>>, vector<16xf32>,
          %get3A_693 = arith.index_cast %scan3A_621 : i32 to index
          %get3A_694 = arith.index_cast %mul3A_659 : i32 to index
          %get3A_695 = tpu.vector_load %arg13[%get3A_693, %get3A_694] {strides = array<i32>} : memref<16x768xf32, #tpu.memory_space<vmem>>, vector<16xf32>,
          %get3A_696 = arith.index_cast %scan3A_621 : i32 to index
          %get3A_697 = arith.index_cast %mul3A_665 : i32 to index
          %get3A_698 = tpu.vector_load %arg13[%get3A_696, %get3A_697] {strides = array<i32>} : memref<16x768xf32, #tpu.memory_space<vmem>>, vector<16xf32>,
          %get3A_699 = arith.index_cast %scan3A_621 : i32 to index
          %get3A_700 = arith.index_cast %mul3A_671 : i32 to index
          %get3A_701 = tpu.vector_load %arg13[%get3A_699, %get3A_700] {strides = array<i32>} : memref<16x768xf32, #tpu.memory_space<vmem>>, vector<16xf32>,
          %get3A_702 = arith.index_cast %scan3A_621 : i32 to index
          %get3A_703 = arith.index_cast %mul3A_677 : i32 to index
          %get3A_704 = tpu.vector_load %arg13[%get3A_702, %get3A_703] {strides = array<i32>} : memref<16x768xf32, #tpu.memory_space<vmem>>, vector<16xf32>,
          %get3A_705 = arith.index_cast %scan3A_621 : i32 to index
          %get3A_706 = arith.index_cast %mul3A_683 : i32 to index
          %get3A_707 = tpu.vector_load %arg13[%get3A_705, %get3A_706] {strides = array<i32>} : memref<16x768xf32, #tpu.memory_space<vmem>>, vector<16xf32>,
          %get3A_708 = arith.index_cast %scan3A_621 : i32 to index
          %get3A_709 = arith.index_cast %mul3A_641 : i32 to index
          %get3A_710 = tpu.vector_load %arg15[%get3A_708, %get3A_709] {strides = array<i32>} : memref<16x768xf32, #tpu.memory_space<vmem>>, vector<16xf32>,
          %get3A_711 = arith.index_cast %scan3A_621 : i32 to index
          %get3A_712 = arith.index_cast %mul3A_647 : i32 to index
          %get3A_713 = tpu.vector_load %arg15[%get3A_711, %get3A_712] {strides = array<i32>} : memref<16x768xf32, #tpu.memory_space<vmem>>, vector<16xf32>,
          %get3A_714 = arith.index_cast %scan3A_621 : i32 to index
          %get3A_715 = arith.index_cast %mul3A_653 : i32 to index
          %get3A_716 = tpu.vector_load %arg15[%get3A_714, %get3A_715] {strides = array<i32>} : memref<16x768xf32, #tpu.memory_space<vmem>>, vector<16xf32>,
          %get3A_717 = arith.index_cast %scan3A_621 : i32 to index
          %get3A_718 = arith.index_cast %mul3A_659 : i32 to index
          %get3A_719 = tpu.vector_load %arg15[%get3A_717, %get3A_718] {strides = array<i32>} : memref<16x768xf32, #tpu.memory_space<vmem>>, vector<16xf32>,
          %get3A_720 = arith.index_cast %scan3A_621 : i32 to index
          %get3A_721 = arith.index_cast %mul3A_665 : i32 to index
          %get3A_722 = tpu.vector_load %arg15[%get3A_720, %get3A_721] {strides = array<i32>} : memref<16x768xf32, #tpu.memory_space<vmem>>, vector<16xf32>,
          %get3A_723 = arith.index_cast %scan3A_621 : i32 to index
          %get3A_724 = arith.index_cast %mul3A_671 : i32 to index
          %get3A_725 = tpu.vector_load %arg15[%get3A_723, %get3A_724] {strides = array<i32>} : memref<16x768xf32, #tpu.memory_space<vmem>>, vector<16xf32>,
          %get3A_726 = arith.index_cast %scan3A_621 : i32 to index
          %get3A_727 = arith.index_cast %mul3A_677 : i32 to index
          %get3A_728 = tpu.vector_load %arg15[%get3A_726, %get3A_727] {strides = array<i32>} : memref<16x768xf32, #tpu.memory_space<vmem>>, vector<16xf32>,
          %get3A_729 = arith.index_cast %scan3A_621 : i32 to index
          %get3A_730 = arith.index_cast %mul3A_683 : i32 to index
          %get3A_731 = tpu.vector_load %arg15[%get3A_729, %get3A_730] {strides = array<i32>} : memref<16x768xf32, #tpu.memory_space<vmem>>, vector<16xf32>,
          %add3A_732 = arith.addf %get3A_686, %get3A_710 : vector<16xf32>
          %add3A_733 = arith.addf %get3A_689, %get3A_713 : vector<16xf32>
          %add3A_734 = arith.addf %get3A_692, %get3A_716 : vector<16xf32>
          %add3A_735 = arith.addf %get3A_695, %get3A_719 : vector<16xf32>
          %add3A_736 = arith.addf %get3A_698, %get3A_722 : vector<16xf32>
          %add3A_737 = arith.addf %get3A_701, %get3A_725 : vector<16xf32>
          %add3A_738 = arith.addf %get3A_704, %get3A_728 : vector<16xf32>
          %add3A_739 = arith.addf %get3A_707, %get3A_731 : vector<16xf32>
          %swap3A_740 = arith.index_cast %scan3A_621 : i32 to index
          %swap3A_741 = arith.index_cast %mul3A_641 : i32 to index
          %swap3A_742 = tpu.vector_load %arg19[%swap3A_740, %swap3A_741] {strides = array<i32>} : memref<16x768xf32, #tpu.memory_space<vmem>>, vector<16xf32>,
          tpu.vector_store %arg19[%swap3A_740, %swap3A_741], %add3A_732 {strides = array<i32>} : memref<16x768xf32, #tpu.memory_space<vmem>>, vector<16xf32>,
          %swap3A_743 = arith.index_cast %scan3A_621 : i32 to index
          %swap3A_744 = arith.index_cast %mul3A_647 : i32 to index
          %swap3A_745 = tpu.vector_load %arg19[%swap3A_743, %swap3A_744] {strides = array<i32>} : memref<16x768xf32, #tpu.memory_space<vmem>>, vector<16xf32>,
          tpu.vector_store %arg19[%swap3A_743, %swap3A_744], %add3A_733 {strides = array<i32>} : memref<16x768xf32, #tpu.memory_space<vmem>>, vector<16xf32>,
          %swap3A_746 = arith.index_cast %scan3A_621 : i32 to index
          %swap3A_747 = arith.index_cast %mul3A_653 : i32 to index
          %swap3A_748 = tpu.vector_load %arg19[%swap3A_746, %swap3A_747] {strides = array<i32>} : memref<16x768xf32, #tpu.memory_space<vmem>>, vector<16xf32>,
          tpu.vector_store %arg19[%swap3A_746, %swap3A_747], %add3A_734 {strides = array<i32>} : memref<16x768xf32, #tpu.memory_space<vmem>>, vector<16xf32>,
          %swap3A_749 = arith.index_cast %scan3A_621 : i32 to index
          %swap3A_750 = arith.index_cast %mul3A_659 : i32 to index
          %swap3A_751 = tpu.vector_load %arg19[%swap3A_749, %swap3A_750] {strides = array<i32>} : memref<16x768xf32, #tpu.memory_space<vmem>>, vector<16xf32>,
          tpu.vector_store %arg19[%swap3A_749, %swap3A_750], %add3A_735 {strides = array<i32>} : memref<16x768xf32, #tpu.memory_space<vmem>>, vector<16xf32>,
          %swap3A_752 = arith.index_cast %scan3A_621 : i32 to index
          %swap3A_753 = arith.index_cast %mul3A_665 : i32 to index
          %swap3A_754 = tpu.vector_load %arg19[%swap3A_752, %swap3A_753] {strides = array<i32>} : memref<16x768xf32, #tpu.memory_space<vmem>>, vector<16xf32>,
          tpu.vector_store %arg19[%swap3A_752, %swap3A_753], %add3A_736 {strides = array<i32>} : memref<16x768xf32, #tpu.memory_space<vmem>>, vector<16xf32>,
          %swap3A_755 = arith.index_cast %scan3A_621 : i32 to index
          %swap3A_756 = arith.index_cast %mul3A_671 : i32 to index
          %swap3A_757 = tpu.vector_load %arg19[%swap3A_755, %swap3A_756] {strides = array<i32>} : memref<16x768xf32, #tpu.memory_space<vmem>>, vector<16xf32>,
          tpu.vector_store %arg19[%swap3A_755, %swap3A_756], %add3A_737 {strides = array<i32>} : memref<16x768xf32, #tpu.memory_space<vmem>>, vector<16xf32>,
          %swap3A_758 = arith.index_cast %scan3A_621 : i32 to index
          %swap3A_759 = arith.index_cast %mul3A_677 : i32 to index
          %swap3A_760 = tpu.vector_load %arg19[%swap3A_758, %swap3A_759] {strides = array<i32>} : memref<16x768xf32, #tpu.memory_space<vmem>>, vector<16xf32>,
          tpu.vector_store %arg19[%swap3A_758, %swap3A_759], %add3A_738 {strides = array<i32>} : memref<16x768xf32, #tpu.memory_space<vmem>>, vector<16xf32>,
          %swap3A_761 = arith.index_cast %scan3A_621 : i32 to index
          %swap3A_762 = arith.index_cast %mul3A_683 : i32 to index
          %swap3A_763 = tpu.vector_load %arg19[%swap3A_761, %swap3A_762] {strides = array<i32>} : memref<16x768xf32, #tpu.memory_space<vmem>>, vector<16xf32>,
          tpu.vector_store %arg19[%swap3A_761, %swap3A_762], %add3A_739 {strides = array<i32>} : memref<16x768xf32, #tpu.memory_space<vmem>>, vector<16xf32>,
          %mul3A_764 = arith.mulf %add3A_732, %add3A_732 : vector<16xf32>
          %mul3A_765 = arith.mulf %add3A_733, %add3A_733 : vector<16xf32>
          %mul3A_766 = arith.mulf %add3A_734, %add3A_734 : vector<16xf32>
          %mul3A_767 = arith.mulf %add3A_735, %add3A_735 : vector<16xf32>
          %mul3A_768 = arith.mulf %add3A_736, %add3A_736 : vector<16xf32>
          %mul3A_769 = arith.mulf %add3A_737, %add3A_737 : vector<16xf32>
          %mul3A_770 = arith.mulf %add3A_738, %add3A_738 : vector<16xf32>
          %mul3A_771 = arith.mulf %add3A_739, %add3A_739 : vector<16xf32>
          %add3A_772 = arith.addf %add3A_732, %add3A_733 : vector<16xf32>
          %add3A_773 = arith.addf %add3A_734, %add3A_735 : vector<16xf32>
          %add3A_774 = arith.addf %add3A_772, %add3A_773 : vector<16xf32>
          %add3A_775 = arith.addf %add3A_736, %add3A_737 : vector<16xf32>
          %add3A_776 = arith.addf %add3A_738, %add3A_739 : vector<16xf32>
          %add3A_777 = arith.addf %add3A_775, %add3A_776 : vector<16xf32>
          %add3A_778 = arith.addf %add3A_774, %add3A_777 : vector<16xf32>
          %add3A_779 = arith.addf %scan3A_634, %add3A_778 : vector<16xf32>
          %add3A_780 = arith.addf %mul3A_764, %mul3A_765 : vector<16xf32>
          %add3A_781 = arith.addf %mul3A_766, %mul3A_767 : vector<16xf32>
          %add3A_782 = arith.addf %add3A_780, %add3A_781 : vector<16xf32>
          %add3A_783 = arith.addf %mul3A_768, %mul3A_769 : vector<16xf32>
          %add3A_784 = arith.addf %mul3A_770, %mul3A_771 : vector<16xf32>
          %add3A_785 = arith.addf %add3A_783, %add3A_784 : vector<16xf32>
          %add3A_786 = arith.addf %add3A_782, %add3A_785 : vector<16xf32>
          %add3A_787 = arith.addf %scan3A_635, %add3A_786 : vector<16xf32>
          scf.yield %add3A_779, %add3A_787 : vector<16xf32>, vector<16xf32>
        }
        %scan3A_627 = arith.constant 6 : i32
        %swap3A = arith.index_cast %scan3A_621 : i32 to index
        %swap3A_628 = arith.constant 0 : index
        %swap3A_629 = tpu.vector_load %arg20[%swap3A, %swap3A_628] {strides = array<i32>} : memref<16x17xf32, #tpu.memory_space<vmem>>, vector<16xf32>,
        tpu.vector_store %arg20[%swap3A, %swap3A_628], %scan3A_626#0 {strides = array<i32>} : memref<16x17xf32, #tpu.memory_space<vmem>>, vector<16xf32>,
        %swap3A_630 = arith.index_cast %scan3A_621 : i32 to index
        %swap3A_631 = arith.constant 0 : index
        %swap3A_632 = tpu.vector_load %arg21[%swap3A_630, %swap3A_631] {strides = array<i32>} : memref<16x17xf32, #tpu.memory_space<vmem>>, vector<16xf32>,
        tpu.vector_store %arg21[%swap3A_630, %swap3A_631], %scan3A_626#1 {strides = array<i32>} : memref<16x17xf32, #tpu.memory_space<vmem>>, vector<16xf32>,
      }
      %scan3A_56 = arith.constant 16 : i32
      %broadcast_in_dim3A_57 = arith.constant 0 : i32
      %broadcast_in_dim3A_58 = vector.broadcast %broadcast_in_dim3A_57 : i32 to vector<16xi32>
      %gather3A = tpu.vector_load_idx %arg20[%iota3A, %broadcast_in_dim3A_58] : memref<16x17xf32, #tpu.memory_space<vmem>>[vector<16xi32>, vector<16xi32>], vector<16xf32>,
      %add3A_59 = arith.addf %broadcast_in_dim3A_50, %gather3A : vector<16xf32>
      %gather3A_60 = tpu.vector_load_idx %arg21[%iota3A, %broadcast_in_dim3A_58] : memref<16x17xf32, #tpu.memory_space<vmem>>[vector<16xi32>, vector<16xi32>], vector<16xf32>,
      %add3A_61 = arith.addf %broadcast_in_dim3A_50, %gather3A_60 : vector<16xf32>
      %broadcast_in_dim3A_62 = arith.constant 1 : i32
      %broadcast_in_dim3A_63 = vector.broadcast %broadcast_in_dim3A_62 : i32 to vector<16xi32>
      %gather3A_64 = tpu.vector_load_idx %arg20[%iota3A, %broadcast_in_dim3A_63] : memref<16x17xf32, #tpu.memory_space<vmem>>[vector<16xi32>, vector<16xi32>], vector<16xf32>,
      %add3A_65 = arith.addf %add3A_59, %gather3A_64 : vector<16xf32>
      %gather3A_66 = tpu.vector_load_idx %arg21[%iota3A, %broadcast_in_dim3A_63] : memref<16x17xf32, #tpu.memory_space<vmem>>[vector<16xi32>, vector<16xi32>], vector<16xf32>,
      %add3A_67 = arith.addf %add3A_61, %gather3A_66 : vector<16xf32>
      %broadcast_in_dim3A_68 = arith.constant 2 : i32
      %broadcast_in_dim3A_69 = vector.broadcast %broadcast_in_dim3A_68 : i32 to vector<16xi32>
      %gather3A_70 = tpu.vector_load_idx %arg20[%iota3A, %broadcast_in_dim3A_69] : memref<16x17xf32, #tpu.memory_space<vmem>>[vector<16xi32>, vector<16xi32>], vector<16xf32>,
      %add3A_71 = arith.addf %add3A_65, %gather3A_70 : vector<16xf32>
      %gather3A_72 = tpu.vector_load_idx %arg21[%iota3A, %broadcast_in_dim3A_69] : memref<16x17xf32, #tpu.memory_space<vmem>>[vector<16xi32>, vector<16xi32>], vector<16xf32>,
      %add3A_73 = arith.addf %add3A_67, %gather3A_72 : vector<16xf32>
      %broadcast_in_dim3A_74 = arith.constant 3 : i32
      %broadcast_in_dim3A_75 = vector.broadcast %broadcast_in_dim3A_74 : i32 to vector<16xi32>
      %gather3A_76 = tpu.vector_load_idx %arg20[%iota3A, %broadcast_in_dim3A_75] : memref<16x17xf32, #tpu.memory_space<vmem>>[vector<16xi32>, vector<16xi32>], vector<16xf32>,
      %add3A_77 = arith.addf %add3A_71, %gather3A_76 : vector<16xf32>
      %gather3A_78 = tpu.vector_load_idx %arg21[%iota3A, %broadcast_in_dim3A_75] : memref<16x17xf32, #tpu.memory_space<vmem>>[vector<16xi32>, vector<16xi32>], vector<16xf32>,
      %add3A_79 = arith.addf %add3A_73, %gather3A_78 : vector<16xf32>
      %broadcast_in_dim3A_80 = arith.constant 4 : i32
      %broadcast_in_dim3A_81 = vector.broadcast %broadcast_in_dim3A_80 : i32 to vector<16xi32>
      %gather3A_82 = tpu.vector_load_idx %arg20[%iota3A, %broadcast_in_dim3A_81] : memref<16x17xf32, #tpu.memory_space<vmem>>[vector<16xi32>, vector<16xi32>], vector<16xf32>,
      %add3A_83 = arith.addf %add3A_77, %gather3A_82 : vector<16xf32>
      %gather3A_84 = tpu.vector_load_idx %arg21[%iota3A, %broadcast_in_dim3A_81] : memref<16x17xf32, #tpu.memory_space<vmem>>[vector<16xi32>, vector<16xi32>], vector<16xf32>,
      %add3A_85 = arith.addf %add3A_79, %gather3A_84 : vector<16xf32>
      %broadcast_in_dim3A_86 = arith.constant 5 : i32
      %broadcast_in_dim3A_87 = vector.broadcast %broadcast_in_dim3A_86 : i32 to vector<16xi32>
      %gather3A_88 = tpu.vector_load_idx %arg20[%iota3A, %broadcast_in_dim3A_87] : memref<16x17xf32, #tpu.memory_space<vmem>>[vector<16xi32>, vector<16xi32>], vector<16xf32>,
      %add3A_89 = arith.addf %add3A_83, %gather3A_88 : vector<16xf32>
      %gather3A_90 = tpu.vector_load_idx %arg21[%iota3A, %broadcast_in_dim3A_87] : memref<16x17xf32, #tpu.memory_space<vmem>>[vector<16xi32>, vector<16xi32>], vector<16xf32>,
      %add3A_91 = arith.addf %add3A_85, %gather3A_90 : vector<16xf32>
      %broadcast_in_dim3A_92 = arith.constant 6 : i32
      %broadcast_in_dim3A_93 = vector.broadcast %broadcast_in_dim3A_92 : i32 to vector<16xi32>
      %gather3A_94 = tpu.vector_load_idx %arg20[%iota3A, %broadcast_in_dim3A_93] : memref<16x17xf32, #tpu.memory_space<vmem>>[vector<16xi32>, vector<16xi32>], vector<16xf32>,
      %add3A_95 = arith.addf %add3A_89, %gather3A_94 : vector<16xf32>
      %gather3A_96 = tpu.vector_load_idx %arg21[%iota3A, %broadcast_in_dim3A_93] : memref<16x17xf32, #tpu.memory_space<vmem>>[vector<16xi32>, vector<16xi32>], vector<16xf32>,
      %add3A_97 = arith.addf %add3A_91, %gather3A_96 : vector<16xf32>
      %broadcast_in_dim3A_98 = arith.constant 7 : i32
      %broadcast_in_dim3A_99 = vector.broadcast %broadcast_in_dim3A_98 : i32 to vector<16xi32>
      %gather3A_100 = tpu.vector_load_idx %arg20[%iota3A, %broadcast_in_dim3A_99] : memref<16x17xf32, #tpu.memory_space<vmem>>[vector<16xi32>, vector<16xi32>], vector<16xf32>,
      %add3A_101 = arith.addf %add3A_95, %gather3A_100 : vector<16xf32>
      %gather3A_102 = tpu.vector_load_idx %arg21[%iota3A, %broadcast_in_dim3A_99] : memref<16x17xf32, #tpu.memory_space<vmem>>[vector<16xi32>, vector<16xi32>], vector<16xf32>,
      %add3A_103 = arith.addf %add3A_97, %gather3A_102 : vector<16xf32>
      %broadcast_in_dim3A_104 = arith.constant 8 : i32
      %broadcast_in_dim3A_105 = vector.broadcast %broadcast_in_dim3A_104 : i32 to vector<16xi32>
      %gather3A_106 = tpu.vector_load_idx %arg20[%iota3A, %broadcast_in_dim3A_105] : memref<16x17xf32, #tpu.memory_space<vmem>>[vector<16xi32>, vector<16xi32>], vector<16xf32>,
      %add3A_107 = arith.addf %add3A_101, %gather3A_106 : vector<16xf32>
      %gather3A_108 = tpu.vector_load_idx %arg21[%iota3A, %broadcast_in_dim3A_105] : memref<16x17xf32, #tpu.memory_space<vmem>>[vector<16xi32>, vector<16xi32>], vector<16xf32>,
      %add3A_109 = arith.addf %add3A_103, %gather3A_108 : vector<16xf32>
      %broadcast_in_dim3A_110 = arith.constant 9 : i32
      %broadcast_in_dim3A_111 = vector.broadcast %broadcast_in_dim3A_110 : i32 to vector<16xi32>
      %gather3A_112 = tpu.vector_load_idx %arg20[%iota3A, %broadcast_in_dim3A_111] : memref<16x17xf32, #tpu.memory_space<vmem>>[vector<16xi32>, vector<16xi32>], vector<16xf32>,
      %add3A_113 = arith.addf %add3A_107, %gather3A_112 : vector<16xf32>
      %gather3A_114 = tpu.vector_load_idx %arg21[%iota3A, %broadcast_in_dim3A_111] : memref<16x17xf32, #tpu.memory_space<vmem>>[vector<16xi32>, vector<16xi32>], vector<16xf32>,
      %add3A_115 = arith.addf %add3A_109, %gather3A_114 : vector<16xf32>
      %broadcast_in_dim3A_116 = arith.constant 10 : i32
      %broadcast_in_dim3A_117 = vector.broadcast %broadcast_in_dim3A_116 : i32 to vector<16xi32>
      %gather3A_118 = tpu.vector_load_idx %arg20[%iota3A, %broadcast_in_dim3A_117] : memref<16x17xf32, #tpu.memory_space<vmem>>[vector<16xi32>, vector<16xi32>], vector<16xf32>,
      %add3A_119 = arith.addf %add3A_113, %gather3A_118 : vector<16xf32>
      %gather3A_120 = tpu.vector_load_idx %arg21[%iota3A, %broadcast_in_dim3A_117] : memref<16x17xf32, #tpu.memory_space<vmem>>[vector<16xi32>, vector<16xi32>], vector<16xf32>,
      %add3A_121 = arith.addf %add3A_115, %gather3A_120 : vector<16xf32>
      %broadcast_in_dim3A_122 = arith.constant 11 : i32
      %broadcast_in_dim3A_123 = vector.broadcast %broadcast_in_dim3A_122 : i32 to vector<16xi32>
      %gather3A_124 = tpu.vector_load_idx %arg20[%iota3A, %broadcast_in_dim3A_123] : memref<16x17xf32, #tpu.memory_space<vmem>>[vector<16xi32>, vector<16xi32>], vector<16xf32>,
      %add3A_125 = arith.addf %add3A_119, %gather3A_124 : vector<16xf32>
      %gather3A_126 = tpu.vector_load_idx %arg21[%iota3A, %broadcast_in_dim3A_123] : memref<16x17xf32, #tpu.memory_space<vmem>>[vector<16xi32>, vector<16xi32>], vector<16xf32>,
      %add3A_127 = arith.addf %add3A_121, %gather3A_126 : vector<16xf32>
      %broadcast_in_dim3A_128 = arith.constant 12 : i32
      %broadcast_in_dim3A_129 = vector.broadcast %broadcast_in_dim3A_128 : i32 to vector<16xi32>
      %gather3A_130 = tpu.vector_load_idx %arg20[%iota3A, %broadcast_in_dim3A_129] : memref<16x17xf32, #tpu.memory_space<vmem>>[vector<16xi32>, vector<16xi32>], vector<16xf32>,
      %add3A_131 = arith.addf %add3A_125, %gather3A_130 : vector<16xf32>
      %gather3A_132 = tpu.vector_load_idx %arg21[%iota3A, %broadcast_in_dim3A_129] : memref<16x17xf32, #tpu.memory_space<vmem>>[vector<16xi32>, vector<16xi32>], vector<16xf32>,
      %add3A_133 = arith.addf %add3A_127, %gather3A_132 : vector<16xf32>
      %broadcast_in_dim3A_134 = arith.constant 13 : i32
      %broadcast_in_dim3A_135 = vector.broadcast %broadcast_in_dim3A_134 : i32 to vector<16xi32>
      %gather3A_136 = tpu.vector_load_idx %arg20[%iota3A, %broadcast_in_dim3A_135] : memref<16x17xf32, #tpu.memory_space<vmem>>[vector<16xi32>, vector<16xi32>], vector<16xf32>,
      %add3A_137 = arith.addf %add3A_131, %gather3A_136 : vector<16xf32>
      %gather3A_138 = tpu.vector_load_idx %arg21[%iota3A, %broadcast_in_dim3A_135] : memref<16x17xf32, #tpu.memory_space<vmem>>[vector<16xi32>, vector<16xi32>], vector<16xf32>,
      %add3A_139 = arith.addf %add3A_133, %gather3A_138 : vector<16xf32>
      %broadcast_in_dim3A_140 = arith.constant 14 : i32
      %broadcast_in_dim3A_141 = vector.broadcast %broadcast_in_dim3A_140 : i32 to vector<16xi32>
      %gather3A_142 = tpu.vector_load_idx %arg20[%iota3A, %broadcast_in_dim3A_141] : memref<16x17xf32, #tpu.memory_space<vmem>>[vector<16xi32>, vector<16xi32>], vector<16xf32>,
      %add3A_143 = arith.addf %add3A_137, %gather3A_142 : vector<16xf32>
      %gather3A_144 = tpu.vector_load_idx %arg21[%iota3A, %broadcast_in_dim3A_141] : memref<16x17xf32, #tpu.memory_space<vmem>>[vector<16xi32>, vector<16xi32>], vector<16xf32>,
      %add3A_145 = arith.addf %add3A_139, %gather3A_144 : vector<16xf32>
      %broadcast_in_dim3A_146 = arith.constant 15 : i32
      %broadcast_in_dim3A_147 = vector.broadcast %broadcast_in_dim3A_146 : i32 to vector<16xi32>
      %gather3A_148 = tpu.vector_load_idx %arg20[%iota3A, %broadcast_in_dim3A_147] : memref<16x17xf32, #tpu.memory_space<vmem>>[vector<16xi32>, vector<16xi32>], vector<16xf32>,
      %add3A_149 = arith.addf %add3A_143, %gather3A_148 : vector<16xf32>
      %gather3A_150 = tpu.vector_load_idx %arg21[%iota3A, %broadcast_in_dim3A_147] : memref<16x17xf32, #tpu.memory_space<vmem>>[vector<16xi32>, vector<16xi32>], vector<16xf32>,
      %add3A_151 = arith.addf %add3A_145, %gather3A_150 : vector<16xf32>
      %mul3A_152 = arith.constant 0.00130208337 : f32
      %mul3A_153 = vector.broadcast %mul3A_152 : f32 to vector<16xf32>
      %mul3A_154 = arith.mulf %add3A_149, %mul3A_153 : vector<16xf32>
      %mul3A_155 = arith.constant 0.00130208337 : f32
      %mul3A_156 = vector.broadcast %mul3A_155 : f32 to vector<16xf32>
      %mul3A_157 = arith.mulf %add3A_151, %mul3A_156 : vector<16xf32>
      %mul3A_158 = arith.mulf %mul3A_154, %mul3A_154 : vector<16xf32>
      %sub3A = arith.subf %mul3A_157, %mul3A_158 : vector<16xf32>
      %add3A_159 = arith.constant 9.99999996E-13 : f32
      %add3A_160 = vector.broadcast %add3A_159 : f32 to vector<16xf32>
      %add3A_161 = arith.addf %sub3A, %add3A_160 : vector<16xf32>
      %bitcast3A = vector.bitcast %add3A_161 : vector<16xf32> to vector<16xi32>
      %shift_right_logical3A = arith.constant 1 : i32
      %shift_right_logical3A_162 = vector.broadcast %shift_right_logical3A : i32 to vector<16xi32>
      %shift_right_logical3A_163 = arith.shrui %bitcast3A, %shift_right_logical3A_162 : vector<16xi32>
      %sub3A_164 = arith.constant 1597463007 : i32
      %sub3A_165 = vector.broadcast %sub3A_164 : i32 to vector<16xi32>
      %sub3A_166 = arith.subi %sub3A_165, %shift_right_logical3A_163 : vector<16xi32>
      %bitcast3A_167 = vector.bitcast %sub3A_166 : vector<16xi32> to vector<16xf32>
      %mul3A_168 = arith.constant 5.000000e-01 : f32
      %mul3A_169 = vector.broadcast %mul3A_168 : f32 to vector<16xf32>
      %mul3A_170 = arith.mulf %mul3A_169, %add3A_161 : vector<16xf32>
      %mul3A_171 = arith.mulf %mul3A_170, %bitcast3A_167 : vector<16xf32>
      %mul3A_172 = arith.mulf %mul3A_171, %bitcast3A_167 : vector<16xf32>
      %sub3A_173 = arith.constant 1.500000e+00 : f32
      %sub3A_174 = vector.broadcast %sub3A_173 : f32 to vector<16xf32>
      %sub3A_175 = arith.subf %sub3A_174, %mul3A_172 : vector<16xf32>
      %mul3A_176 = arith.mulf %bitcast3A_167, %sub3A_175 : vector<16xf32>
      %mul3A_177 = arith.constant 5.000000e-01 : f32
      %mul3A_178 = vector.broadcast %mul3A_177 : f32 to vector<16xf32>
      %mul3A_179 = arith.mulf %mul3A_178, %add3A_161 : vector<16xf32>
      %mul3A_180 = arith.mulf %mul3A_179, %mul3A_176 : vector<16xf32>
      %mul3A_181 = arith.mulf %mul3A_180, %mul3A_176 : vector<16xf32>
      %sub3A_182 = arith.constant 1.500000e+00 : f32
      %sub3A_183 = vector.broadcast %sub3A_182 : f32 to vector<16xf32>
      %sub3A_184 = arith.subf %sub3A_183, %mul3A_181 : vector<16xf32>
      %mul3A_185 = arith.mulf %mul3A_176, %sub3A_184 : vector<16xf32>
      %mul3A_186 = arith.constant 5.000000e-01 : f32
      %mul3A_187 = vector.broadcast %mul3A_186 : f32 to vector<16xf32>
      %mul3A_188 = arith.mulf %mul3A_187, %add3A_161 : vector<16xf32>
      %mul3A_189 = arith.mulf %mul3A_188, %mul3A_185 : vector<16xf32>
      %mul3A_190 = arith.mulf %mul3A_189, %mul3A_185 : vector<16xf32>
      %sub3A_191 = arith.constant 1.500000e+00 : f32
      %sub3A_192 = vector.broadcast %sub3A_191 : f32 to vector<16xf32>
      %sub3A_193 = arith.subf %sub3A_192, %mul3A_190 : vector<16xf32>
      %mul3A_194 = arith.mulf %mul3A_185, %sub3A_193 : vector<16xf32>
      %mul3A_195 = arith.constant 5.000000e-01 : f32
      %mul3A_196 = vector.broadcast %mul3A_195 : f32 to vector<16xf32>
      %mul3A_197 = arith.mulf %mul3A_196, %add3A_161 : vector<16xf32>
      %mul3A_198 = arith.mulf %mul3A_197, %mul3A_194 : vector<16xf32>
      %mul3A_199 = arith.mulf %mul3A_198, %mul3A_194 : vector<16xf32>
      %sub3A_200 = arith.constant 1.500000e+00 : f32
      %sub3A_201 = vector.broadcast %sub3A_200 : f32 to vector<16xf32>
      %sub3A_202 = arith.subf %sub3A_201, %mul3A_199 : vector<16xf32>
      %mul3A_203 = arith.mulf %mul3A_194, %sub3A_202 : vector<16xf32>
      %mul3A_204 = arith.mulf %mul3A_154, %mul3A_203 : vector<16xf32>
      %ge3A = arith.constant 2 : i32
      %ge3A_205 = arith.cmpi sge, %add3A_37, %ge3A : i32
      %convert_element_type3A_206 = arith.extui %ge3A_205 : i1 to i32
      %cond3A_207 = arith.constant 0 : i32
      %cond3A_208 = arith.cmpi ne, %convert_element_type3A_206, %cond3A_207 : i32
      scf.if %cond3A_208 {
        %dma_wait3A_621 = arith.constant 0 : i32
        %dma_wait3A_622 = arith.constant 0 : i32
        %dma_wait3A_623 = arith.constant 0 : i32
        %dma_wait3A_624 = tpu.memref_slice %arg8[%dma_wait3A_621, %dma_wait3A_622, %dma_wait3A_623] : memref<1024x512x768xf32, #tpu.memory_space<hbm>> -> memref<1x16x768xf32, #tpu.memory_space<hbm>>
        %dma_wait3A_625 = tpu.memref_squeeze %dma_wait3A_624 : memref<1x16x768xf32, #tpu.memory_space<hbm>> -> memref<16x768xf32, #tpu.memory_space<hbm>>
        %dma_wait3A_626 = arith.constant 0 : i32
        %dma_wait3A_627 = arith.constant 0 : i32
        %dma_wait3A_628 = tpu.memref_slice %arg8[%dma_wait3A_621, %dma_wait3A_626, %dma_wait3A_627] : memref<1024x512x768xf32, #tpu.memory_space<hbm>> -> memref<1x16x768xf32, #tpu.memory_space<hbm>>
        %dma_wait3A_629 = tpu.memref_squeeze %dma_wait3A_628 : memref<1x16x768xf32, #tpu.memory_space<hbm>> -> memref<16x768xf32, #tpu.memory_space<hbm>>
        tpu.wait_dma2 semaphore(%arg26 : memref<!tpu.dma_semaphore, #tpu.memory_space<semaphore_mem>>) src(%arg17 : memref<16x768xf32, #tpu.memory_space<vmem>>) dst(%dma_wait3A_629 : memref<16x768xf32, #tpu.memory_space<hbm>>)
      } else {
      }
      %slice3A = vector.extract_strided_slice %mul3A_203 {offsets = [0], sizes = [1], strides = [1]} : vector<16xf32> to vector<1xf32>
      %squeeze3A = vector.extract %slice3A[0] : f32 from vector<1xf32>
      %broadcast_in_dim3A_209 = vector.broadcast %squeeze3A : f32 to vector<16xf32>
      %slice3A_210 = vector.extract_strided_slice %mul3A_203 {offsets = [1], sizes = [1], strides = [1]} : vector<16xf32> to vector<1xf32>
      %squeeze3A_211 = vector.extract %slice3A_210[0] : f32 from vector<1xf32>
      %broadcast_in_dim3A_212 = vector.broadcast %squeeze3A_211 : f32 to vector<16xf32>
      %slice3A_213 = vector.extract_strided_slice %mul3A_203 {offsets = [2], sizes = [1], strides = [1]} : vector<16xf32> to vector<1xf32>
      %squeeze3A_214 = vector.extract %slice3A_213[0] : f32 from vector<1xf32>
      %broadcast_in_dim3A_215 = vector.broadcast %squeeze3A_214 : f32 to vector<16xf32>
      %slice3A_216 = vector.extract_strided_slice %mul3A_203 {offsets = [3], sizes = [1], strides = [1]} : vector<16xf32> to vector<1xf32>
      %squeeze3A_217 = vector.extract %slice3A_216[0] : f32 from vector<1xf32>
      %broadcast_in_dim3A_218 = vector.broadcast %squeeze3A_217 : f32 to vector<16xf32>
      %slice3A_219 = vector.extract_strided_slice %mul3A_203 {offsets = [4], sizes = [1], strides = [1]} : vector<16xf32> to vector<1xf32>
      %squeeze3A_220 = vector.extract %slice3A_219[0] : f32 from vector<1xf32>
      %broadcast_in_dim3A_221 = vector.broadcast %squeeze3A_220 : f32 to vector<16xf32>
      %slice3A_222 = vector.extract_strided_slice %mul3A_203 {offsets = [5], sizes = [1], strides = [1]} : vector<16xf32> to vector<1xf32>
      %squeeze3A_223 = vector.extract %slice3A_222[0] : f32 from vector<1xf32>
      %broadcast_in_dim3A_224 = vector.broadcast %squeeze3A_223 : f32 to vector<16xf32>
      %slice3A_225 = vector.extract_strided_slice %mul3A_203 {offsets = [6], sizes = [1], strides = [1]} : vector<16xf32> to vector<1xf32>
      %squeeze3A_226 = vector.extract %slice3A_225[0] : f32 from vector<1xf32>
      %broadcast_in_dim3A_227 = vector.broadcast %squeeze3A_226 : f32 to vector<16xf32>
      %slice3A_228 = vector.extract_strided_slice %mul3A_203 {offsets = [7], sizes = [1], strides = [1]} : vector<16xf32> to vector<1xf32>
      %squeeze3A_229 = vector.extract %slice3A_228[0] : f32 from vector<1xf32>
      %broadcast_in_dim3A_230 = vector.broadcast %squeeze3A_229 : f32 to vector<16xf32>
      %slice3A_231 = vector.extract_strided_slice %mul3A_203 {offsets = [8], sizes = [1], strides = [1]} : vector<16xf32> to vector<1xf32>
      %squeeze3A_232 = vector.extract %slice3A_231[0] : f32 from vector<1xf32>
      %broadcast_in_dim3A_233 = vector.broadcast %squeeze3A_232 : f32 to vector<16xf32>
      %slice3A_234 = vector.extract_strided_slice %mul3A_203 {offsets = [9], sizes = [1], strides = [1]} : vector<16xf32> to vector<1xf32>
      %squeeze3A_235 = vector.extract %slice3A_234[0] : f32 from vector<1xf32>
      %broadcast_in_dim3A_236 = vector.broadcast %squeeze3A_235 : f32 to vector<16xf32>
      %slice3A_237 = vector.extract_strided_slice %mul3A_203 {offsets = [10], sizes = [1], strides = [1]} : vector<16xf32> to vector<1xf32>
      %squeeze3A_238 = vector.extract %slice3A_237[0] : f32 from vector<1xf32>
      %broadcast_in_dim3A_239 = vector.broadcast %squeeze3A_238 : f32 to vector<16xf32>
      %slice3A_240 = vector.extract_strided_slice %mul3A_203 {offsets = [11], sizes = [1], strides = [1]} : vector<16xf32> to vector<1xf32>
      %squeeze3A_241 = vector.extract %slice3A_240[0] : f32 from vector<1xf32>
      %broadcast_in_dim3A_242 = vector.broadcast %squeeze3A_241 : f32 to vector<16xf32>
      %slice3A_243 = vector.extract_strided_slice %mul3A_203 {offsets = [12], sizes = [1], strides = [1]} : vector<16xf32> to vector<1xf32>
      %squeeze3A_244 = vector.extract %slice3A_243[0] : f32 from vector<1xf32>
      %broadcast_in_dim3A_245 = vector.broadcast %squeeze3A_244 : f32 to vector<16xf32>
      %slice3A_246 = vector.extract_strided_slice %mul3A_203 {offsets = [13], sizes = [1], strides = [1]} : vector<16xf32> to vector<1xf32>
      %squeeze3A_247 = vector.extract %slice3A_246[0] : f32 from vector<1xf32>
      %broadcast_in_dim3A_248 = vector.broadcast %squeeze3A_247 : f32 to vector<16xf32>
      %slice3A_249 = vector.extract_strided_slice %mul3A_203 {offsets = [14], sizes = [1], strides = [1]} : vector<16xf32> to vector<1xf32>
      %squeeze3A_250 = vector.extract %slice3A_249[0] : f32 from vector<1xf32>
      %broadcast_in_dim3A_251 = vector.broadcast %squeeze3A_250 : f32 to vector<16xf32>
      %slice3A_252 = vector.extract_strided_slice %mul3A_203 {offsets = [15], sizes = [1], strides = [1]} : vector<16xf32> to vector<1xf32>
      %squeeze3A_253 = vector.extract %slice3A_252[0] : f32 from vector<1xf32>
      %broadcast_in_dim3A_254 = vector.broadcast %squeeze3A_253 : f32 to vector<16xf32>
      %slice3A_255 = vector.extract_strided_slice %mul3A_204 {offsets = [0], sizes = [1], strides = [1]} : vector<16xf32> to vector<1xf32>
      %squeeze3A_256 = vector.extract %slice3A_255[0] : f32 from vector<1xf32>
      %broadcast_in_dim3A_257 = vector.broadcast %squeeze3A_256 : f32 to vector<16xf32>
      %slice3A_258 = vector.extract_strided_slice %mul3A_204 {offsets = [1], sizes = [1], strides = [1]} : vector<16xf32> to vector<1xf32>
      %squeeze3A_259 = vector.extract %slice3A_258[0] : f32 from vector<1xf32>
      %broadcast_in_dim3A_260 = vector.broadcast %squeeze3A_259 : f32 to vector<16xf32>
      %slice3A_261 = vector.extract_strided_slice %mul3A_204 {offsets = [2], sizes = [1], strides = [1]} : vector<16xf32> to vector<1xf32>
      %squeeze3A_262 = vector.extract %slice3A_261[0] : f32 from vector<1xf32>
      %broadcast_in_dim3A_263 = vector.broadcast %squeeze3A_262 : f32 to vector<16xf32>
      %slice3A_264 = vector.extract_strided_slice %mul3A_204 {offsets = [3], sizes = [1], strides = [1]} : vector<16xf32> to vector<1xf32>
      %squeeze3A_265 = vector.extract %slice3A_264[0] : f32 from vector<1xf32>
      %broadcast_in_dim3A_266 = vector.broadcast %squeeze3A_265 : f32 to vector<16xf32>
      %slice3A_267 = vector.extract_strided_slice %mul3A_204 {offsets = [4], sizes = [1], strides = [1]} : vector<16xf32> to vector<1xf32>
      %squeeze3A_268 = vector.extract %slice3A_267[0] : f32 from vector<1xf32>
      %broadcast_in_dim3A_269 = vector.broadcast %squeeze3A_268 : f32 to vector<16xf32>
      %slice3A_270 = vector.extract_strided_slice %mul3A_204 {offsets = [5], sizes = [1], strides = [1]} : vector<16xf32> to vector<1xf32>
      %squeeze3A_271 = vector.extract %slice3A_270[0] : f32 from vector<1xf32>
      %broadcast_in_dim3A_272 = vector.broadcast %squeeze3A_271 : f32 to vector<16xf32>
      %slice3A_273 = vector.extract_strided_slice %mul3A_204 {offsets = [6], sizes = [1], strides = [1]} : vector<16xf32> to vector<1xf32>
      %squeeze3A_274 = vector.extract %slice3A_273[0] : f32 from vector<1xf32>
      %broadcast_in_dim3A_275 = vector.broadcast %squeeze3A_274 : f32 to vector<16xf32>
      %slice3A_276 = vector.extract_strided_slice %mul3A_204 {offsets = [7], sizes = [1], strides = [1]} : vector<16xf32> to vector<1xf32>
      %squeeze3A_277 = vector.extract %slice3A_276[0] : f32 from vector<1xf32>
      %broadcast_in_dim3A_278 = vector.broadcast %squeeze3A_277 : f32 to vector<16xf32>
      %slice3A_279 = vector.extract_strided_slice %mul3A_204 {offsets = [8], sizes = [1], strides = [1]} : vector<16xf32> to vector<1xf32>
      %squeeze3A_280 = vector.extract %slice3A_279[0] : f32 from vector<1xf32>
      %broadcast_in_dim3A_281 = vector.broadcast %squeeze3A_280 : f32 to vector<16xf32>
      %slice3A_282 = vector.extract_strided_slice %mul3A_204 {offsets = [9], sizes = [1], strides = [1]} : vector<16xf32> to vector<1xf32>
      %squeeze3A_283 = vector.extract %slice3A_282[0] : f32 from vector<1xf32>
      %broadcast_in_dim3A_284 = vector.broadcast %squeeze3A_283 : f32 to vector<16xf32>
      %slice3A_285 = vector.extract_strided_slice %mul3A_204 {offsets = [10], sizes = [1], strides = [1]} : vector<16xf32> to vector<1xf32>
      %squeeze3A_286 = vector.extract %slice3A_285[0] : f32 from vector<1xf32>
      %broadcast_in_dim3A_287 = vector.broadcast %squeeze3A_286 : f32 to vector<16xf32>
      %slice3A_288 = vector.extract_strided_slice %mul3A_204 {offsets = [11], sizes = [1], strides = [1]} : vector<16xf32> to vector<1xf32>
      %squeeze3A_289 = vector.extract %slice3A_288[0] : f32 from vector<1xf32>
      %broadcast_in_dim3A_290 = vector.broadcast %squeeze3A_289 : f32 to vector<16xf32>
      %slice3A_291 = vector.extract_strided_slice %mul3A_204 {offsets = [12], sizes = [1], strides = [1]} : vector<16xf32> to vector<1xf32>
      %squeeze3A_292 = vector.extract %slice3A_291[0] : f32 from vector<1xf32>
      %broadcast_in_dim3A_293 = vector.broadcast %squeeze3A_292 : f32 to vector<16xf32>
      %slice3A_294 = vector.extract_strided_slice %mul3A_204 {offsets = [13], sizes = [1], strides = [1]} : vector<16xf32> to vector<1xf32>
      %squeeze3A_295 = vector.extract %slice3A_294[0] : f32 from vector<1xf32>
      %broadcast_in_dim3A_296 = vector.broadcast %squeeze3A_295 : f32 to vector<16xf32>
      %slice3A_297 = vector.extract_strided_slice %mul3A_204 {offsets = [14], sizes = [1], strides = [1]} : vector<16xf32> to vector<1xf32>
      %squeeze3A_298 = vector.extract %slice3A_297[0] : f32 from vector<1xf32>
      %broadcast_in_dim3A_299 = vector.broadcast %squeeze3A_298 : f32 to vector<16xf32>
      %slice3A_300 = vector.extract_strided_slice %mul3A_204 {offsets = [15], sizes = [1], strides = [1]} : vector<16xf32> to vector<1xf32>
      %squeeze3A_301 = vector.extract %slice3A_300[0] : f32 from vector<1xf32>
      %broadcast_in_dim3A_302 = vector.broadcast %squeeze3A_301 : f32 to vector<16xf32>
      %scan3A_303 = arith.constant 0 : i32
      %scan3A_304 = arith.constant 0 : i32
      %scan3A_305 = arith.constant 48 : i32
      %scan3A_306 = arith.addi %scan3A_304, %scan3A_305 : i32
      %scan3A_307 = arith.constant 1 : i32
      scf.for %scan3A_621 = %scan3A_304 to %scan3A_306 step %scan3A_307  : i32 {
        %mul3A_622 = arith.constant 16 : i32
        %mul3A_623 = arith.muli %scan3A_621, %mul3A_622 : i32
        %get3A_624 = arith.index_cast %mul3A_623 : i32 to index
        %get3A_625 = tpu.vector_load %arg11[%get3A_624] {strides = array<i32>} : memref<768xf32, #tpu.memory_space<vmem>>, vector<16xf32>,
        %get3A_626 = arith.index_cast %mul3A_623 : i32 to index
        %get3A_627 = tpu.vector_load %arg12[%get3A_626] {strides = array<i32>} : memref<768xf32, #tpu.memory_space<vmem>>, vector<16xf32>,
        %get3A_628 = arith.constant 0 : i32
        %get3A_629 = arith.index_cast %get3A_628 : i32 to index
        %get3A_630 = arith.index_cast %mul3A_623 : i32 to index
        %get3A_631 = tpu.vector_load %arg19[%get3A_629, %get3A_630] {strides = array<i32>} : memref<16x768xf32, #tpu.memory_space<vmem>>, vector<16xf32>,
        %get3A_632 = arith.constant 1 : i32
        %get3A_633 = arith.index_cast %get3A_632 : i32 to index
        %get3A_634 = arith.index_cast %mul3A_623 : i32 to index
        %get3A_635 = tpu.vector_load %arg19[%get3A_633, %get3A_634] {strides = array<i32>} : memref<16x768xf32, #tpu.memory_space<vmem>>, vector<16xf32>,
        %get3A_636 = arith.constant 2 : i32
        %get3A_637 = arith.index_cast %get3A_636 : i32 to index
        %get3A_638 = arith.index_cast %mul3A_623 : i32 to index
        %get3A_639 = tpu.vector_load %arg19[%get3A_637, %get3A_638] {strides = array<i32>} : memref<16x768xf32, #tpu.memory_space<vmem>>, vector<16xf32>,
        %get3A_640 = arith.constant 3 : i32
        %get3A_641 = arith.index_cast %get3A_640 : i32 to index
        %get3A_642 = arith.index_cast %mul3A_623 : i32 to index
        %get3A_643 = tpu.vector_load %arg19[%get3A_641, %get3A_642] {strides = array<i32>} : memref<16x768xf32, #tpu.memory_space<vmem>>, vector<16xf32>,
        %get3A_644 = arith.constant 4 : i32
        %get3A_645 = arith.index_cast %get3A_644 : i32 to index
        %get3A_646 = arith.index_cast %mul3A_623 : i32 to index
        %get3A_647 = tpu.vector_load %arg19[%get3A_645, %get3A_646] {strides = array<i32>} : memref<16x768xf32, #tpu.memory_space<vmem>>, vector<16xf32>,
        %get3A_648 = arith.constant 5 : i32
        %get3A_649 = arith.index_cast %get3A_648 : i32 to index
        %get3A_650 = arith.index_cast %mul3A_623 : i32 to index
        %get3A_651 = tpu.vector_load %arg19[%get3A_649, %get3A_650] {strides = array<i32>} : memref<16x768xf32, #tpu.memory_space<vmem>>, vector<16xf32>,
        %get3A_652 = arith.constant 6 : i32
        %get3A_653 = arith.index_cast %get3A_652 : i32 to index
        %get3A_654 = arith.index_cast %mul3A_623 : i32 to index
        %get3A_655 = tpu.vector_load %arg19[%get3A_653, %get3A_654] {strides = array<i32>} : memref<16x768xf32, #tpu.memory_space<vmem>>, vector<16xf32>,
        %get3A_656 = arith.constant 7 : i32
        %get3A_657 = arith.index_cast %get3A_656 : i32 to index
        %get3A_658 = arith.index_cast %mul3A_623 : i32 to index
        %get3A_659 = tpu.vector_load %arg19[%get3A_657, %get3A_658] {strides = array<i32>} : memref<16x768xf32, #tpu.memory_space<vmem>>, vector<16xf32>,
        %get3A_660 = arith.constant 8 : i32
        %get3A_661 = arith.index_cast %get3A_660 : i32 to index
        %get3A_662 = arith.index_cast %mul3A_623 : i32 to index
        %get3A_663 = tpu.vector_load %arg19[%get3A_661, %get3A_662] {strides = array<i32>} : memref<16x768xf32, #tpu.memory_space<vmem>>, vector<16xf32>,
        %get3A_664 = arith.constant 9 : i32
        %get3A_665 = arith.index_cast %get3A_664 : i32 to index
        %get3A_666 = arith.index_cast %mul3A_623 : i32 to index
        %get3A_667 = tpu.vector_load %arg19[%get3A_665, %get3A_666] {strides = array<i32>} : memref<16x768xf32, #tpu.memory_space<vmem>>, vector<16xf32>,
        %get3A_668 = arith.constant 10 : i32
        %get3A_669 = arith.index_cast %get3A_668 : i32 to index
        %get3A_670 = arith.index_cast %mul3A_623 : i32 to index
        %get3A_671 = tpu.vector_load %arg19[%get3A_669, %get3A_670] {strides = array<i32>} : memref<16x768xf32, #tpu.memory_space<vmem>>, vector<16xf32>,
        %get3A_672 = arith.constant 11 : i32
        %get3A_673 = arith.index_cast %get3A_672 : i32 to index
        %get3A_674 = arith.index_cast %mul3A_623 : i32 to index
        %get3A_675 = tpu.vector_load %arg19[%get3A_673, %get3A_674] {strides = array<i32>} : memref<16x768xf32, #tpu.memory_space<vmem>>, vector<16xf32>,
        %get3A_676 = arith.constant 12 : i32
        %get3A_677 = arith.index_cast %get3A_676 : i32 to index
        %get3A_678 = arith.index_cast %mul3A_623 : i32 to index
        %get3A_679 = tpu.vector_load %arg19[%get3A_677, %get3A_678] {strides = array<i32>} : memref<16x768xf32, #tpu.memory_space<vmem>>, vector<16xf32>,
        %get3A_680 = arith.constant 13 : i32
        %get3A_681 = arith.index_cast %get3A_680 : i32 to index
        %get3A_682 = arith.index_cast %mul3A_623 : i32 to index
        %get3A_683 = tpu.vector_load %arg19[%get3A_681, %get3A_682] {strides = array<i32>} : memref<16x768xf32, #tpu.memory_space<vmem>>, vector<16xf32>,
        %get3A_684 = arith.constant 14 : i32
        %get3A_685 = arith.index_cast %get3A_684 : i32 to index
        %get3A_686 = arith.index_cast %mul3A_623 : i32 to index
        %get3A_687 = tpu.vector_load %arg19[%get3A_685, %get3A_686] {strides = array<i32>} : memref<16x768xf32, #tpu.memory_space<vmem>>, vector<16xf32>,
        %get3A_688 = arith.constant 15 : i32
        %get3A_689 = arith.index_cast %get3A_688 : i32 to index
        %get3A_690 = arith.index_cast %mul3A_623 : i32 to index
        %get3A_691 = tpu.vector_load %arg19[%get3A_689, %get3A_690] {strides = array<i32>} : memref<16x768xf32, #tpu.memory_space<vmem>>, vector<16xf32>,
        %mul3A_692 = arith.mulf %get3A_631, %broadcast_in_dim3A_209 : vector<16xf32>
        %sub3A_693 = arith.subf %mul3A_692, %broadcast_in_dim3A_257 : vector<16xf32>
        %mul3A_694 = arith.mulf %sub3A_693, %get3A_625 : vector<16xf32>
        %add3A_695 = arith.addf %mul3A_694, %get3A_627 : vector<16xf32>
        %mul3A_696 = arith.mulf %get3A_635, %broadcast_in_dim3A_212 : vector<16xf32>
        %sub3A_697 = arith.subf %mul3A_696, %broadcast_in_dim3A_260 : vector<16xf32>
        %mul3A_698 = arith.mulf %sub3A_697, %get3A_625 : vector<16xf32>
        %add3A_699 = arith.addf %mul3A_698, %get3A_627 : vector<16xf32>
        %mul3A_700 = arith.mulf %get3A_639, %broadcast_in_dim3A_215 : vector<16xf32>
        %sub3A_701 = arith.subf %mul3A_700, %broadcast_in_dim3A_263 : vector<16xf32>
        %mul3A_702 = arith.mulf %sub3A_701, %get3A_625 : vector<16xf32>
        %add3A_703 = arith.addf %mul3A_702, %get3A_627 : vector<16xf32>
        %mul3A_704 = arith.mulf %get3A_643, %broadcast_in_dim3A_218 : vector<16xf32>
        %sub3A_705 = arith.subf %mul3A_704, %broadcast_in_dim3A_266 : vector<16xf32>
        %mul3A_706 = arith.mulf %sub3A_705, %get3A_625 : vector<16xf32>
        %add3A_707 = arith.addf %mul3A_706, %get3A_627 : vector<16xf32>
        %mul3A_708 = arith.mulf %get3A_647, %broadcast_in_dim3A_221 : vector<16xf32>
        %sub3A_709 = arith.subf %mul3A_708, %broadcast_in_dim3A_269 : vector<16xf32>
        %mul3A_710 = arith.mulf %sub3A_709, %get3A_625 : vector<16xf32>
        %add3A_711 = arith.addf %mul3A_710, %get3A_627 : vector<16xf32>
        %mul3A_712 = arith.mulf %get3A_651, %broadcast_in_dim3A_224 : vector<16xf32>
        %sub3A_713 = arith.subf %mul3A_712, %broadcast_in_dim3A_272 : vector<16xf32>
        %mul3A_714 = arith.mulf %sub3A_713, %get3A_625 : vector<16xf32>
        %add3A_715 = arith.addf %mul3A_714, %get3A_627 : vector<16xf32>
        %mul3A_716 = arith.mulf %get3A_655, %broadcast_in_dim3A_227 : vector<16xf32>
        %sub3A_717 = arith.subf %mul3A_716, %broadcast_in_dim3A_275 : vector<16xf32>
        %mul3A_718 = arith.mulf %sub3A_717, %get3A_625 : vector<16xf32>
        %add3A_719 = arith.addf %mul3A_718, %get3A_627 : vector<16xf32>
        %mul3A_720 = arith.mulf %get3A_659, %broadcast_in_dim3A_230 : vector<16xf32>
        %sub3A_721 = arith.subf %mul3A_720, %broadcast_in_dim3A_278 : vector<16xf32>
        %mul3A_722 = arith.mulf %sub3A_721, %get3A_625 : vector<16xf32>
        %add3A_723 = arith.addf %mul3A_722, %get3A_627 : vector<16xf32>
        %mul3A_724 = arith.mulf %get3A_663, %broadcast_in_dim3A_233 : vector<16xf32>
        %sub3A_725 = arith.subf %mul3A_724, %broadcast_in_dim3A_281 : vector<16xf32>
        %mul3A_726 = arith.mulf %sub3A_725, %get3A_625 : vector<16xf32>
        %add3A_727 = arith.addf %mul3A_726, %get3A_627 : vector<16xf32>
        %mul3A_728 = arith.mulf %get3A_667, %broadcast_in_dim3A_236 : vector<16xf32>
        %sub3A_729 = arith.subf %mul3A_728, %broadcast_in_dim3A_284 : vector<16xf32>
        %mul3A_730 = arith.mulf %sub3A_729, %get3A_625 : vector<16xf32>
        %add3A_731 = arith.addf %mul3A_730, %get3A_627 : vector<16xf32>
        %mul3A_732 = arith.mulf %get3A_671, %broadcast_in_dim3A_239 : vector<16xf32>
        %sub3A_733 = arith.subf %mul3A_732, %broadcast_in_dim3A_287 : vector<16xf32>
        %mul3A_734 = arith.mulf %sub3A_733, %get3A_625 : vector<16xf32>
        %add3A_735 = arith.addf %mul3A_734, %get3A_627 : vector<16xf32>
        %mul3A_736 = arith.mulf %get3A_675, %broadcast_in_dim3A_242 : vector<16xf32>
        %sub3A_737 = arith.subf %mul3A_736, %broadcast_in_dim3A_290 : vector<16xf32>
        %mul3A_738 = arith.mulf %sub3A_737, %get3A_625 : vector<16xf32>
        %add3A_739 = arith.addf %mul3A_738, %get3A_627 : vector<16xf32>
        %mul3A_740 = arith.mulf %get3A_679, %broadcast_in_dim3A_245 : vector<16xf32>
        %sub3A_741 = arith.subf %mul3A_740, %broadcast_in_dim3A_293 : vector<16xf32>
        %mul3A_742 = arith.mulf %sub3A_741, %get3A_625 : vector<16xf32>
        %add3A_743 = arith.addf %mul3A_742, %get3A_627 : vector<16xf32>
        %mul3A_744 = arith.mulf %get3A_683, %broadcast_in_dim3A_248 : vector<16xf32>
        %sub3A_745 = arith.subf %mul3A_744, %broadcast_in_dim3A_296 : vector<16xf32>
        %mul3A_746 = arith.mulf %sub3A_745, %get3A_625 : vector<16xf32>
        %add3A_747 = arith.addf %mul3A_746, %get3A_627 : vector<16xf32>
        %mul3A_748 = arith.mulf %get3A_687, %broadcast_in_dim3A_251 : vector<16xf32>
        %sub3A_749 = arith.subf %mul3A_748, %broadcast_in_dim3A_299 : vector<16xf32>
        %mul3A_750 = arith.mulf %sub3A_749, %get3A_625 : vector<16xf32>
        %add3A_751 = arith.addf %mul3A_750, %get3A_627 : vector<16xf32>
        %mul3A_752 = arith.mulf %get3A_691, %broadcast_in_dim3A_254 : vector<16xf32>
        %sub3A_753 = arith.subf %mul3A_752, %broadcast_in_dim3A_302 : vector<16xf32>
        %mul3A_754 = arith.mulf %sub3A_753, %get3A_625 : vector<16xf32>
        %add3A_755 = arith.addf %mul3A_754, %get3A_627 : vector<16xf32>
        %swap3A = arith.constant 0 : i32
        %swap3A_756 = arith.index_cast %swap3A : i32 to index
        %swap3A_757 = arith.index_cast %mul3A_623 : i32 to index
        %swap3A_758 = tpu.vector_load %arg17[%swap3A_756, %swap3A_757] {strides = array<i32>} : memref<16x768xf32, #tpu.memory_space<vmem>>, vector<16xf32>,
        tpu.vector_store %arg17[%swap3A_756, %swap3A_757], %add3A_695 {strides = array<i32>} : memref<16x768xf32, #tpu.memory_space<vmem>>, vector<16xf32>,
        %swap3A_759 = arith.constant 1 : i32
        %swap3A_760 = arith.index_cast %swap3A_759 : i32 to index
        %swap3A_761 = arith.index_cast %mul3A_623 : i32 to index
        %swap3A_762 = tpu.vector_load %arg17[%swap3A_760, %swap3A_761] {strides = array<i32>} : memref<16x768xf32, #tpu.memory_space<vmem>>, vector<16xf32>,
        tpu.vector_store %arg17[%swap3A_760, %swap3A_761], %add3A_699 {strides = array<i32>} : memref<16x768xf32, #tpu.memory_space<vmem>>, vector<16xf32>,
        %swap3A_763 = arith.constant 2 : i32
        %swap3A_764 = arith.index_cast %swap3A_763 : i32 to index
        %swap3A_765 = arith.index_cast %mul3A_623 : i32 to index
        %swap3A_766 = tpu.vector_load %arg17[%swap3A_764, %swap3A_765] {strides = array<i32>} : memref<16x768xf32, #tpu.memory_space<vmem>>, vector<16xf32>,
        tpu.vector_store %arg17[%swap3A_764, %swap3A_765], %add3A_703 {strides = array<i32>} : memref<16x768xf32, #tpu.memory_space<vmem>>, vector<16xf32>,
        %swap3A_767 = arith.constant 3 : i32
        %swap3A_768 = arith.index_cast %swap3A_767 : i32 to index
        %swap3A_769 = arith.index_cast %mul3A_623 : i32 to index
        %swap3A_770 = tpu.vector_load %arg17[%swap3A_768, %swap3A_769] {strides = array<i32>} : memref<16x768xf32, #tpu.memory_space<vmem>>, vector<16xf32>,
        tpu.vector_store %arg17[%swap3A_768, %swap3A_769], %add3A_707 {strides = array<i32>} : memref<16x768xf32, #tpu.memory_space<vmem>>, vector<16xf32>,
        %swap3A_771 = arith.constant 4 : i32
        %swap3A_772 = arith.index_cast %swap3A_771 : i32 to index
        %swap3A_773 = arith.index_cast %mul3A_623 : i32 to index
        %swap3A_774 = tpu.vector_load %arg17[%swap3A_772, %swap3A_773] {strides = array<i32>} : memref<16x768xf32, #tpu.memory_space<vmem>>, vector<16xf32>,
        tpu.vector_store %arg17[%swap3A_772, %swap3A_773], %add3A_711 {strides = array<i32>} : memref<16x768xf32, #tpu.memory_space<vmem>>, vector<16xf32>,
        %swap3A_775 = arith.constant 5 : i32
        %swap3A_776 = arith.index_cast %swap3A_775 : i32 to index
        %swap3A_777 = arith.index_cast %mul3A_623 : i32 to index
        %swap3A_778 = tpu.vector_load %arg17[%swap3A_776, %swap3A_777] {strides = array<i32>} : memref<16x768xf32, #tpu.memory_space<vmem>>, vector<16xf32>,
        tpu.vector_store %arg17[%swap3A_776, %swap3A_777], %add3A_715 {strides = array<i32>} : memref<16x768xf32, #tpu.memory_space<vmem>>, vector<16xf32>,
        %swap3A_779 = arith.constant 6 : i32
        %swap3A_780 = arith.index_cast %swap3A_779 : i32 to index
        %swap3A_781 = arith.index_cast %mul3A_623 : i32 to index
        %swap3A_782 = tpu.vector_load %arg17[%swap3A_780, %swap3A_781] {strides = array<i32>} : memref<16x768xf32, #tpu.memory_space<vmem>>, vector<16xf32>,
        tpu.vector_store %arg17[%swap3A_780, %swap3A_781], %add3A_719 {strides = array<i32>} : memref<16x768xf32, #tpu.memory_space<vmem>>, vector<16xf32>,
        %swap3A_783 = arith.constant 7 : i32
        %swap3A_784 = arith.index_cast %swap3A_783 : i32 to index
        %swap3A_785 = arith.index_cast %mul3A_623 : i32 to index
        %swap3A_786 = tpu.vector_load %arg17[%swap3A_784, %swap3A_785] {strides = array<i32>} : memref<16x768xf32, #tpu.memory_space<vmem>>, vector<16xf32>,
        tpu.vector_store %arg17[%swap3A_784, %swap3A_785], %add3A_723 {strides = array<i32>} : memref<16x768xf32, #tpu.memory_space<vmem>>, vector<16xf32>,
        %swap3A_787 = arith.constant 8 : i32
        %swap3A_788 = arith.index_cast %swap3A_787 : i32 to index
        %swap3A_789 = arith.index_cast %mul3A_623 : i32 to index
        %swap3A_790 = tpu.vector_load %arg17[%swap3A_788, %swap3A_789] {strides = array<i32>} : memref<16x768xf32, #tpu.memory_space<vmem>>, vector<16xf32>,
        tpu.vector_store %arg17[%swap3A_788, %swap3A_789], %add3A_727 {strides = array<i32>} : memref<16x768xf32, #tpu.memory_space<vmem>>, vector<16xf32>,
        %swap3A_791 = arith.constant 9 : i32
        %swap3A_792 = arith.index_cast %swap3A_791 : i32 to index
        %swap3A_793 = arith.index_cast %mul3A_623 : i32 to index
        %swap3A_794 = tpu.vector_load %arg17[%swap3A_792, %swap3A_793] {strides = array<i32>} : memref<16x768xf32, #tpu.memory_space<vmem>>, vector<16xf32>,
        tpu.vector_store %arg17[%swap3A_792, %swap3A_793], %add3A_731 {strides = array<i32>} : memref<16x768xf32, #tpu.memory_space<vmem>>, vector<16xf32>,
        %swap3A_795 = arith.constant 10 : i32
        %swap3A_796 = arith.index_cast %swap3A_795 : i32 to index
        %swap3A_797 = arith.index_cast %mul3A_623 : i32 to index
        %swap3A_798 = tpu.vector_load %arg17[%swap3A_796, %swap3A_797] {strides = array<i32>} : memref<16x768xf32, #tpu.memory_space<vmem>>, vector<16xf32>,
        tpu.vector_store %arg17[%swap3A_796, %swap3A_797], %add3A_735 {strides = array<i32>} : memref<16x768xf32, #tpu.memory_space<vmem>>, vector<16xf32>,
        %swap3A_799 = arith.constant 11 : i32
        %swap3A_800 = arith.index_cast %swap3A_799 : i32 to index
        %swap3A_801 = arith.index_cast %mul3A_623 : i32 to index
        %swap3A_802 = tpu.vector_load %arg17[%swap3A_800, %swap3A_801] {strides = array<i32>} : memref<16x768xf32, #tpu.memory_space<vmem>>, vector<16xf32>,
        tpu.vector_store %arg17[%swap3A_800, %swap3A_801], %add3A_739 {strides = array<i32>} : memref<16x768xf32, #tpu.memory_space<vmem>>, vector<16xf32>,
        %swap3A_803 = arith.constant 12 : i32
        %swap3A_804 = arith.index_cast %swap3A_803 : i32 to index
        %swap3A_805 = arith.index_cast %mul3A_623 : i32 to index
        %swap3A_806 = tpu.vector_load %arg17[%swap3A_804, %swap3A_805] {strides = array<i32>} : memref<16x768xf32, #tpu.memory_space<vmem>>, vector<16xf32>,
        tpu.vector_store %arg17[%swap3A_804, %swap3A_805], %add3A_743 {strides = array<i32>} : memref<16x768xf32, #tpu.memory_space<vmem>>, vector<16xf32>,
        %swap3A_807 = arith.constant 13 : i32
        %swap3A_808 = arith.index_cast %swap3A_807 : i32 to index
        %swap3A_809 = arith.index_cast %mul3A_623 : i32 to index
        %swap3A_810 = tpu.vector_load %arg17[%swap3A_808, %swap3A_809] {strides = array<i32>} : memref<16x768xf32, #tpu.memory_space<vmem>>, vector<16xf32>,
        tpu.vector_store %arg17[%swap3A_808, %swap3A_809], %add3A_747 {strides = array<i32>} : memref<16x768xf32, #tpu.memory_space<vmem>>, vector<16xf32>,
        %swap3A_811 = arith.constant 14 : i32
        %swap3A_812 = arith.index_cast %swap3A_811 : i32 to index
        %swap3A_813 = arith.index_cast %mul3A_623 : i32 to index
        %swap3A_814 = tpu.vector_load %arg17[%swap3A_812, %swap3A_813] {strides = array<i32>} : memref<16x768xf32, #tpu.memory_space<vmem>>, vector<16xf32>,
        tpu.vector_store %arg17[%swap3A_812, %swap3A_813], %add3A_751 {strides = array<i32>} : memref<16x768xf32, #tpu.memory_space<vmem>>, vector<16xf32>,
        %swap3A_815 = arith.constant 15 : i32
        %swap3A_816 = arith.index_cast %swap3A_815 : i32 to index
        %swap3A_817 = arith.index_cast %mul3A_623 : i32 to index
        %swap3A_818 = tpu.vector_load %arg17[%swap3A_816, %swap3A_817] {strides = array<i32>} : memref<16x768xf32, #tpu.memory_space<vmem>>, vector<16xf32>,
        tpu.vector_store %arg17[%swap3A_816, %swap3A_817], %add3A_755 {strides = array<i32>} : memref<16x768xf32, #tpu.memory_space<vmem>>, vector<16xf32>,
      }
      %scan3A_308 = arith.constant 48 : i32
      %mul3A_309 = arith.constant 16 : i32
      %mul3A_310 = arith.muli %add3A_37, %mul3A_309 : i32
      %add3A_311 = arith.addi %mul3A_2, %mul3A_310 : i32
      %shift_right_logical3A_312 = arith.constant 9 : i32
      %shift_right_logical3A_313 = arith.shrui %add3A_311, %shift_right_logical3A_312 : i32
      %and3A = arith.constant 511 : i32
      %and3A_314 = arith.andi %add3A_311, %and3A : i32
      %multiple_of3A = tpu.assume_multiple %and3A_314, 16 : i32
      %dma_start3A_315 = arith.constant 0 : i32
      %dma_start3A_316 = tpu.memref_slice %arg8[%shift_right_logical3A_313, %multiple_of3A, %dma_start3A_315] : memref<1024x512x768xf32, #tpu.memory_space<hbm>> -> memref<1x16x768xf32, #tpu.memory_space<hbm>>
      %dma_start3A_317 = tpu.memref_squeeze %dma_start3A_316 : memref<1x16x768xf32, #tpu.memory_space<hbm>> -> memref<16x768xf32, #tpu.memory_space<hbm>>
      %dma_start3A_318 = arith.constant 0 : i32
      %dma_start3A_319 = tpu.memref_slice %arg8[%shift_right_logical3A_313, %multiple_of3A, %dma_start3A_318] : memref<1024x512x768xf32, #tpu.memory_space<hbm>> -> memref<1x16x768xf32, #tpu.memory_space<hbm>>
      %dma_start3A_320 = tpu.memref_squeeze %dma_start3A_319 : memref<1x16x768xf32, #tpu.memory_space<hbm>> -> memref<16x768xf32, #tpu.memory_space<hbm>>
      tpu.enqueue_dma source(%arg17 : memref<16x768xf32, #tpu.memory_space<vmem>>) target(%dma_start3A_320 : memref<16x768xf32, #tpu.memory_space<hbm>>) target_semaphore(%arg26 : memref<!tpu.dma_semaphore, #tpu.memory_space<semaphore_mem>>)
      %mul3A_321 = arith.constant 2 : i32
      %mul3A_322 = arith.muli %scan3A_33, %mul3A_321 : i32
      %add3A_323 = arith.constant 1 : i32
      %add3A_324 = arith.addi %mul3A_322, %add3A_323 : i32
      %add3A_325 = arith.constant 1 : i32
      %add3A_326 = arith.addi %add3A_324, %add3A_325 : i32
      %lt3A_327 = arith.constant 1024 : i32
      %lt3A_328 = arith.cmpi slt, %add3A_326, %lt3A_327 : i32
      %convert_element_type3A_329 = arith.extui %lt3A_328 : i1 to i32
      %cond3A_330 = arith.constant 0 : i32
      %cond3A_331 = arith.cmpi ne, %convert_element_type3A_329, %cond3A_330 : i32
      scf.if %cond3A_331 {
        %add3A_621 = arith.constant 1 : i32
        %add3A_622 = arith.addi %add3A_324, %add3A_621 : i32
        %mul3A_623 = arith.constant 16 : i32
        %mul3A_624 = arith.muli %add3A_622, %mul3A_623 : i32
        %get3A_625 = arith.index_cast %mul3A_624 : i32 to index
        %get3A_626 = tpu.vector_load %arg9[%get3A_625] {strides = array<i32>} : memref<16384xi32, #tpu.memory_space<vmem>>, vector<16xi32>,
        %get3A_627 = arith.index_cast %mul3A_624 : i32 to index
        %get3A_628 = tpu.vector_load %arg10[%get3A_627] {strides = array<i32>} : memref<16384xi32, #tpu.memory_space<vmem>>, vector<16xi32>,
        %dma_start3A_629 = arith.constant 0 : i32
        %dma_start3A_630 = arith.constant 0 : i32
        %dma_start3A_631 = tpu.memref_slice %arg4[%dma_start3A_629, %dma_start3A_630] : memref<30522x768xf32, #tpu.memory_space<hbm>> -> memref<30522x768xf32, #tpu.memory_space<hbm>>
        tpu.enqueue_indirect_dma source(%dma_start3A_631 : memref<30522x768xf32, #tpu.memory_space<hbm>>) target(%arg13 : memref<16x768xf32, #tpu.memory_space<vmem>>) offsets(%get3A_626 : vector<16xi32>) semaphore(%arg22 : memref<!tpu.dma_semaphore, #tpu.memory_space<semaphore_mem>>)
        %dma_start3A_632 = arith.constant 0 : i32
        %dma_start3A_633 = arith.constant 0 : i32
        %dma_start3A_634 = tpu.memref_slice %arg5[%dma_start3A_632, %dma_start3A_633] : memref<1024x768xf32, #tpu.memory_space<hbm>> -> memref<1024x768xf32, #tpu.memory_space<hbm>>
        tpu.enqueue_indirect_dma source(%dma_start3A_634 : memref<1024x768xf32, #tpu.memory_space<hbm>>) target(%arg15 : memref<16x768xf32, #tpu.memory_space<vmem>>) offsets(%get3A_628 : vector<16xi32>) semaphore(%arg24 : memref<!tpu.dma_semaphore, #tpu.memory_space<semaphore_mem>>)
      } else {
      }
      %get3A_332 = arith.constant 0 : index
      %get3A_333 = tpu.vector_load %arg9[%get3A_332] {strides = array<i32>} : memref<16384xi32, #tpu.memory_space<vmem>>, vector<16xi32>,
      %dma_wait3A_334 = arith.constant 0 : i32
      %dma_wait3A_335 = arith.constant 0 : i32
      %dma_wait3A_336 = tpu.memref_slice %arg4[%dma_wait3A_334, %dma_wait3A_335] : memref<30522x768xf32, #tpu.memory_space<hbm>> -> memref<30522x768xf32, #tpu.memory_space<hbm>>
      tpu.wait_indirect_dma semaphore(%arg23 : memref<!tpu.dma_semaphore, #tpu.memory_space<semaphore_mem>>) src(%dma_wait3A_336 : memref<30522x768xf32, #tpu.memory_space<hbm>>) dst(%arg14 : memref<16x768xf32, #tpu.memory_space<vmem>>)
      %dma_wait3A_337 = arith.constant 0 : i32
      %dma_wait3A_338 = arith.constant 0 : i32
      %dma_wait3A_339 = tpu.memref_slice %arg5[%dma_wait3A_337, %dma_wait3A_338] : memref<1024x768xf32, #tpu.memory_space<hbm>> -> memref<1024x768xf32, #tpu.memory_space<hbm>>
      tpu.wait_indirect_dma semaphore(%arg25 : memref<!tpu.dma_semaphore, #tpu.memory_space<semaphore_mem>>) src(%dma_wait3A_339 : memref<1024x768xf32, #tpu.memory_space<hbm>>) dst(%arg16 : memref<16x768xf32, #tpu.memory_space<vmem>>)
      %broadcast_in_dim3A_340 = arith.constant 0.000000e+00 : f32
      %broadcast_in_dim3A_341 = vector.broadcast %broadcast_in_dim3A_340 : f32 to vector<16xf32>
      %scan3A_342 = arith.constant 0 : i32
      %scan3A_343 = arith.constant 0 : i32
      %scan3A_344 = arith.constant 16 : i32
      %scan3A_345 = arith.addi %scan3A_343, %scan3A_344 : i32
      %scan3A_346 = arith.constant 1 : i32
      scf.for %scan3A_621 = %scan3A_343 to %scan3A_345 step %scan3A_346  : i32 {
        %scan3A_622 = arith.constant 0 : i32
        %scan3A_623 = arith.constant 6 : i32
        %scan3A_624 = arith.addi %scan3A_622, %scan3A_623 : i32
        %scan3A_625 = arith.constant 1 : i32
        %scan3A_626:2 = scf.for %scan3A_633 = %scan3A_622 to %scan3A_624 step %scan3A_625 iter_args(%scan3A_634 = %broadcast_in_dim3A_341, %scan3A_635 = %broadcast_in_dim3A_341) -> (vector<16xf32>, vector<16xf32>)  : i32 {
          %mul3A_636 = arith.constant 8 : i32
          %mul3A_637 = arith.muli %scan3A_633, %mul3A_636 : i32
          %add3A_638 = arith.constant 0 : i32
          %add3A_639 = arith.addi %mul3A_637, %add3A_638 : i32
          %mul3A_640 = arith.constant 16 : i32
          %mul3A_641 = arith.muli %add3A_639, %mul3A_640 : i32
          %mul3A_642 = arith.constant 8 : i32
          %mul3A_643 = arith.muli %scan3A_633, %mul3A_642 : i32
          %add3A_644 = arith.constant 1 : i32
          %add3A_645 = arith.addi %mul3A_643, %add3A_644 : i32
          %mul3A_646 = arith.constant 16 : i32
          %mul3A_647 = arith.muli %add3A_645, %mul3A_646 : i32
          %mul3A_648 = arith.constant 8 : i32
          %mul3A_649 = arith.muli %scan3A_633, %mul3A_648 : i32
          %add3A_650 = arith.constant 2 : i32
          %add3A_651 = arith.addi %mul3A_649, %add3A_650 : i32
          %mul3A_652 = arith.constant 16 : i32
          %mul3A_653 = arith.muli %add3A_651, %mul3A_652 : i32
          %mul3A_654 = arith.constant 8 : i32
          %mul3A_655 = arith.muli %scan3A_633, %mul3A_654 : i32
          %add3A_656 = arith.constant 3 : i32
          %add3A_657 = arith.addi %mul3A_655, %add3A_656 : i32
          %mul3A_658 = arith.constant 16 : i32
          %mul3A_659 = arith.muli %add3A_657, %mul3A_658 : i32
          %mul3A_660 = arith.constant 8 : i32
          %mul3A_661 = arith.muli %scan3A_633, %mul3A_660 : i32
          %add3A_662 = arith.constant 4 : i32
          %add3A_663 = arith.addi %mul3A_661, %add3A_662 : i32
          %mul3A_664 = arith.constant 16 : i32
          %mul3A_665 = arith.muli %add3A_663, %mul3A_664 : i32
          %mul3A_666 = arith.constant 8 : i32
          %mul3A_667 = arith.muli %scan3A_633, %mul3A_666 : i32
          %add3A_668 = arith.constant 5 : i32
          %add3A_669 = arith.addi %mul3A_667, %add3A_668 : i32
          %mul3A_670 = arith.constant 16 : i32
          %mul3A_671 = arith.muli %add3A_669, %mul3A_670 : i32
          %mul3A_672 = arith.constant 8 : i32
          %mul3A_673 = arith.muli %scan3A_633, %mul3A_672 : i32
          %add3A_674 = arith.constant 6 : i32
          %add3A_675 = arith.addi %mul3A_673, %add3A_674 : i32
          %mul3A_676 = arith.constant 16 : i32
          %mul3A_677 = arith.muli %add3A_675, %mul3A_676 : i32
          %mul3A_678 = arith.constant 8 : i32
          %mul3A_679 = arith.muli %scan3A_633, %mul3A_678 : i32
          %add3A_680 = arith.constant 7 : i32
          %add3A_681 = arith.addi %mul3A_679, %add3A_680 : i32
          %mul3A_682 = arith.constant 16 : i32
          %mul3A_683 = arith.muli %add3A_681, %mul3A_682 : i32
          %get3A_684 = arith.index_cast %scan3A_621 : i32 to index
          %get3A_685 = arith.index_cast %mul3A_641 : i32 to index
          %get3A_686 = tpu.vector_load %arg14[%get3A_684, %get3A_685] {strides = array<i32>} : memref<16x768xf32, #tpu.memory_space<vmem>>, vector<16xf32>,
          %get3A_687 = arith.index_cast %scan3A_621 : i32 to index
          %get3A_688 = arith.index_cast %mul3A_647 : i32 to index
          %get3A_689 = tpu.vector_load %arg14[%get3A_687, %get3A_688] {strides = array<i32>} : memref<16x768xf32, #tpu.memory_space<vmem>>, vector<16xf32>,
          %get3A_690 = arith.index_cast %scan3A_621 : i32 to index
          %get3A_691 = arith.index_cast %mul3A_653 : i32 to index
          %get3A_692 = tpu.vector_load %arg14[%get3A_690, %get3A_691] {strides = array<i32>} : memref<16x768xf32, #tpu.memory_space<vmem>>, vector<16xf32>,
          %get3A_693 = arith.index_cast %scan3A_621 : i32 to index
          %get3A_694 = arith.index_cast %mul3A_659 : i32 to index
          %get3A_695 = tpu.vector_load %arg14[%get3A_693, %get3A_694] {strides = array<i32>} : memref<16x768xf32, #tpu.memory_space<vmem>>, vector<16xf32>,
          %get3A_696 = arith.index_cast %scan3A_621 : i32 to index
          %get3A_697 = arith.index_cast %mul3A_665 : i32 to index
          %get3A_698 = tpu.vector_load %arg14[%get3A_696, %get3A_697] {strides = array<i32>} : memref<16x768xf32, #tpu.memory_space<vmem>>, vector<16xf32>,
          %get3A_699 = arith.index_cast %scan3A_621 : i32 to index
          %get3A_700 = arith.index_cast %mul3A_671 : i32 to index
          %get3A_701 = tpu.vector_load %arg14[%get3A_699, %get3A_700] {strides = array<i32>} : memref<16x768xf32, #tpu.memory_space<vmem>>, vector<16xf32>,
          %get3A_702 = arith.index_cast %scan3A_621 : i32 to index
          %get3A_703 = arith.index_cast %mul3A_677 : i32 to index
          %get3A_704 = tpu.vector_load %arg14[%get3A_702, %get3A_703] {strides = array<i32>} : memref<16x768xf32, #tpu.memory_space<vmem>>, vector<16xf32>,
          %get3A_705 = arith.index_cast %scan3A_621 : i32 to index
          %get3A_706 = arith.index_cast %mul3A_683 : i32 to index
          %get3A_707 = tpu.vector_load %arg14[%get3A_705, %get3A_706] {strides = array<i32>} : memref<16x768xf32, #tpu.memory_space<vmem>>, vector<16xf32>,
          %get3A_708 = arith.index_cast %scan3A_621 : i32 to index
          %get3A_709 = arith.index_cast %mul3A_641 : i32 to index
          %get3A_710 = tpu.vector_load %arg16[%get3A_708, %get3A_709] {strides = array<i32>} : memref<16x768xf32, #tpu.memory_space<vmem>>, vector<16xf32>,
          %get3A_711 = arith.index_cast %scan3A_621 : i32 to index
          %get3A_712 = arith.index_cast %mul3A_647 : i32 to index
          %get3A_713 = tpu.vector_load %arg16[%get3A_711, %get3A_712] {strides = array<i32>} : memref<16x768xf32, #tpu.memory_space<vmem>>, vector<16xf32>,
          %get3A_714 = arith.index_cast %scan3A_621 : i32 to index
          %get3A_715 = arith.index_cast %mul3A_653 : i32 to index
          %get3A_716 = tpu.vector_load %arg16[%get3A_714, %get3A_715] {strides = array<i32>} : memref<16x768xf32, #tpu.memory_space<vmem>>, vector<16xf32>,
          %get3A_717 = arith.index_cast %scan3A_621 : i32 to index
          %get3A_718 = arith.index_cast %mul3A_659 : i32 to index
          %get3A_719 = tpu.vector_load %arg16[%get3A_717, %get3A_718] {strides = array<i32>} : memref<16x768xf32, #tpu.memory_space<vmem>>, vector<16xf32>,
          %get3A_720 = arith.index_cast %scan3A_621 : i32 to index
          %get3A_721 = arith.index_cast %mul3A_665 : i32 to index
          %get3A_722 = tpu.vector_load %arg16[%get3A_720, %get3A_721] {strides = array<i32>} : memref<16x768xf32, #tpu.memory_space<vmem>>, vector<16xf32>,
          %get3A_723 = arith.index_cast %scan3A_621 : i32 to index
          %get3A_724 = arith.index_cast %mul3A_671 : i32 to index
          %get3A_725 = tpu.vector_load %arg16[%get3A_723, %get3A_724] {strides = array<i32>} : memref<16x768xf32, #tpu.memory_space<vmem>>, vector<16xf32>,
          %get3A_726 = arith.index_cast %scan3A_621 : i32 to index
          %get3A_727 = arith.index_cast %mul3A_677 : i32 to index
          %get3A_728 = tpu.vector_load %arg16[%get3A_726, %get3A_727] {strides = array<i32>} : memref<16x768xf32, #tpu.memory_space<vmem>>, vector<16xf32>,
          %get3A_729 = arith.index_cast %scan3A_621 : i32 to index
          %get3A_730 = arith.index_cast %mul3A_683 : i32 to index
          %get3A_731 = tpu.vector_load %arg16[%get3A_729, %get3A_730] {strides = array<i32>} : memref<16x768xf32, #tpu.memory_space<vmem>>, vector<16xf32>,
          %add3A_732 = arith.addf %get3A_686, %get3A_710 : vector<16xf32>
          %add3A_733 = arith.addf %get3A_689, %get3A_713 : vector<16xf32>
          %add3A_734 = arith.addf %get3A_692, %get3A_716 : vector<16xf32>
          %add3A_735 = arith.addf %get3A_695, %get3A_719 : vector<16xf32>
          %add3A_736 = arith.addf %get3A_698, %get3A_722 : vector<16xf32>
          %add3A_737 = arith.addf %get3A_701, %get3A_725 : vector<16xf32>
          %add3A_738 = arith.addf %get3A_704, %get3A_728 : vector<16xf32>
          %add3A_739 = arith.addf %get3A_707, %get3A_731 : vector<16xf32>
          %swap3A_740 = arith.index_cast %scan3A_621 : i32 to index
          %swap3A_741 = arith.index_cast %mul3A_641 : i32 to index
          %swap3A_742 = tpu.vector_load %arg19[%swap3A_740, %swap3A_741] {strides = array<i32>} : memref<16x768xf32, #tpu.memory_space<vmem>>, vector<16xf32>,
          tpu.vector_store %arg19[%swap3A_740, %swap3A_741], %add3A_732 {strides = array<i32>} : memref<16x768xf32, #tpu.memory_space<vmem>>, vector<16xf32>,
          %swap3A_743 = arith.index_cast %scan3A_621 : i32 to index
          %swap3A_744 = arith.index_cast %mul3A_647 : i32 to index
          %swap3A_745 = tpu.vector_load %arg19[%swap3A_743, %swap3A_744] {strides = array<i32>} : memref<16x768xf32, #tpu.memory_space<vmem>>, vector<16xf32>,
          tpu.vector_store %arg19[%swap3A_743, %swap3A_744], %add3A_733 {strides = array<i32>} : memref<16x768xf32, #tpu.memory_space<vmem>>, vector<16xf32>,
          %swap3A_746 = arith.index_cast %scan3A_621 : i32 to index
          %swap3A_747 = arith.index_cast %mul3A_653 : i32 to index
          %swap3A_748 = tpu.vector_load %arg19[%swap3A_746, %swap3A_747] {strides = array<i32>} : memref<16x768xf32, #tpu.memory_space<vmem>>, vector<16xf32>,
          tpu.vector_store %arg19[%swap3A_746, %swap3A_747], %add3A_734 {strides = array<i32>} : memref<16x768xf32, #tpu.memory_space<vmem>>, vector<16xf32>,
          %swap3A_749 = arith.index_cast %scan3A_621 : i32 to index
          %swap3A_750 = arith.index_cast %mul3A_659 : i32 to index
          %swap3A_751 = tpu.vector_load %arg19[%swap3A_749, %swap3A_750] {strides = array<i32>} : memref<16x768xf32, #tpu.memory_space<vmem>>, vector<16xf32>,
          tpu.vector_store %arg19[%swap3A_749, %swap3A_750], %add3A_735 {strides = array<i32>} : memref<16x768xf32, #tpu.memory_space<vmem>>, vector<16xf32>,
          %swap3A_752 = arith.index_cast %scan3A_621 : i32 to index
          %swap3A_753 = arith.index_cast %mul3A_665 : i32 to index
          %swap3A_754 = tpu.vector_load %arg19[%swap3A_752, %swap3A_753] {strides = array<i32>} : memref<16x768xf32, #tpu.memory_space<vmem>>, vector<16xf32>,
          tpu.vector_store %arg19[%swap3A_752, %swap3A_753], %add3A_736 {strides = array<i32>} : memref<16x768xf32, #tpu.memory_space<vmem>>, vector<16xf32>,
          %swap3A_755 = arith.index_cast %scan3A_621 : i32 to index
          %swap3A_756 = arith.index_cast %mul3A_671 : i32 to index
          %swap3A_757 = tpu.vector_load %arg19[%swap3A_755, %swap3A_756] {strides = array<i32>} : memref<16x768xf32, #tpu.memory_space<vmem>>, vector<16xf32>,
          tpu.vector_store %arg19[%swap3A_755, %swap3A_756], %add3A_737 {strides = array<i32>} : memref<16x768xf32, #tpu.memory_space<vmem>>, vector<16xf32>,
          %swap3A_758 = arith.index_cast %scan3A_621 : i32 to index
          %swap3A_759 = arith.index_cast %mul3A_677 : i32 to index
          %swap3A_760 = tpu.vector_load %arg19[%swap3A_758, %swap3A_759] {strides = array<i32>} : memref<16x768xf32, #tpu.memory_space<vmem>>, vector<16xf32>,
          tpu.vector_store %arg19[%swap3A_758, %swap3A_759], %add3A_738 {strides = array<i32>} : memref<16x768xf32, #tpu.memory_space<vmem>>, vector<16xf32>,
          %swap3A_761 = arith.index_cast %scan3A_621 : i32 to index
          %swap3A_762 = arith.index_cast %mul3A_683 : i32 to index
          %swap3A_763 = tpu.vector_load %arg19[%swap3A_761, %swap3A_762] {strides = array<i32>} : memref<16x768xf32, #tpu.memory_space<vmem>>, vector<16xf32>,
          tpu.vector_store %arg19[%swap3A_761, %swap3A_762], %add3A_739 {strides = array<i32>} : memref<16x768xf32, #tpu.memory_space<vmem>>, vector<16xf32>,
          %mul3A_764 = arith.mulf %add3A_732, %add3A_732 : vector<16xf32>
          %mul3A_765 = arith.mulf %add3A_733, %add3A_733 : vector<16xf32>
          %mul3A_766 = arith.mulf %add3A_734, %add3A_734 : vector<16xf32>
          %mul3A_767 = arith.mulf %add3A_735, %add3A_735 : vector<16xf32>
          %mul3A_768 = arith.mulf %add3A_736, %add3A_736 : vector<16xf32>
          %mul3A_769 = arith.mulf %add3A_737, %add3A_737 : vector<16xf32>
          %mul3A_770 = arith.mulf %add3A_738, %add3A_738 : vector<16xf32>
          %mul3A_771 = arith.mulf %add3A_739, %add3A_739 : vector<16xf32>
          %add3A_772 = arith.addf %add3A_732, %add3A_733 : vector<16xf32>
          %add3A_773 = arith.addf %add3A_734, %add3A_735 : vector<16xf32>
          %add3A_774 = arith.addf %add3A_772, %add3A_773 : vector<16xf32>
          %add3A_775 = arith.addf %add3A_736, %add3A_737 : vector<16xf32>
          %add3A_776 = arith.addf %add3A_738, %add3A_739 : vector<16xf32>
          %add3A_777 = arith.addf %add3A_775, %add3A_776 : vector<16xf32>
          %add3A_778 = arith.addf %add3A_774, %add3A_777 : vector<16xf32>
          %add3A_779 = arith.addf %scan3A_634, %add3A_778 : vector<16xf32>
          %add3A_780 = arith.addf %mul3A_764, %mul3A_765 : vector<16xf32>
          %add3A_781 = arith.addf %mul3A_766, %mul3A_767 : vector<16xf32>
          %add3A_782 = arith.addf %add3A_780, %add3A_781 : vector<16xf32>
          %add3A_783 = arith.addf %mul3A_768, %mul3A_769 : vector<16xf32>
          %add3A_784 = arith.addf %mul3A_770, %mul3A_771 : vector<16xf32>
          %add3A_785 = arith.addf %add3A_783, %add3A_784 : vector<16xf32>
          %add3A_786 = arith.addf %add3A_782, %add3A_785 : vector<16xf32>
          %add3A_787 = arith.addf %scan3A_635, %add3A_786 : vector<16xf32>
          scf.yield %add3A_779, %add3A_787 : vector<16xf32>, vector<16xf32>
        }
        %scan3A_627 = arith.constant 6 : i32
        %swap3A = arith.index_cast %scan3A_621 : i32 to index
        %swap3A_628 = arith.constant 0 : index
        %swap3A_629 = tpu.vector_load %arg20[%swap3A, %swap3A_628] {strides = array<i32>} : memref<16x17xf32, #tpu.memory_space<vmem>>, vector<16xf32>,
        tpu.vector_store %arg20[%swap3A, %swap3A_628], %scan3A_626#0 {strides = array<i32>} : memref<16x17xf32, #tpu.memory_space<vmem>>, vector<16xf32>,
        %swap3A_630 = arith.index_cast %scan3A_621 : i32 to index
        %swap3A_631 = arith.constant 0 : index
        %swap3A_632 = tpu.vector_load %arg21[%swap3A_630, %swap3A_631] {strides = array<i32>} : memref<16x17xf32, #tpu.memory_space<vmem>>, vector<16xf32>,
        tpu.vector_store %arg21[%swap3A_630, %swap3A_631], %scan3A_626#1 {strides = array<i32>} : memref<16x17xf32, #tpu.memory_space<vmem>>, vector<16xf32>,
      }
      %scan3A_347 = arith.constant 16 : i32
      %broadcast_in_dim3A_348 = arith.constant 0 : i32
      %broadcast_in_dim3A_349 = vector.broadcast %broadcast_in_dim3A_348 : i32 to vector<16xi32>
      %gather3A_350 = tpu.vector_load_idx %arg20[%iota3A, %broadcast_in_dim3A_349] : memref<16x17xf32, #tpu.memory_space<vmem>>[vector<16xi32>, vector<16xi32>], vector<16xf32>,
      %add3A_351 = arith.addf %broadcast_in_dim3A_341, %gather3A_350 : vector<16xf32>
      %gather3A_352 = tpu.vector_load_idx %arg21[%iota3A, %broadcast_in_dim3A_349] : memref<16x17xf32, #tpu.memory_space<vmem>>[vector<16xi32>, vector<16xi32>], vector<16xf32>,
      %add3A_353 = arith.addf %broadcast_in_dim3A_341, %gather3A_352 : vector<16xf32>
      %broadcast_in_dim3A_354 = arith.constant 1 : i32
      %broadcast_in_dim3A_355 = vector.broadcast %broadcast_in_dim3A_354 : i32 to vector<16xi32>
      %gather3A_356 = tpu.vector_load_idx %arg20[%iota3A, %broadcast_in_dim3A_355] : memref<16x17xf32, #tpu.memory_space<vmem>>[vector<16xi32>, vector<16xi32>], vector<16xf32>,
      %add3A_357 = arith.addf %add3A_351, %gather3A_356 : vector<16xf32>
      %gather3A_358 = tpu.vector_load_idx %arg21[%iota3A, %broadcast_in_dim3A_355] : memref<16x17xf32, #tpu.memory_space<vmem>>[vector<16xi32>, vector<16xi32>], vector<16xf32>,
      %add3A_359 = arith.addf %add3A_353, %gather3A_358 : vector<16xf32>
      %broadcast_in_dim3A_360 = arith.constant 2 : i32
      %broadcast_in_dim3A_361 = vector.broadcast %broadcast_in_dim3A_360 : i32 to vector<16xi32>
      %gather3A_362 = tpu.vector_load_idx %arg20[%iota3A, %broadcast_in_dim3A_361] : memref<16x17xf32, #tpu.memory_space<vmem>>[vector<16xi32>, vector<16xi32>], vector<16xf32>,
      %add3A_363 = arith.addf %add3A_357, %gather3A_362 : vector<16xf32>
      %gather3A_364 = tpu.vector_load_idx %arg21[%iota3A, %broadcast_in_dim3A_361] : memref<16x17xf32, #tpu.memory_space<vmem>>[vector<16xi32>, vector<16xi32>], vector<16xf32>,
      %add3A_365 = arith.addf %add3A_359, %gather3A_364 : vector<16xf32>
      %broadcast_in_dim3A_366 = arith.constant 3 : i32
      %broadcast_in_dim3A_367 = vector.broadcast %broadcast_in_dim3A_366 : i32 to vector<16xi32>
      %gather3A_368 = tpu.vector_load_idx %arg20[%iota3A, %broadcast_in_dim3A_367] : memref<16x17xf32, #tpu.memory_space<vmem>>[vector<16xi32>, vector<16xi32>], vector<16xf32>,
      %add3A_369 = arith.addf %add3A_363, %gather3A_368 : vector<16xf32>
      %gather3A_370 = tpu.vector_load_idx %arg21[%iota3A, %broadcast_in_dim3A_367] : memref<16x17xf32, #tpu.memory_space<vmem>>[vector<16xi32>, vector<16xi32>], vector<16xf32>,
      %add3A_371 = arith.addf %add3A_365, %gather3A_370 : vector<16xf32>
      %broadcast_in_dim3A_372 = arith.constant 4 : i32
      %broadcast_in_dim3A_373 = vector.broadcast %broadcast_in_dim3A_372 : i32 to vector<16xi32>
      %gather3A_374 = tpu.vector_load_idx %arg20[%iota3A, %broadcast_in_dim3A_373] : memref<16x17xf32, #tpu.memory_space<vmem>>[vector<16xi32>, vector<16xi32>], vector<16xf32>,
      %add3A_375 = arith.addf %add3A_369, %gather3A_374 : vector<16xf32>
      %gather3A_376 = tpu.vector_load_idx %arg21[%iota3A, %broadcast_in_dim3A_373] : memref<16x17xf32, #tpu.memory_space<vmem>>[vector<16xi32>, vector<16xi32>], vector<16xf32>,
      %add3A_377 = arith.addf %add3A_371, %gather3A_376 : vector<16xf32>
      %broadcast_in_dim3A_378 = arith.constant 5 : i32
      %broadcast_in_dim3A_379 = vector.broadcast %broadcast_in_dim3A_378 : i32 to vector<16xi32>
      %gather3A_380 = tpu.vector_load_idx %arg20[%iota3A, %broadcast_in_dim3A_379] : memref<16x17xf32, #tpu.memory_space<vmem>>[vector<16xi32>, vector<16xi32>], vector<16xf32>,
      %add3A_381 = arith.addf %add3A_375, %gather3A_380 : vector<16xf32>
      %gather3A_382 = tpu.vector_load_idx %arg21[%iota3A, %broadcast_in_dim3A_379] : memref<16x17xf32, #tpu.memory_space<vmem>>[vector<16xi32>, vector<16xi32>], vector<16xf32>,
      %add3A_383 = arith.addf %add3A_377, %gather3A_382 : vector<16xf32>
      %broadcast_in_dim3A_384 = arith.constant 6 : i32
      %broadcast_in_dim3A_385 = vector.broadcast %broadcast_in_dim3A_384 : i32 to vector<16xi32>
      %gather3A_386 = tpu.vector_load_idx %arg20[%iota3A, %broadcast_in_dim3A_385] : memref<16x17xf32, #tpu.memory_space<vmem>>[vector<16xi32>, vector<16xi32>], vector<16xf32>,
      %add3A_387 = arith.addf %add3A_381, %gather3A_386 : vector<16xf32>
      %gather3A_388 = tpu.vector_load_idx %arg21[%iota3A, %broadcast_in_dim3A_385] : memref<16x17xf32, #tpu.memory_space<vmem>>[vector<16xi32>, vector<16xi32>], vector<16xf32>,
      %add3A_389 = arith.addf %add3A_383, %gather3A_388 : vector<16xf32>
      %broadcast_in_dim3A_390 = arith.constant 7 : i32
      %broadcast_in_dim3A_391 = vector.broadcast %broadcast_in_dim3A_390 : i32 to vector<16xi32>
      %gather3A_392 = tpu.vector_load_idx %arg20[%iota3A, %broadcast_in_dim3A_391] : memref<16x17xf32, #tpu.memory_space<vmem>>[vector<16xi32>, vector<16xi32>], vector<16xf32>,
      %add3A_393 = arith.addf %add3A_387, %gather3A_392 : vector<16xf32>
      %gather3A_394 = tpu.vector_load_idx %arg21[%iota3A, %broadcast_in_dim3A_391] : memref<16x17xf32, #tpu.memory_space<vmem>>[vector<16xi32>, vector<16xi32>], vector<16xf32>,
      %add3A_395 = arith.addf %add3A_389, %gather3A_394 : vector<16xf32>
      %broadcast_in_dim3A_396 = arith.constant 8 : i32
      %broadcast_in_dim3A_397 = vector.broadcast %broadcast_in_dim3A_396 : i32 to vector<16xi32>
      %gather3A_398 = tpu.vector_load_idx %arg20[%iota3A, %broadcast_in_dim3A_397] : memref<16x17xf32, #tpu.memory_space<vmem>>[vector<16xi32>, vector<16xi32>], vector<16xf32>,
      %add3A_399 = arith.addf %add3A_393, %gather3A_398 : vector<16xf32>
      %gather3A_400 = tpu.vector_load_idx %arg21[%iota3A, %broadcast_in_dim3A_397] : memref<16x17xf32, #tpu.memory_space<vmem>>[vector<16xi32>, vector<16xi32>], vector<16xf32>,
      %add3A_401 = arith.addf %add3A_395, %gather3A_400 : vector<16xf32>
      %broadcast_in_dim3A_402 = arith.constant 9 : i32
      %broadcast_in_dim3A_403 = vector.broadcast %broadcast_in_dim3A_402 : i32 to vector<16xi32>
      %gather3A_404 = tpu.vector_load_idx %arg20[%iota3A, %broadcast_in_dim3A_403] : memref<16x17xf32, #tpu.memory_space<vmem>>[vector<16xi32>, vector<16xi32>], vector<16xf32>,
      %add3A_405 = arith.addf %add3A_399, %gather3A_404 : vector<16xf32>
      %gather3A_406 = tpu.vector_load_idx %arg21[%iota3A, %broadcast_in_dim3A_403] : memref<16x17xf32, #tpu.memory_space<vmem>>[vector<16xi32>, vector<16xi32>], vector<16xf32>,
      %add3A_407 = arith.addf %add3A_401, %gather3A_406 : vector<16xf32>
      %broadcast_in_dim3A_408 = arith.constant 10 : i32
      %broadcast_in_dim3A_409 = vector.broadcast %broadcast_in_dim3A_408 : i32 to vector<16xi32>
      %gather3A_410 = tpu.vector_load_idx %arg20[%iota3A, %broadcast_in_dim3A_409] : memref<16x17xf32, #tpu.memory_space<vmem>>[vector<16xi32>, vector<16xi32>], vector<16xf32>,
      %add3A_411 = arith.addf %add3A_405, %gather3A_410 : vector<16xf32>
      %gather3A_412 = tpu.vector_load_idx %arg21[%iota3A, %broadcast_in_dim3A_409] : memref<16x17xf32, #tpu.memory_space<vmem>>[vector<16xi32>, vector<16xi32>], vector<16xf32>,
      %add3A_413 = arith.addf %add3A_407, %gather3A_412 : vector<16xf32>
      %broadcast_in_dim3A_414 = arith.constant 11 : i32
      %broadcast_in_dim3A_415 = vector.broadcast %broadcast_in_dim3A_414 : i32 to vector<16xi32>
      %gather3A_416 = tpu.vector_load_idx %arg20[%iota3A, %broadcast_in_dim3A_415] : memref<16x17xf32, #tpu.memory_space<vmem>>[vector<16xi32>, vector<16xi32>], vector<16xf32>,
      %add3A_417 = arith.addf %add3A_411, %gather3A_416 : vector<16xf32>
      %gather3A_418 = tpu.vector_load_idx %arg21[%iota3A, %broadcast_in_dim3A_415] : memref<16x17xf32, #tpu.memory_space<vmem>>[vector<16xi32>, vector<16xi32>], vector<16xf32>,
      %add3A_419 = arith.addf %add3A_413, %gather3A_418 : vector<16xf32>
      %broadcast_in_dim3A_420 = arith.constant 12 : i32
      %broadcast_in_dim3A_421 = vector.broadcast %broadcast_in_dim3A_420 : i32 to vector<16xi32>
      %gather3A_422 = tpu.vector_load_idx %arg20[%iota3A, %broadcast_in_dim3A_421] : memref<16x17xf32, #tpu.memory_space<vmem>>[vector<16xi32>, vector<16xi32>], vector<16xf32>,
      %add3A_423 = arith.addf %add3A_417, %gather3A_422 : vector<16xf32>
      %gather3A_424 = tpu.vector_load_idx %arg21[%iota3A, %broadcast_in_dim3A_421] : memref<16x17xf32, #tpu.memory_space<vmem>>[vector<16xi32>, vector<16xi32>], vector<16xf32>,
      %add3A_425 = arith.addf %add3A_419, %gather3A_424 : vector<16xf32>
      %broadcast_in_dim3A_426 = arith.constant 13 : i32
      %broadcast_in_dim3A_427 = vector.broadcast %broadcast_in_dim3A_426 : i32 to vector<16xi32>
      %gather3A_428 = tpu.vector_load_idx %arg20[%iota3A, %broadcast_in_dim3A_427] : memref<16x17xf32, #tpu.memory_space<vmem>>[vector<16xi32>, vector<16xi32>], vector<16xf32>,
      %add3A_429 = arith.addf %add3A_423, %gather3A_428 : vector<16xf32>
      %gather3A_430 = tpu.vector_load_idx %arg21[%iota3A, %broadcast_in_dim3A_427] : memref<16x17xf32, #tpu.memory_space<vmem>>[vector<16xi32>, vector<16xi32>], vector<16xf32>,
      %add3A_431 = arith.addf %add3A_425, %gather3A_430 : vector<16xf32>
      %broadcast_in_dim3A_432 = arith.constant 14 : i32
      %broadcast_in_dim3A_433 = vector.broadcast %broadcast_in_dim3A_432 : i32 to vector<16xi32>
      %gather3A_434 = tpu.vector_load_idx %arg20[%iota3A, %broadcast_in_dim3A_433] : memref<16x17xf32, #tpu.memory_space<vmem>>[vector<16xi32>, vector<16xi32>], vector<16xf32>,
      %add3A_435 = arith.addf %add3A_429, %gather3A_434 : vector<16xf32>
      %gather3A_436 = tpu.vector_load_idx %arg21[%iota3A, %broadcast_in_dim3A_433] : memref<16x17xf32, #tpu.memory_space<vmem>>[vector<16xi32>, vector<16xi32>], vector<16xf32>,
      %add3A_437 = arith.addf %add3A_431, %gather3A_436 : vector<16xf32>
      %broadcast_in_dim3A_438 = arith.constant 15 : i32
      %broadcast_in_dim3A_439 = vector.broadcast %broadcast_in_dim3A_438 : i32 to vector<16xi32>
      %gather3A_440 = tpu.vector_load_idx %arg20[%iota3A, %broadcast_in_dim3A_439] : memref<16x17xf32, #tpu.memory_space<vmem>>[vector<16xi32>, vector<16xi32>], vector<16xf32>,
      %add3A_441 = arith.addf %add3A_435, %gather3A_440 : vector<16xf32>
      %gather3A_442 = tpu.vector_load_idx %arg21[%iota3A, %broadcast_in_dim3A_439] : memref<16x17xf32, #tpu.memory_space<vmem>>[vector<16xi32>, vector<16xi32>], vector<16xf32>,
      %add3A_443 = arith.addf %add3A_437, %gather3A_442 : vector<16xf32>
      %mul3A_444 = arith.constant 0.00130208337 : f32
      %mul3A_445 = vector.broadcast %mul3A_444 : f32 to vector<16xf32>
      %mul3A_446 = arith.mulf %add3A_441, %mul3A_445 : vector<16xf32>
      %mul3A_447 = arith.constant 0.00130208337 : f32
      %mul3A_448 = vector.broadcast %mul3A_447 : f32 to vector<16xf32>
      %mul3A_449 = arith.mulf %add3A_443, %mul3A_448 : vector<16xf32>
      %mul3A_450 = arith.mulf %mul3A_446, %mul3A_446 : vector<16xf32>
      %sub3A_451 = arith.subf %mul3A_449, %mul3A_450 : vector<16xf32>
      %add3A_452 = arith.constant 9.99999996E-13 : f32
      %add3A_453 = vector.broadcast %add3A_452 : f32 to vector<16xf32>
      %add3A_454 = arith.addf %sub3A_451, %add3A_453 : vector<16xf32>
      %bitcast3A_455 = vector.bitcast %add3A_454 : vector<16xf32> to vector<16xi32>
      %shift_right_logical3A_456 = arith.constant 1 : i32
      %shift_right_logical3A_457 = vector.broadcast %shift_right_logical3A_456 : i32 to vector<16xi32>
      %shift_right_logical3A_458 = arith.shrui %bitcast3A_455, %shift_right_logical3A_457 : vector<16xi32>
      %sub3A_459 = arith.constant 1597463007 : i32
      %sub3A_460 = vector.broadcast %sub3A_459 : i32 to vector<16xi32>
      %sub3A_461 = arith.subi %sub3A_460, %shift_right_logical3A_458 : vector<16xi32>
      %bitcast3A_462 = vector.bitcast %sub3A_461 : vector<16xi32> to vector<16xf32>
      %mul3A_463 = arith.constant 5.000000e-01 : f32
      %mul3A_464 = vector.broadcast %mul3A_463 : f32 to vector<16xf32>
      %mul3A_465 = arith.mulf %mul3A_464, %add3A_454 : vector<16xf32>
      %mul3A_466 = arith.mulf %mul3A_465, %bitcast3A_462 : vector<16xf32>
      %mul3A_467 = arith.mulf %mul3A_466, %bitcast3A_462 : vector<16xf32>
      %sub3A_468 = arith.constant 1.500000e+00 : f32
      %sub3A_469 = vector.broadcast %sub3A_468 : f32 to vector<16xf32>
      %sub3A_470 = arith.subf %sub3A_469, %mul3A_467 : vector<16xf32>
      %mul3A_471 = arith.mulf %bitcast3A_462, %sub3A_470 : vector<16xf32>
      %mul3A_472 = arith.constant 5.000000e-01 : f32
      %mul3A_473 = vector.broadcast %mul3A_472 : f32 to vector<16xf32>
      %mul3A_474 = arith.mulf %mul3A_473, %add3A_454 : vector<16xf32>
      %mul3A_475 = arith.mulf %mul3A_474, %mul3A_471 : vector<16xf32>
      %mul3A_476 = arith.mulf %mul3A_475, %mul3A_471 : vector<16xf32>
      %sub3A_477 = arith.constant 1.500000e+00 : f32
      %sub3A_478 = vector.broadcast %sub3A_477 : f32 to vector<16xf32>
      %sub3A_479 = arith.subf %sub3A_478, %mul3A_476 : vector<16xf32>
      %mul3A_480 = arith.mulf %mul3A_471, %sub3A_479 : vector<16xf32>
      %mul3A_481 = arith.constant 5.000000e-01 : f32
      %mul3A_482 = vector.broadcast %mul3A_481 : f32 to vector<16xf32>
      %mul3A_483 = arith.mulf %mul3A_482, %add3A_454 : vector<16xf32>
      %mul3A_484 = arith.mulf %mul3A_483, %mul3A_480 : vector<16xf32>
      %mul3A_485 = arith.mulf %mul3A_484, %mul3A_480 : vector<16xf32>
      %sub3A_486 = arith.constant 1.500000e+00 : f32
      %sub3A_487 = vector.broadcast %sub3A_486 : f32 to vector<16xf32>
      %sub3A_488 = arith.subf %sub3A_487, %mul3A_485 : vector<16xf32>
      %mul3A_489 = arith.mulf %mul3A_480, %sub3A_488 : vector<16xf32>
      %mul3A_490 = arith.constant 5.000000e-01 : f32
      %mul3A_491 = vector.broadcast %mul3A_490 : f32 to vector<16xf32>
      %mul3A_492 = arith.mulf %mul3A_491, %add3A_454 : vector<16xf32>
      %mul3A_493 = arith.mulf %mul3A_492, %mul3A_489 : vector<16xf32>
      %mul3A_494 = arith.mulf %mul3A_493, %mul3A_489 : vector<16xf32>
      %sub3A_495 = arith.constant 1.500000e+00 : f32
      %sub3A_496 = vector.broadcast %sub3A_495 : f32 to vector<16xf32>
      %sub3A_497 = arith.subf %sub3A_496, %mul3A_494 : vector<16xf32>
      %mul3A_498 = arith.mulf %mul3A_489, %sub3A_497 : vector<16xf32>
      %mul3A_499 = arith.mulf %mul3A_446, %mul3A_498 : vector<16xf32>
      %ge3A_500 = arith.constant 2 : i32
      %ge3A_501 = arith.cmpi sge, %add3A_324, %ge3A_500 : i32
      %convert_element_type3A_502 = arith.extui %ge3A_501 : i1 to i32
      %cond3A_503 = arith.constant 0 : i32
      %cond3A_504 = arith.cmpi ne, %convert_element_type3A_502, %cond3A_503 : i32
      scf.if %cond3A_504 {
        %dma_wait3A_621 = arith.constant 0 : i32
        %dma_wait3A_622 = arith.constant 0 : i32
        %dma_wait3A_623 = arith.constant 0 : i32
        %dma_wait3A_624 = tpu.memref_slice %arg8[%dma_wait3A_621, %dma_wait3A_622, %dma_wait3A_623] : memref<1024x512x768xf32, #tpu.memory_space<hbm>> -> memref<1x16x768xf32, #tpu.memory_space<hbm>>
        %dma_wait3A_625 = tpu.memref_squeeze %dma_wait3A_624 : memref<1x16x768xf32, #tpu.memory_space<hbm>> -> memref<16x768xf32, #tpu.memory_space<hbm>>
        %dma_wait3A_626 = arith.constant 0 : i32
        %dma_wait3A_627 = arith.constant 0 : i32
        %dma_wait3A_628 = tpu.memref_slice %arg8[%dma_wait3A_621, %dma_wait3A_626, %dma_wait3A_627] : memref<1024x512x768xf32, #tpu.memory_space<hbm>> -> memref<1x16x768xf32, #tpu.memory_space<hbm>>
        %dma_wait3A_629 = tpu.memref_squeeze %dma_wait3A_628 : memref<1x16x768xf32, #tpu.memory_space<hbm>> -> memref<16x768xf32, #tpu.memory_space<hbm>>
        tpu.wait_dma2 semaphore(%arg27 : memref<!tpu.dma_semaphore, #tpu.memory_space<semaphore_mem>>) src(%arg18 : memref<16x768xf32, #tpu.memory_space<vmem>>) dst(%dma_wait3A_629 : memref<16x768xf32, #tpu.memory_space<hbm>>)
      } else {
      }
      %slice3A_505 = vector.extract_strided_slice %mul3A_498 {offsets = [0], sizes = [1], strides = [1]} : vector<16xf32> to vector<1xf32>
      %squeeze3A_506 = vector.extract %slice3A_505[0] : f32 from vector<1xf32>
      %broadcast_in_dim3A_507 = vector.broadcast %squeeze3A_506 : f32 to vector<16xf32>
      %slice3A_508 = vector.extract_strided_slice %mul3A_498 {offsets = [1], sizes = [1], strides = [1]} : vector<16xf32> to vector<1xf32>
      %squeeze3A_509 = vector.extract %slice3A_508[0] : f32 from vector<1xf32>
      %broadcast_in_dim3A_510 = vector.broadcast %squeeze3A_509 : f32 to vector<16xf32>
      %slice3A_511 = vector.extract_strided_slice %mul3A_498 {offsets = [2], sizes = [1], strides = [1]} : vector<16xf32> to vector<1xf32>
      %squeeze3A_512 = vector.extract %slice3A_511[0] : f32 from vector<1xf32>
      %broadcast_in_dim3A_513 = vector.broadcast %squeeze3A_512 : f32 to vector<16xf32>
      %slice3A_514 = vector.extract_strided_slice %mul3A_498 {offsets = [3], sizes = [1], strides = [1]} : vector<16xf32> to vector<1xf32>
      %squeeze3A_515 = vector.extract %slice3A_514[0] : f32 from vector<1xf32>
      %broadcast_in_dim3A_516 = vector.broadcast %squeeze3A_515 : f32 to vector<16xf32>
      %slice3A_517 = vector.extract_strided_slice %mul3A_498 {offsets = [4], sizes = [1], strides = [1]} : vector<16xf32> to vector<1xf32>
      %squeeze3A_518 = vector.extract %slice3A_517[0] : f32 from vector<1xf32>
      %broadcast_in_dim3A_519 = vector.broadcast %squeeze3A_518 : f32 to vector<16xf32>
      %slice3A_520 = vector.extract_strided_slice %mul3A_498 {offsets = [5], sizes = [1], strides = [1]} : vector<16xf32> to vector<1xf32>
      %squeeze3A_521 = vector.extract %slice3A_520[0] : f32 from vector<1xf32>
      %broadcast_in_dim3A_522 = vector.broadcast %squeeze3A_521 : f32 to vector<16xf32>
      %slice3A_523 = vector.extract_strided_slice %mul3A_498 {offsets = [6], sizes = [1], strides = [1]} : vector<16xf32> to vector<1xf32>
      %squeeze3A_524 = vector.extract %slice3A_523[0] : f32 from vector<1xf32>
      %broadcast_in_dim3A_525 = vector.broadcast %squeeze3A_524 : f32 to vector<16xf32>
      %slice3A_526 = vector.extract_strided_slice %mul3A_498 {offsets = [7], sizes = [1], strides = [1]} : vector<16xf32> to vector<1xf32>
      %squeeze3A_527 = vector.extract %slice3A_526[0] : f32 from vector<1xf32>
      %broadcast_in_dim3A_528 = vector.broadcast %squeeze3A_527 : f32 to vector<16xf32>
      %slice3A_529 = vector.extract_strided_slice %mul3A_498 {offsets = [8], sizes = [1], strides = [1]} : vector<16xf32> to vector<1xf32>
      %squeeze3A_530 = vector.extract %slice3A_529[0] : f32 from vector<1xf32>
      %broadcast_in_dim3A_531 = vector.broadcast %squeeze3A_530 : f32 to vector<16xf32>
      %slice3A_532 = vector.extract_strided_slice %mul3A_498 {offsets = [9], sizes = [1], strides = [1]} : vector<16xf32> to vector<1xf32>
      %squeeze3A_533 = vector.extract %slice3A_532[0] : f32 from vector<1xf32>
      %broadcast_in_dim3A_534 = vector.broadcast %squeeze3A_533 : f32 to vector<16xf32>
      %slice3A_535 = vector.extract_strided_slice %mul3A_498 {offsets = [10], sizes = [1], strides = [1]} : vector<16xf32> to vector<1xf32>
      %squeeze3A_536 = vector.extract %slice3A_535[0] : f32 from vector<1xf32>
      %broadcast_in_dim3A_537 = vector.broadcast %squeeze3A_536 : f32 to vector<16xf32>
      %slice3A_538 = vector.extract_strided_slice %mul3A_498 {offsets = [11], sizes = [1], strides = [1]} : vector<16xf32> to vector<1xf32>
      %squeeze3A_539 = vector.extract %slice3A_538[0] : f32 from vector<1xf32>
      %broadcast_in_dim3A_540 = vector.broadcast %squeeze3A_539 : f32 to vector<16xf32>
      %slice3A_541 = vector.extract_strided_slice %mul3A_498 {offsets = [12], sizes = [1], strides = [1]} : vector<16xf32> to vector<1xf32>
      %squeeze3A_542 = vector.extract %slice3A_541[0] : f32 from vector<1xf32>
      %broadcast_in_dim3A_543 = vector.broadcast %squeeze3A_542 : f32 to vector<16xf32>
      %slice3A_544 = vector.extract_strided_slice %mul3A_498 {offsets = [13], sizes = [1], strides = [1]} : vector<16xf32> to vector<1xf32>
      %squeeze3A_545 = vector.extract %slice3A_544[0] : f32 from vector<1xf32>
      %broadcast_in_dim3A_546 = vector.broadcast %squeeze3A_545 : f32 to vector<16xf32>
      %slice3A_547 = vector.extract_strided_slice %mul3A_498 {offsets = [14], sizes = [1], strides = [1]} : vector<16xf32> to vector<1xf32>
      %squeeze3A_548 = vector.extract %slice3A_547[0] : f32 from vector<1xf32>
      %broadcast_in_dim3A_549 = vector.broadcast %squeeze3A_548 : f32 to vector<16xf32>
      %slice3A_550 = vector.extract_strided_slice %mul3A_498 {offsets = [15], sizes = [1], strides = [1]} : vector<16xf32> to vector<1xf32>
      %squeeze3A_551 = vector.extract %slice3A_550[0] : f32 from vector<1xf32>
      %broadcast_in_dim3A_552 = vector.broadcast %squeeze3A_551 : f32 to vector<16xf32>
      %slice3A_553 = vector.extract_strided_slice %mul3A_499 {offsets = [0], sizes = [1], strides = [1]} : vector<16xf32> to vector<1xf32>
      %squeeze3A_554 = vector.extract %slice3A_553[0] : f32 from vector<1xf32>
      %broadcast_in_dim3A_555 = vector.broadcast %squeeze3A_554 : f32 to vector<16xf32>
      %slice3A_556 = vector.extract_strided_slice %mul3A_499 {offsets = [1], sizes = [1], strides = [1]} : vector<16xf32> to vector<1xf32>
      %squeeze3A_557 = vector.extract %slice3A_556[0] : f32 from vector<1xf32>
      %broadcast_in_dim3A_558 = vector.broadcast %squeeze3A_557 : f32 to vector<16xf32>
      %slice3A_559 = vector.extract_strided_slice %mul3A_499 {offsets = [2], sizes = [1], strides = [1]} : vector<16xf32> to vector<1xf32>
      %squeeze3A_560 = vector.extract %slice3A_559[0] : f32 from vector<1xf32>
      %broadcast_in_dim3A_561 = vector.broadcast %squeeze3A_560 : f32 to vector<16xf32>
      %slice3A_562 = vector.extract_strided_slice %mul3A_499 {offsets = [3], sizes = [1], strides = [1]} : vector<16xf32> to vector<1xf32>
      %squeeze3A_563 = vector.extract %slice3A_562[0] : f32 from vector<1xf32>
      %broadcast_in_dim3A_564 = vector.broadcast %squeeze3A_563 : f32 to vector<16xf32>
      %slice3A_565 = vector.extract_strided_slice %mul3A_499 {offsets = [4], sizes = [1], strides = [1]} : vector<16xf32> to vector<1xf32>
      %squeeze3A_566 = vector.extract %slice3A_565[0] : f32 from vector<1xf32>
      %broadcast_in_dim3A_567 = vector.broadcast %squeeze3A_566 : f32 to vector<16xf32>
      %slice3A_568 = vector.extract_strided_slice %mul3A_499 {offsets = [5], sizes = [1], strides = [1]} : vector<16xf32> to vector<1xf32>
      %squeeze3A_569 = vector.extract %slice3A_568[0] : f32 from vector<1xf32>
      %broadcast_in_dim3A_570 = vector.broadcast %squeeze3A_569 : f32 to vector<16xf32>
      %slice3A_571 = vector.extract_strided_slice %mul3A_499 {offsets = [6], sizes = [1], strides = [1]} : vector<16xf32> to vector<1xf32>
      %squeeze3A_572 = vector.extract %slice3A_571[0] : f32 from vector<1xf32>
      %broadcast_in_dim3A_573 = vector.broadcast %squeeze3A_572 : f32 to vector<16xf32>
      %slice3A_574 = vector.extract_strided_slice %mul3A_499 {offsets = [7], sizes = [1], strides = [1]} : vector<16xf32> to vector<1xf32>
      %squeeze3A_575 = vector.extract %slice3A_574[0] : f32 from vector<1xf32>
      %broadcast_in_dim3A_576 = vector.broadcast %squeeze3A_575 : f32 to vector<16xf32>
      %slice3A_577 = vector.extract_strided_slice %mul3A_499 {offsets = [8], sizes = [1], strides = [1]} : vector<16xf32> to vector<1xf32>
      %squeeze3A_578 = vector.extract %slice3A_577[0] : f32 from vector<1xf32>
      %broadcast_in_dim3A_579 = vector.broadcast %squeeze3A_578 : f32 to vector<16xf32>
      %slice3A_580 = vector.extract_strided_slice %mul3A_499 {offsets = [9], sizes = [1], strides = [1]} : vector<16xf32> to vector<1xf32>
      %squeeze3A_581 = vector.extract %slice3A_580[0] : f32 from vector<1xf32>
      %broadcast_in_dim3A_582 = vector.broadcast %squeeze3A_581 : f32 to vector<16xf32>
      %slice3A_583 = vector.extract_strided_slice %mul3A_499 {offsets = [10], sizes = [1], strides = [1]} : vector<16xf32> to vector<1xf32>
      %squeeze3A_584 = vector.extract %slice3A_583[0] : f32 from vector<1xf32>
      %broadcast_in_dim3A_585 = vector.broadcast %squeeze3A_584 : f32 to vector<16xf32>
      %slice3A_586 = vector.extract_strided_slice %mul3A_499 {offsets = [11], sizes = [1], strides = [1]} : vector<16xf32> to vector<1xf32>
      %squeeze3A_587 = vector.extract %slice3A_586[0] : f32 from vector<1xf32>
      %broadcast_in_dim3A_588 = vector.broadcast %squeeze3A_587 : f32 to vector<16xf32>
      %slice3A_589 = vector.extract_strided_slice %mul3A_499 {offsets = [12], sizes = [1], strides = [1]} : vector<16xf32> to vector<1xf32>
      %squeeze3A_590 = vector.extract %slice3A_589[0] : f32 from vector<1xf32>
      %broadcast_in_dim3A_591 = vector.broadcast %squeeze3A_590 : f32 to vector<16xf32>
      %slice3A_592 = vector.extract_strided_slice %mul3A_499 {offsets = [13], sizes = [1], strides = [1]} : vector<16xf32> to vector<1xf32>
      %squeeze3A_593 = vector.extract %slice3A_592[0] : f32 from vector<1xf32>
      %broadcast_in_dim3A_594 = vector.broadcast %squeeze3A_593 : f32 to vector<16xf32>
      %slice3A_595 = vector.extract_strided_slice %mul3A_499 {offsets = [14], sizes = [1], strides = [1]} : vector<16xf32> to vector<1xf32>
      %squeeze3A_596 = vector.extract %slice3A_595[0] : f32 from vector<1xf32>
      %broadcast_in_dim3A_597 = vector.broadcast %squeeze3A_596 : f32 to vector<16xf32>
      %slice3A_598 = vector.extract_strided_slice %mul3A_499 {offsets = [15], sizes = [1], strides = [1]} : vector<16xf32> to vector<1xf32>
      %squeeze3A_599 = vector.extract %slice3A_598[0] : f32 from vector<1xf32>
      %broadcast_in_dim3A_600 = vector.broadcast %squeeze3A_599 : f32 to vector<16xf32>
      %scan3A_601 = arith.constant 0 : i32
      %scan3A_602 = arith.constant 0 : i32
      %scan3A_603 = arith.constant 48 : i32
      %scan3A_604 = arith.addi %scan3A_602, %scan3A_603 : i32
      %scan3A_605 = arith.constant 1 : i32
      scf.for %scan3A_621 = %scan3A_602 to %scan3A_604 step %scan3A_605  : i32 {
        %mul3A_622 = arith.constant 16 : i32
        %mul3A_623 = arith.muli %scan3A_621, %mul3A_622 : i32
        %get3A_624 = arith.index_cast %mul3A_623 : i32 to index
        %get3A_625 = tpu.vector_load %arg11[%get3A_624] {strides = array<i32>} : memref<768xf32, #tpu.memory_space<vmem>>, vector<16xf32>,
        %get3A_626 = arith.index_cast %mul3A_623 : i32 to index
        %get3A_627 = tpu.vector_load %arg12[%get3A_626] {strides = array<i32>} : memref<768xf32, #tpu.memory_space<vmem>>, vector<16xf32>,
        %get3A_628 = arith.constant 0 : i32
        %get3A_629 = arith.index_cast %get3A_628 : i32 to index
        %get3A_630 = arith.index_cast %mul3A_623 : i32 to index
        %get3A_631 = tpu.vector_load %arg19[%get3A_629, %get3A_630] {strides = array<i32>} : memref<16x768xf32, #tpu.memory_space<vmem>>, vector<16xf32>,
        %get3A_632 = arith.constant 1 : i32
        %get3A_633 = arith.index_cast %get3A_632 : i32 to index
        %get3A_634 = arith.index_cast %mul3A_623 : i32 to index
        %get3A_635 = tpu.vector_load %arg19[%get3A_633, %get3A_634] {strides = array<i32>} : memref<16x768xf32, #tpu.memory_space<vmem>>, vector<16xf32>,
        %get3A_636 = arith.constant 2 : i32
        %get3A_637 = arith.index_cast %get3A_636 : i32 to index
        %get3A_638 = arith.index_cast %mul3A_623 : i32 to index
        %get3A_639 = tpu.vector_load %arg19[%get3A_637, %get3A_638] {strides = array<i32>} : memref<16x768xf32, #tpu.memory_space<vmem>>, vector<16xf32>,
        %get3A_640 = arith.constant 3 : i32
        %get3A_641 = arith.index_cast %get3A_640 : i32 to index
        %get3A_642 = arith.index_cast %mul3A_623 : i32 to index
        %get3A_643 = tpu.vector_load %arg19[%get3A_641, %get3A_642] {strides = array<i32>} : memref<16x768xf32, #tpu.memory_space<vmem>>, vector<16xf32>,
        %get3A_644 = arith.constant 4 : i32
        %get3A_645 = arith.index_cast %get3A_644 : i32 to index
        %get3A_646 = arith.index_cast %mul3A_623 : i32 to index
        %get3A_647 = tpu.vector_load %arg19[%get3A_645, %get3A_646] {strides = array<i32>} : memref<16x768xf32, #tpu.memory_space<vmem>>, vector<16xf32>,
        %get3A_648 = arith.constant 5 : i32
        %get3A_649 = arith.index_cast %get3A_648 : i32 to index
        %get3A_650 = arith.index_cast %mul3A_623 : i32 to index
        %get3A_651 = tpu.vector_load %arg19[%get3A_649, %get3A_650] {strides = array<i32>} : memref<16x768xf32, #tpu.memory_space<vmem>>, vector<16xf32>,
        %get3A_652 = arith.constant 6 : i32
        %get3A_653 = arith.index_cast %get3A_652 : i32 to index
        %get3A_654 = arith.index_cast %mul3A_623 : i32 to index
        %get3A_655 = tpu.vector_load %arg19[%get3A_653, %get3A_654] {strides = array<i32>} : memref<16x768xf32, #tpu.memory_space<vmem>>, vector<16xf32>,
        %get3A_656 = arith.constant 7 : i32
        %get3A_657 = arith.index_cast %get3A_656 : i32 to index
        %get3A_658 = arith.index_cast %mul3A_623 : i32 to index
        %get3A_659 = tpu.vector_load %arg19[%get3A_657, %get3A_658] {strides = array<i32>} : memref<16x768xf32, #tpu.memory_space<vmem>>, vector<16xf32>,
        %get3A_660 = arith.constant 8 : i32
        %get3A_661 = arith.index_cast %get3A_660 : i32 to index
        %get3A_662 = arith.index_cast %mul3A_623 : i32 to index
        %get3A_663 = tpu.vector_load %arg19[%get3A_661, %get3A_662] {strides = array<i32>} : memref<16x768xf32, #tpu.memory_space<vmem>>, vector<16xf32>,
        %get3A_664 = arith.constant 9 : i32
        %get3A_665 = arith.index_cast %get3A_664 : i32 to index
        %get3A_666 = arith.index_cast %mul3A_623 : i32 to index
        %get3A_667 = tpu.vector_load %arg19[%get3A_665, %get3A_666] {strides = array<i32>} : memref<16x768xf32, #tpu.memory_space<vmem>>, vector<16xf32>,
        %get3A_668 = arith.constant 10 : i32
        %get3A_669 = arith.index_cast %get3A_668 : i32 to index
        %get3A_670 = arith.index_cast %mul3A_623 : i32 to index
        %get3A_671 = tpu.vector_load %arg19[%get3A_669, %get3A_670] {strides = array<i32>} : memref<16x768xf32, #tpu.memory_space<vmem>>, vector<16xf32>,
        %get3A_672 = arith.constant 11 : i32
        %get3A_673 = arith.index_cast %get3A_672 : i32 to index
        %get3A_674 = arith.index_cast %mul3A_623 : i32 to index
        %get3A_675 = tpu.vector_load %arg19[%get3A_673, %get3A_674] {strides = array<i32>} : memref<16x768xf32, #tpu.memory_space<vmem>>, vector<16xf32>,
        %get3A_676 = arith.constant 12 : i32
        %get3A_677 = arith.index_cast %get3A_676 : i32 to index
        %get3A_678 = arith.index_cast %mul3A_623 : i32 to index
        %get3A_679 = tpu.vector_load %arg19[%get3A_677, %get3A_678] {strides = array<i32>} : memref<16x768xf32, #tpu.memory_space<vmem>>, vector<16xf32>,
        %get3A_680 = arith.constant 13 : i32
        %get3A_681 = arith.index_cast %get3A_680 : i32 to index
        %get3A_682 = arith.index_cast %mul3A_623 : i32 to index
        %get3A_683 = tpu.vector_load %arg19[%get3A_681, %get3A_682] {strides = array<i32>} : memref<16x768xf32, #tpu.memory_space<vmem>>, vector<16xf32>,
        %get3A_684 = arith.constant 14 : i32
        %get3A_685 = arith.index_cast %get3A_684 : i32 to index
        %get3A_686 = arith.index_cast %mul3A_623 : i32 to index
        %get3A_687 = tpu.vector_load %arg19[%get3A_685, %get3A_686] {strides = array<i32>} : memref<16x768xf32, #tpu.memory_space<vmem>>, vector<16xf32>,
        %get3A_688 = arith.constant 15 : i32
        %get3A_689 = arith.index_cast %get3A_688 : i32 to index
        %get3A_690 = arith.index_cast %mul3A_623 : i32 to index
        %get3A_691 = tpu.vector_load %arg19[%get3A_689, %get3A_690] {strides = array<i32>} : memref<16x768xf32, #tpu.memory_space<vmem>>, vector<16xf32>,
        %mul3A_692 = arith.mulf %get3A_631, %broadcast_in_dim3A_507 : vector<16xf32>
        %sub3A_693 = arith.subf %mul3A_692, %broadcast_in_dim3A_555 : vector<16xf32>
        %mul3A_694 = arith.mulf %sub3A_693, %get3A_625 : vector<16xf32>
        %add3A_695 = arith.addf %mul3A_694, %get3A_627 : vector<16xf32>
        %mul3A_696 = arith.mulf %get3A_635, %broadcast_in_dim3A_510 : vector<16xf32>
        %sub3A_697 = arith.subf %mul3A_696, %broadcast_in_dim3A_558 : vector<16xf32>
        %mul3A_698 = arith.mulf %sub3A_697, %get3A_625 : vector<16xf32>
        %add3A_699 = arith.addf %mul3A_698, %get3A_627 : vector<16xf32>
        %mul3A_700 = arith.mulf %get3A_639, %broadcast_in_dim3A_513 : vector<16xf32>
        %sub3A_701 = arith.subf %mul3A_700, %broadcast_in_dim3A_561 : vector<16xf32>
        %mul3A_702 = arith.mulf %sub3A_701, %get3A_625 : vector<16xf32>
        %add3A_703 = arith.addf %mul3A_702, %get3A_627 : vector<16xf32>
        %mul3A_704 = arith.mulf %get3A_643, %broadcast_in_dim3A_516 : vector<16xf32>
        %sub3A_705 = arith.subf %mul3A_704, %broadcast_in_dim3A_564 : vector<16xf32>
        %mul3A_706 = arith.mulf %sub3A_705, %get3A_625 : vector<16xf32>
        %add3A_707 = arith.addf %mul3A_706, %get3A_627 : vector<16xf32>
        %mul3A_708 = arith.mulf %get3A_647, %broadcast_in_dim3A_519 : vector<16xf32>
        %sub3A_709 = arith.subf %mul3A_708, %broadcast_in_dim3A_567 : vector<16xf32>
        %mul3A_710 = arith.mulf %sub3A_709, %get3A_625 : vector<16xf32>
        %add3A_711 = arith.addf %mul3A_710, %get3A_627 : vector<16xf32>
        %mul3A_712 = arith.mulf %get3A_651, %broadcast_in_dim3A_522 : vector<16xf32>
        %sub3A_713 = arith.subf %mul3A_712, %broadcast_in_dim3A_570 : vector<16xf32>
        %mul3A_714 = arith.mulf %sub3A_713, %get3A_625 : vector<16xf32>
        %add3A_715 = arith.addf %mul3A_714, %get3A_627 : vector<16xf32>
        %mul3A_716 = arith.mulf %get3A_655, %broadcast_in_dim3A_525 : vector<16xf32>
        %sub3A_717 = arith.subf %mul3A_716, %broadcast_in_dim3A_573 : vector<16xf32>
        %mul3A_718 = arith.mulf %sub3A_717, %get3A_625 : vector<16xf32>
        %add3A_719 = arith.addf %mul3A_718, %get3A_627 : vector<16xf32>
        %mul3A_720 = arith.mulf %get3A_659, %broadcast_in_dim3A_528 : vector<16xf32>
        %sub3A_721 = arith.subf %mul3A_720, %broadcast_in_dim3A_576 : vector<16xf32>
        %mul3A_722 = arith.mulf %sub3A_721, %get3A_625 : vector<16xf32>
        %add3A_723 = arith.addf %mul3A_722, %get3A_627 : vector<16xf32>
        %mul3A_724 = arith.mulf %get3A_663, %broadcast_in_dim3A_531 : vector<16xf32>
        %sub3A_725 = arith.subf %mul3A_724, %broadcast_in_dim3A_579 : vector<16xf32>
        %mul3A_726 = arith.mulf %sub3A_725, %get3A_625 : vector<16xf32>
        %add3A_727 = arith.addf %mul3A_726, %get3A_627 : vector<16xf32>
        %mul3A_728 = arith.mulf %get3A_667, %broadcast_in_dim3A_534 : vector<16xf32>
        %sub3A_729 = arith.subf %mul3A_728, %broadcast_in_dim3A_582 : vector<16xf32>
        %mul3A_730 = arith.mulf %sub3A_729, %get3A_625 : vector<16xf32>
        %add3A_731 = arith.addf %mul3A_730, %get3A_627 : vector<16xf32>
        %mul3A_732 = arith.mulf %get3A_671, %broadcast_in_dim3A_537 : vector<16xf32>
        %sub3A_733 = arith.subf %mul3A_732, %broadcast_in_dim3A_585 : vector<16xf32>
        %mul3A_734 = arith.mulf %sub3A_733, %get3A_625 : vector<16xf32>
        %add3A_735 = arith.addf %mul3A_734, %get3A_627 : vector<16xf32>
        %mul3A_736 = arith.mulf %get3A_675, %broadcast_in_dim3A_540 : vector<16xf32>
        %sub3A_737 = arith.subf %mul3A_736, %broadcast_in_dim3A_588 : vector<16xf32>
        %mul3A_738 = arith.mulf %sub3A_737, %get3A_625 : vector<16xf32>
        %add3A_739 = arith.addf %mul3A_738, %get3A_627 : vector<16xf32>
        %mul3A_740 = arith.mulf %get3A_679, %broadcast_in_dim3A_543 : vector<16xf32>
        %sub3A_741 = arith.subf %mul3A_740, %broadcast_in_dim3A_591 : vector<16xf32>
        %mul3A_742 = arith.mulf %sub3A_741, %get3A_625 : vector<16xf32>
        %add3A_743 = arith.addf %mul3A_742, %get3A_627 : vector<16xf32>
        %mul3A_744 = arith.mulf %get3A_683, %broadcast_in_dim3A_546 : vector<16xf32>
        %sub3A_745 = arith.subf %mul3A_744, %broadcast_in_dim3A_594 : vector<16xf32>
        %mul3A_746 = arith.mulf %sub3A_745, %get3A_625 : vector<16xf32>
        %add3A_747 = arith.addf %mul3A_746, %get3A_627 : vector<16xf32>
        %mul3A_748 = arith.mulf %get3A_687, %broadcast_in_dim3A_549 : vector<16xf32>
        %sub3A_749 = arith.subf %mul3A_748, %broadcast_in_dim3A_597 : vector<16xf32>
        %mul3A_750 = arith.mulf %sub3A_749, %get3A_625 : vector<16xf32>
        %add3A_751 = arith.addf %mul3A_750, %get3A_627 : vector<16xf32>
        %mul3A_752 = arith.mulf %get3A_691, %broadcast_in_dim3A_552 : vector<16xf32>
        %sub3A_753 = arith.subf %mul3A_752, %broadcast_in_dim3A_600 : vector<16xf32>
        %mul3A_754 = arith.mulf %sub3A_753, %get3A_625 : vector<16xf32>
        %add3A_755 = arith.addf %mul3A_754, %get3A_627 : vector<16xf32>
        %swap3A = arith.constant 0 : i32
        %swap3A_756 = arith.index_cast %swap3A : i32 to index
        %swap3A_757 = arith.index_cast %mul3A_623 : i32 to index
        %swap3A_758 = tpu.vector_load %arg18[%swap3A_756, %swap3A_757] {strides = array<i32>} : memref<16x768xf32, #tpu.memory_space<vmem>>, vector<16xf32>,
        tpu.vector_store %arg18[%swap3A_756, %swap3A_757], %add3A_695 {strides = array<i32>} : memref<16x768xf32, #tpu.memory_space<vmem>>, vector<16xf32>,
        %swap3A_759 = arith.constant 1 : i32
        %swap3A_760 = arith.index_cast %swap3A_759 : i32 to index
        %swap3A_761 = arith.index_cast %mul3A_623 : i32 to index
        %swap3A_762 = tpu.vector_load %arg18[%swap3A_760, %swap3A_761] {strides = array<i32>} : memref<16x768xf32, #tpu.memory_space<vmem>>, vector<16xf32>,
        tpu.vector_store %arg18[%swap3A_760, %swap3A_761], %add3A_699 {strides = array<i32>} : memref<16x768xf32, #tpu.memory_space<vmem>>, vector<16xf32>,
        %swap3A_763 = arith.constant 2 : i32
        %swap3A_764 = arith.index_cast %swap3A_763 : i32 to index
        %swap3A_765 = arith.index_cast %mul3A_623 : i32 to index
        %swap3A_766 = tpu.vector_load %arg18[%swap3A_764, %swap3A_765] {strides = array<i32>} : memref<16x768xf32, #tpu.memory_space<vmem>>, vector<16xf32>,
        tpu.vector_store %arg18[%swap3A_764, %swap3A_765], %add3A_703 {strides = array<i32>} : memref<16x768xf32, #tpu.memory_space<vmem>>, vector<16xf32>,
        %swap3A_767 = arith.constant 3 : i32
        %swap3A_768 = arith.index_cast %swap3A_767 : i32 to index
        %swap3A_769 = arith.index_cast %mul3A_623 : i32 to index
        %swap3A_770 = tpu.vector_load %arg18[%swap3A_768, %swap3A_769] {strides = array<i32>} : memref<16x768xf32, #tpu.memory_space<vmem>>, vector<16xf32>,
        tpu.vector_store %arg18[%swap3A_768, %swap3A_769], %add3A_707 {strides = array<i32>} : memref<16x768xf32, #tpu.memory_space<vmem>>, vector<16xf32>,
        %swap3A_771 = arith.constant 4 : i32
        %swap3A_772 = arith.index_cast %swap3A_771 : i32 to index
        %swap3A_773 = arith.index_cast %mul3A_623 : i32 to index
        %swap3A_774 = tpu.vector_load %arg18[%swap3A_772, %swap3A_773] {strides = array<i32>} : memref<16x768xf32, #tpu.memory_space<vmem>>, vector<16xf32>,
        tpu.vector_store %arg18[%swap3A_772, %swap3A_773], %add3A_711 {strides = array<i32>} : memref<16x768xf32, #tpu.memory_space<vmem>>, vector<16xf32>,
        %swap3A_775 = arith.constant 5 : i32
        %swap3A_776 = arith.index_cast %swap3A_775 : i32 to index
        %swap3A_777 = arith.index_cast %mul3A_623 : i32 to index
        %swap3A_778 = tpu.vector_load %arg18[%swap3A_776, %swap3A_777] {strides = array<i32>} : memref<16x768xf32, #tpu.memory_space<vmem>>, vector<16xf32>,
        tpu.vector_store %arg18[%swap3A_776, %swap3A_777], %add3A_715 {strides = array<i32>} : memref<16x768xf32, #tpu.memory_space<vmem>>, vector<16xf32>,
        %swap3A_779 = arith.constant 6 : i32
        %swap3A_780 = arith.index_cast %swap3A_779 : i32 to index
        %swap3A_781 = arith.index_cast %mul3A_623 : i32 to index
        %swap3A_782 = tpu.vector_load %arg18[%swap3A_780, %swap3A_781] {strides = array<i32>} : memref<16x768xf32, #tpu.memory_space<vmem>>, vector<16xf32>,
        tpu.vector_store %arg18[%swap3A_780, %swap3A_781], %add3A_719 {strides = array<i32>} : memref<16x768xf32, #tpu.memory_space<vmem>>, vector<16xf32>,
        %swap3A_783 = arith.constant 7 : i32
        %swap3A_784 = arith.index_cast %swap3A_783 : i32 to index
        %swap3A_785 = arith.index_cast %mul3A_623 : i32 to index
        %swap3A_786 = tpu.vector_load %arg18[%swap3A_784, %swap3A_785] {strides = array<i32>} : memref<16x768xf32, #tpu.memory_space<vmem>>, vector<16xf32>,
        tpu.vector_store %arg18[%swap3A_784, %swap3A_785], %add3A_723 {strides = array<i32>} : memref<16x768xf32, #tpu.memory_space<vmem>>, vector<16xf32>,
        %swap3A_787 = arith.constant 8 : i32
        %swap3A_788 = arith.index_cast %swap3A_787 : i32 to index
        %swap3A_789 = arith.index_cast %mul3A_623 : i32 to index
        %swap3A_790 = tpu.vector_load %arg18[%swap3A_788, %swap3A_789] {strides = array<i32>} : memref<16x768xf32, #tpu.memory_space<vmem>>, vector<16xf32>,
        tpu.vector_store %arg18[%swap3A_788, %swap3A_789], %add3A_727 {strides = array<i32>} : memref<16x768xf32, #tpu.memory_space<vmem>>, vector<16xf32>,
        %swap3A_791 = arith.constant 9 : i32
        %swap3A_792 = arith.index_cast %swap3A_791 : i32 to index
        %swap3A_793 = arith.index_cast %mul3A_623 : i32 to index
        %swap3A_794 = tpu.vector_load %arg18[%swap3A_792, %swap3A_793] {strides = array<i32>} : memref<16x768xf32, #tpu.memory_space<vmem>>, vector<16xf32>,
        tpu.vector_store %arg18[%swap3A_792, %swap3A_793], %add3A_731 {strides = array<i32>} : memref<16x768xf32, #tpu.memory_space<vmem>>, vector<16xf32>,
        %swap3A_795 = arith.constant 10 : i32
        %swap3A_796 = arith.index_cast %swap3A_795 : i32 to index
        %swap3A_797 = arith.index_cast %mul3A_623 : i32 to index
        %swap3A_798 = tpu.vector_load %arg18[%swap3A_796, %swap3A_797] {strides = array<i32>} : memref<16x768xf32, #tpu.memory_space<vmem>>, vector<16xf32>,
        tpu.vector_store %arg18[%swap3A_796, %swap3A_797], %add3A_735 {strides = array<i32>} : memref<16x768xf32, #tpu.memory_space<vmem>>, vector<16xf32>,
        %swap3A_799 = arith.constant 11 : i32
        %swap3A_800 = arith.index_cast %swap3A_799 : i32 to index
        %swap3A_801 = arith.index_cast %mul3A_623 : i32 to index
        %swap3A_802 = tpu.vector_load %arg18[%swap3A_800, %swap3A_801] {strides = array<i32>} : memref<16x768xf32, #tpu.memory_space<vmem>>, vector<16xf32>,
        tpu.vector_store %arg18[%swap3A_800, %swap3A_801], %add3A_739 {strides = array<i32>} : memref<16x768xf32, #tpu.memory_space<vmem>>, vector<16xf32>,
        %swap3A_803 = arith.constant 12 : i32
        %swap3A_804 = arith.index_cast %swap3A_803 : i32 to index
        %swap3A_805 = arith.index_cast %mul3A_623 : i32 to index
        %swap3A_806 = tpu.vector_load %arg18[%swap3A_804, %swap3A_805] {strides = array<i32>} : memref<16x768xf32, #tpu.memory_space<vmem>>, vector<16xf32>,
        tpu.vector_store %arg18[%swap3A_804, %swap3A_805], %add3A_743 {strides = array<i32>} : memref<16x768xf32, #tpu.memory_space<vmem>>, vector<16xf32>,
        %swap3A_807 = arith.constant 13 : i32
        %swap3A_808 = arith.index_cast %swap3A_807 : i32 to index
        %swap3A_809 = arith.index_cast %mul3A_623 : i32 to index
        %swap3A_810 = tpu.vector_load %arg18[%swap3A_808, %swap3A_809] {strides = array<i32>} : memref<16x768xf32, #tpu.memory_space<vmem>>, vector<16xf32>,
        tpu.vector_store %arg18[%swap3A_808, %swap3A_809], %add3A_747 {strides = array<i32>} : memref<16x768xf32, #tpu.memory_space<vmem>>, vector<16xf32>,
        %swap3A_811 = arith.constant 14 : i32
        %swap3A_812 = arith.index_cast %swap3A_811 : i32 to index
        %swap3A_813 = arith.index_cast %mul3A_623 : i32 to index
        %swap3A_814 = tpu.vector_load %arg18[%swap3A_812, %swap3A_813] {strides = array<i32>} : memref<16x768xf32, #tpu.memory_space<vmem>>, vector<16xf32>,
        tpu.vector_store %arg18[%swap3A_812, %swap3A_813], %add3A_751 {strides = array<i32>} : memref<16x768xf32, #tpu.memory_space<vmem>>, vector<16xf32>,
        %swap3A_815 = arith.constant 15 : i32
        %swap3A_816 = arith.index_cast %swap3A_815 : i32 to index
        %swap3A_817 = arith.index_cast %mul3A_623 : i32 to index
        %swap3A_818 = tpu.vector_load %arg18[%swap3A_816, %swap3A_817] {strides = array<i32>} : memref<16x768xf32, #tpu.memory_space<vmem>>, vector<16xf32>,
        tpu.vector_store %arg18[%swap3A_816, %swap3A_817], %add3A_755 {strides = array<i32>} : memref<16x768xf32, #tpu.memory_space<vmem>>, vector<16xf32>,
      }
      %scan3A_606 = arith.constant 48 : i32
      %mul3A_607 = arith.constant 16 : i32
      %mul3A_608 = arith.muli %add3A_324, %mul3A_607 : i32
      %add3A_609 = arith.addi %mul3A_2, %mul3A_608 : i32
      %shift_right_logical3A_610 = arith.constant 9 : i32
      %shift_right_logical3A_611 = arith.shrui %add3A_609, %shift_right_logical3A_610 : i32
      %and3A_612 = arith.constant 511 : i32
      %and3A_613 = arith.andi %add3A_609, %and3A_612 : i32
      %multiple_of3A_614 = tpu.assume_multiple %and3A_613, 16 : i32
      %dma_start3A_615 = arith.constant 0 : i32
      %dma_start3A_616 = tpu.memref_slice %arg8[%shift_right_logical3A_611, %multiple_of3A_614, %dma_start3A_615] : memref<1024x512x768xf32, #tpu.memory_space<hbm>> -> memref<1x16x768xf32, #tpu.memory_space<hbm>>
      %dma_start3A_617 = tpu.memref_squeeze %dma_start3A_616 : memref<1x16x768xf32, #tpu.memory_space<hbm>> -> memref<16x768xf32, #tpu.memory_space<hbm>>
      %dma_start3A_618 = arith.constant 0 : i32
      %dma_start3A_619 = tpu.memref_slice %arg8[%shift_right_logical3A_611, %multiple_of3A_614, %dma_start3A_618] : memref<1024x512x768xf32, #tpu.memory_space<hbm>> -> memref<1x16x768xf32, #tpu.memory_space<hbm>>
      %dma_start3A_620 = tpu.memref_squeeze %dma_start3A_619 : memref<1x16x768xf32, #tpu.memory_space<hbm>> -> memref<16x768xf32, #tpu.memory_space<hbm>>
      tpu.enqueue_dma source(%arg18 : memref<16x768xf32, #tpu.memory_space<vmem>>) target(%dma_start3A_620 : memref<16x768xf32, #tpu.memory_space<hbm>>) target_semaphore(%arg27 : memref<!tpu.dma_semaphore, #tpu.memory_space<semaphore_mem>>)
    }
    %scan3A_15 = arith.constant 512 : i32
    %dma_wait3A = arith.constant 0 : i32
    %dma_wait3A_16 = arith.constant 0 : i32
    %dma_wait3A_17 = arith.constant 0 : i32
    %dma_wait3A_18 = tpu.memref_slice %arg8[%dma_wait3A, %dma_wait3A_16, %dma_wait3A_17] : memref<1024x512x768xf32, #tpu.memory_space<hbm>> -> memref<1x16x768xf32, #tpu.memory_space<hbm>>
    %dma_wait3A_19 = tpu.memref_squeeze %dma_wait3A_18 : memref<1x16x768xf32, #tpu.memory_space<hbm>> -> memref<16x768xf32, #tpu.memory_space<hbm>>
    %dma_wait3A_20 = arith.constant 0 : i32
    %dma_wait3A_21 = arith.constant 0 : i32
    %dma_wait3A_22 = tpu.memref_slice %arg8[%dma_wait3A, %dma_wait3A_20, %dma_wait3A_21] : memref<1024x512x768xf32, #tpu.memory_space<hbm>> -> memref<1x16x768xf32, #tpu.memory_space<hbm>>
    %dma_wait3A_23 = tpu.memref_squeeze %dma_wait3A_22 : memref<1x16x768xf32, #tpu.memory_space<hbm>> -> memref<16x768xf32, #tpu.memory_space<hbm>>
    tpu.wait_dma2 semaphore(%arg26 : memref<!tpu.dma_semaphore, #tpu.memory_space<semaphore_mem>>) src(%arg17 : memref<16x768xf32, #tpu.memory_space<vmem>>) dst(%dma_wait3A_23 : memref<16x768xf32, #tpu.memory_space<hbm>>)
    %dma_wait3A_24 = arith.constant 0 : i32
    %dma_wait3A_25 = arith.constant 0 : i32
    %dma_wait3A_26 = arith.constant 0 : i32
    %dma_wait3A_27 = tpu.memref_slice %arg8[%dma_wait3A_24, %dma_wait3A_25, %dma_wait3A_26] : memref<1024x512x768xf32, #tpu.memory_space<hbm>> -> memref<1x16x768xf32, #tpu.memory_space<hbm>>
    %dma_wait3A_28 = tpu.memref_squeeze %dma_wait3A_27 : memref<1x16x768xf32, #tpu.memory_space<hbm>> -> memref<16x768xf32, #tpu.memory_space<hbm>>
    %dma_wait3A_29 = arith.constant 0 : i32
    %dma_wait3A_30 = arith.constant 0 : i32
    %dma_wait3A_31 = tpu.memref_slice %arg8[%dma_wait3A_24, %dma_wait3A_29, %dma_wait3A_30] : memref<1024x512x768xf32, #tpu.memory_space<hbm>> -> memref<1x16x768xf32, #tpu.memory_space<hbm>>
    %dma_wait3A_32 = tpu.memref_squeeze %dma_wait3A_31 : memref<1x16x768xf32, #tpu.memory_space<hbm>> -> memref<16x768xf32, #tpu.memory_space<hbm>>
    tpu.wait_dma2 semaphore(%arg27 : memref<!tpu.dma_semaphore, #tpu.memory_space<semaphore_mem>>) src(%arg18 : memref<16x768xf32, #tpu.memory_space<vmem>>) dst(%dma_wait3A_32 : memref<16x768xf32, #tpu.memory_space<hbm>>)
    return
  }
}

</mosaic_0001>

<sc_bundles>
// kernel: kernel.3.cloned.1.call-start
scs
__scs_entry_jumppad:
0x0: {  	(pc) =	sbr.rel $0x88, $3  }
0x1: {  	(tag) =	ssettag $0x0;
	lr =	simm.s32 $0x1  }
0x2: {  	[smem:$0x3F99] =	sst lr;
	_ =	strace $0xD0000000  }
0x3: {  	_ = 	snop  }
0x4: {  	_ = 	snop  }
0x5: {  	_ = 	snop  }
0x6: {  	_ = 	snop  }
0x7: {  	_ = 	snop  }
__scs_overlays_trampoline_lowered:
0x8: {  	[smem:$0x3FA8] =	sst s0  }
0x9: {  	[smem:$0x3FA9] =	sst s1  }
0xa: {  	[smem:$0x3FAA] =	sst s2  }
0xb: {  	[smem:$0x3FAB] =	sst s3  }
0xc: {  	[smem:$0x3FAC] =	sst s4  }
0xd: {  	[smem:$0x3FAD] =	sst s5  }
0xe: {  	[smem:$0x3FAE] =	sst s6  }
0xf: {  	[smem:$0x3FAF] =	sst s7  }
0x10: {  	[smem:$0x3FB0] =	sst s8  }
0x11: {  	[smem:$0x3FB1] =	sst s9;
	s0 =	simm.s32 @!p0 $0x0  }
0x12: {  	s1 =	sld [smem:$0x3F97];
	s0 =	simm.s32 @p0 $0x1  }
0x13: {  	[smem:$0x3FB2] =	sst s0;
	s0 =	simm.s32 @!p1 $0x0  }
0x14: {  	s2 =	sld [smem:$0x3F96];
	s0 =	simm.s32 @p1 $0x1  }
0x15: {  	[smem:$0x3FB3] =	sst s0;
	s0 =	simm.s32 @!p2 $0x0  }
0x16: {  	s3 =	sld [smem:$0x3FDB];
	s0 =	simm.s32 @p2 $0x1  }
0x17: {  	s4 =	simm.s32 $0x1BF5;
	[smem:$0x3FB5] =	sst s0  }
0x18: {  	s0 =	sld [smem:$0x3F98];
	_ =	swait.ge [sflag:s4], $0x0  }
0x19: {  	s7 =	sld [smem:$0x3F99]  }
0x1a: {  	s8 =	sadd.s32 $0xFFFFE003, lr  }
0x1b: {  	s9 =	sadd.s32 $0xFFFFFEF7, lr;
	s5 =	simm.s32 $0xFFFFFFFF;
	p2 =	slt.u32 s8, $0xFFFFF086  }
0x1c: {  	p1 =	slt.u32 s9, $0xF7A;
	s5 =	simm.s32 @!p2 $0x0  }
0x1d: {  	s5 =	simm.s32 @p1 $0x1;
	p0 =	seq.s32 s7, s2  }
0x1e: {  	s7 =	smul.u32 @!p0 $0xF7A, s2;
	p2 =	seq.s32 @!p0 s5, $0x0  }
0x1f: {  	s9 =	smul.u32 $0xF7A, s1;
	s8 =	simm.s32 @!p0 $0x1BF5;
	p2 =	por !p2, p0  }
0x20: {  	[sflag:s8] =	ssyncset.s32 @!p0 $0xFFFFF086;
	s6 =	sadd.s32 @!p0 s3, s7;
	s7 =	simm.s32 @!p0 $0x108  }
0x21: {  	s3 =	sadd.s32 s3, s9;
	s6 =	sadd.s32 @!p0 $0x88, s6;
	s7 =	simm.s32 @p2 $0x1082  }
0x22: {  	[simem:s7], [sflag:s8] =	dma.local @!p0 [hbm:s6], $0xF7A  }
0x23: {  	s9 =	sor.u32 $0xD0000000, s2;
	s6 =	simm.s32 $0x108;
	_ =	swait.ge @!p0 [sflag:s8], $0x0  }
0x24: {  	s3 =	sadd.s32 $0x88, s3;
	s6 =	simm.s32 @!p1 $0x1082;
	[sflag:s4] =	ssyncset.s32 $0xFFFFF086  }
0x25: {  	[simem:s6], [sflag:s4] =	dma.local [hbm:s3], $0xF7A  }
0x26: {  	[smem:$0x3F99] =	sst s1;
	(tag) =	ssettag s2;
	_ =	strace s9  }
0x27: {  	s1 =	sld [smem:$0x3FA9]  }
0x28: {  	s2 =	sld [smem:$0x3FAA]  }
0x29: {  	s4 =	sld [smem:$0x3FAC]  }
0x2a: {  	p0 =	seq.s32 s5, $0x0;
	s5 =	sld [smem:$0x3FAD]  }
0x2b: {  	s6 =	sld [smem:$0x3FAE]  }
0x2c: {  	s7 =	sld [smem:$0x3FAF]  }
0x2d: {  	s3 =	simm.s32 $0x108;
	s8 =	sld [smem:$0x3FB0]  }
0x2e: {  	s3 =	simm.s32 @!p0 $0x1082;
	s9 =	sld [smem:$0x3FB1]  }
0x2f: {  	lr =	sadd.s32 s0, s3;
	s0 =	sld [smem:$0x3FA8]  }
0x30: {  	s3 =	sld [smem:$0x3FAB]  }
0x31: {  	[smem:$0x3FB4] =	sst s10  }
0x32: {  	s10 =	sld [smem:$0x3FB2];
	_ =	sdelay $0x3  }
0x33: {  	p0 =	seq.s32 s10, $0x1;
	s10 =	sld [smem:$0x3FB4];
	_ =	sdelay $0x3  }
0x34: {  	[smem:$0x3FB4] =	sst s10  }
0x35: {  	s10 =	sld [smem:$0x3FB3];
	_ =	sdelay $0x3  }
0x36: {  	p1 =	seq.s32 s10, $0x1;
	s10 =	sld [smem:$0x3FB4];
	_ =	sdelay $0x3  }
0x37: {  	[smem:$0x3FB4] =	sst s10  }
0x38: {  	s10 =	sld [smem:$0x3FB5]  }
0x39: {  	_ = 	snop;
	(pc) =	sbr.ind lr, $3  }
0x3a: {  	_ = 	snop  }
0x3b: {  	_ = 	snop  }
0x3c: {  	p2 =	seq.s32 s10, $0x1;
	s10 =	sld [smem:$0x3FB4]  }
0x3d: {  	_ =	shalt  }
0x3e: {  	_ =	shalt  }
0x3f: {  	_ =	shalt  }
0x40: {  	_ =	shalt  }
0x41: {  	_ =	shalt  }
0x42: {  	_ =	shalt  }
0x43: {  	_ =	shalt  }
0x44: {  	_ =	shalt  }
0x45: {  	_ =	shalt  }
0x46: {  	_ =	shalt  }
0x47: {  	_ =	shalt  }
0x48: {  	_ =	shalt  }
0x49: {  	_ =	shalt  }
0x4a: {  	_ =	shalt  }
0x4b: {  	_ =	shalt  }
0x4c: {  	_ =	shalt  }
0x4d: {  	_ =	shalt  }
0x4e: {  	_ =	shalt  }
0x4f: {  	_ =	shalt  }
0x50: {  	_ =	shalt  }
0x51: {  	_ =	shalt  }
0x52: {  	_ =	shalt  }
0x53: {  	_ =	shalt  }
0x54: {  	_ =	shalt  }
0x55: {  	_ =	shalt  }
0x56: {  	_ =	shalt  }
0x57: {  	_ =	shalt  }
0x58: {  	_ =	shalt  }
0x59: {  	_ =	shalt  }
0x5a: {  	_ =	shalt  }
0x5b: {  	_ =	shalt  }
0x5c: {  	_ =	shalt  }
0x5d: {  	_ =	shalt  }
0x5e: {  	_ =	shalt  }
0x5f: {  	_ =	shalt  }
0x60: {  	_ =	shalt  }
0x61: {  	_ =	shalt  }
0x62: {  	_ =	shalt  }
0x63: {  	_ =	shalt  }
0x64: {  	_ =	shalt  }
0x65: {  	_ =	shalt  }
0x66: {  	_ =	shalt  }
0x67: {  	_ =	shalt  }
0x68: {  	_ =	shalt  }
0x69: {  	_ =	shalt  }
0x6a: {  	_ =	shalt  }
0x6b: {  	_ =	shalt  }
0x6c: {  	_ =	shalt  }
0x6d: {  	_ =	shalt  }
0x6e: {  	_ =	shalt  }
0x6f: {  	_ =	shalt  }
0x70: {  	_ =	shalt  }
0x71: {  	_ =	shalt  }
0x72: {  	_ =	shalt  }
0x73: {  	_ =	shalt  }
0x74: {  	_ =	shalt  }
0x75: {  	_ =	shalt  }
0x76: {  	_ =	shalt  }
0x77: {  	_ =	shalt  }
0x78: {  	_ =	shalt  }
0x79: {  	_ =	shalt  }
0x7a: {  	_ =	shalt  }
0x7b: {  	_ =	shalt  }
0x7c: {  	_ =	shalt  }
0x7d: {  	_ =	shalt  }
0x7e: {  	_ =	shalt  }
0x7f: {  	_ =	shalt  }
0x80: {  	_ =	shalt  }
0x81: {  	_ =	shalt  }
0x82: {  	_ =	shalt  }
0x83: {  	_ =	shalt  }
0x84: {  	_ =	shalt  }
0x85: {  	_ =	shalt  }
0x86: {  	_ =	shalt  }
0x87: {  	_ =	shalt  }
.Lfunc_end0:
.L_simem_size_0:
called_computation_lowered:
.L_overlay_start_0:
0x88: {  	s2 =	sld [smem:$0x3FD9]  }
0x89: {  	s3 =	sld [smem:$0x3FFE];
	_ =	sdelay $0x1  }
0x8a: {  	s1 =	srdreg.scid  }
0x8b: {  	s0 =	sand.u32 $0x1, s1  }
0x8c: {  	s17 =	sshll.u32 s0, $0xA;
	s2 =	sadd.s32 s3, s2  }
0x8d: {  	s2 =	sadd.s32 s2, s17  }
0x8e: {  	[smem:$0x3FC0] =	sst s2  }
0x8f: {  	_ = 	snop  }
0x90: {  	s2 =	sld [smem:$0x3FC6]  }
0x91: {  	s18 =	sld [smem:$0x3FC3]  }
0x92: {  	s4 =	sld [smem:$0x3FC2]  }
0x93: {  	s5 =	sld [smem:$0x3FD0];
	(tm) =	ssettm $0x1  }
0x94: {  	s6 =	sld [smem:$0x3FFB];
	_ =	sdelay $0x3  }
0x95: {  	_ =	strace s6  }
0x96: {  	s6 =	sld [smem:$0x3FFC];
	_ =	sdelay $0x3  }
0x97: {  	_ =	strace s6  }
0x98: {  	s6 =	sld [smem:$0x3FFD];
	_ =	sdelay $0x3  }
0x99: {  	_ =	strace s6  }
0x9a: {  	_ =	strace $0x8FFFFFFF  }
0x9b: {  	s19 =	sld [smem:$0x3FDB];
	_ =	sdelay $0x1  }
0x9c: {  	s7 =	simm.s32 $_scs_section_size  }
0x9d: {  	s8 =	simm.s32 $_size__tile_overlayer_lowered;
	s9 =	simm.s32 $_tile_overlayer_lowered  }
0x9e: {  	s22 =	simm.s32 $0x1BFF;
	s21 =	sshll.u32 s9, $0x1;
	s6 =	sadd.s32 s7, s19  }
0x9f: {  	s10 =	simm.s32 $0x0;
	s20 =	sshll.u32 s8, $0x1;
	s8 =	sadd.s32 s21, s6  }
0xa0: {  	[timem:s10], [sflag:s22] =	dma.local [hbm:s8], s20  }
0xa1: {  	_ =	swait.ge [sflag:s22], s20  }
0xa2: {  	s7 =	ssub.s32 $0x0, s20;
	[sflag:s22] =	ssyncset.done $0x0  }
0xa3: {  	[sflag:s22] =	ssyncadd.s32 s7;
	_ =	sdelay $0x1  }
0xa4: {  	s23 =	simm.s32 $0x1B8B  }
0xa5: {  	_ =	swait.ge [sflag:s23], $0x1  }
0xa6: {  	[sflag:s23] =	ssyncset.done $0x0  }
0xa7: {  	s25 =	simm.s32 $0x1B8E;
	s24 =	sld [smem:$0x3FFE];
	[sflag:s23] =	ssyncadd.s32 $0xFFFFFFFF  }
0xa8: {  	s26 =	simm.s32 $execute0_lowered;
	[smem:$0x3FD2] =	sst s25  }
0xa9: {  	s8 =	sshll.u32 s26, $0x1;
	_ =	strace $0x80000046;
	[dreg:$0x1] =	wrdreg $0xFFFFFFFF  }
0xaa: {  	s28 =	simm.s32 $_size_execute0_lowered;
	s6 =	sadd.s32 s6, s8;
	[dreg:$0x0] =	wrdreg $0x0  }
0xab: {  	s8 =	sshll.u32 s28, $0x1;
	[dreg:$0x2] =	wrdreg s6  }
0xac: {  	[dreg:$0x3] =	wrdreg s8  }
0xad: {  	[dreg:$0x4] =	wrdreg $0xC0  }
0xae: {  	_ =	task [dreg:s10], $0x5FFFF  }
0xaf: {  	[dreg:$0x1] =	wrdreg $0xFFFFFFFF  }
0xb0: {  	[dreg:$0x0] =	wrdreg $0x60  }
0xb1: {  	[dreg:$0x2] =	wrdreg s24  }
0xb2: {  	[dreg:$0x3] =	wrdreg s2  }
0xb3: {  	[dreg:$0x4] =	wrdreg s18  }
0xb4: {  	[dreg:$0x5] =	wrdreg s4  }
0xb5: {  	[dreg:$0x6] =	wrdreg s5  }
0xb6: {  	[dreg:$0x7] =	wrdreg $0x9  }
0xb7: {  	_ =	task.clear_ibuf [dreg:s10], $0x8FFFF;
	_ =	strace $0x90000046  }
0xb8: {  	s29 =	simm.s32 $0x9;
	_ =	strace $0x80000048  }
0xb9: {  	_ =	swait.ge [sflag:s29], $0x1  }
0xba: {  	[sflag:s29] =	ssyncadd.s32 $0xFFFFFFFF  }
0xbb: {  	_ =	strace $0x90000048  }
0xbc: {  	_ =	sfence  }
0xbd: {  	s30 =	sld [smem:$0x0];
	_ =	sdelay $0x2  }
0xbe: {  	s31 =	sshll.u32 s1, $0xD;
	s1 =	sshrl.u32 s1, $0x2  }
0xbf: {  	s3 =	sand.u32 $0x4000, s31;
	s1 =	sadd.s32 s1, s30  }
0xc0: {  	s0 =	sor.u32 s3, s0;
	s1 =	sshll.u32 s1, $0x11  }
0xc1: {  	s0 =	sor.u32 s1, s0  }
0xc2: {  	s0 =	sadd.s32 $0x8F2B, s0  }
0xc3: {  	[sflag:s0] =	ssyncadd.remote.s32 $0x1  }
0xc4: {  	_ =	sfence.sel $0xFFFF  }
0xc5: {  	[dreg:$0x0] =	wrdreg $0xFFFFFFFF;
	(pc) =	sbr.abs _section_cstart, $3  }
0xc6: {  	[dreg:$0x1] =	wrdreg $0xFFFFFFFF  }
0xc7: {  	_ =	task.clear_ibuf [dreg:s10], $0x2FFFF;
	_ =	strace $0x9FFFFFFF  }
0xc8: {  	(tm) =	ssettm $0x7FFFFFFF  }
0xc9: {  	_ =	shalt  }
tec
execute0_lowered:
.L_overlay_start_1:
0x0: {  	(tag) =	ssettag $0x1  }
0x1: {  	s0 =	rddreg [dreg:$0x0]  }
0x2: {  	s1 =	rddreg [dreg:$0x1]  }
0x3: {  	s2 =	srdreg.scid;
	s3 =	stileid.u32  }
0x4: {  	s5 =	rddreg [dreg:$0x4];
	s6 =	simm.s32 $0x0;
	s23 =	simm.s32 $0x12E00  }
0x5: {  	s28 =	simm.s32 $0x3;
	s29 =	simm.s32 $0x1D600;
	s30 =	simm.s32 $0x1DE00  }
0x6: {  	s31 =	simm.s32 $0x14600;
	s9 =	simm.s32 $0x4;
	s10 =	simm.s32 $0x17600  }
0x7: {  	v3 =	vlaneseq.u32;
	s2 =	sand.u32 $0x1, s2;
	s3 =	sshll.u32 s3, $0xF;
	[smem:$0x7FF] =	sst s6  }
0x8: {  	s8 =	sadd.s32 $0x20C00, s0;
	s11 =	sadd.s32 $0x100, s1;
	s12 =	sadd.s32 $0x200, s1;
	v0 =	vand.u32 $0x7, v3  }
0x9: {  	v2 =	vshrl.u32 v3, $0x3;
	s4 =	sshll.u32 s2, $0xE;
	s2 =	ssub.s32 $0x2, s2;
	_ =	strace $0x80000047;
	[tilespmem:$0x1FFD0] =	vst v0;
	v0 =	vmul.u32 $0x80, v3  }
0xa: {  	vm0 =	vmmov $0xffff;
	s13 =	sadd.s32 $0x20D00, s0;
	v1 =	vor.u32 $0x8, v3;
	v2 =	vmul.u32 $0x8, v2;
	s7 =	sor.u32 s4, s3;
	s24 =	sshrl.u32 s2, $0x1  }
0xb: {  	s14 =	sadd.s32 $0x20E00, s0;
	s3 =	sshrl.u32 s7, $0x3;
	s2 =	ssub.s32 s2, s24;
	v4 =	vor.u32 $0x1, v0;
	v5 =	vor.u32 $0x2, v0;
	v6 =	vor.u32 $0x3, v0  }
0xc: {  	s4 =	simm.s32 $0x0;
	v7 =	vor.u32 $0x4, v0;
	v8 =	vor.u32 $0x5, v0;
	v9 =	vor.u32 $0x6, v0;
	s3 =	sadd.s32 s3, s0;
	s26 =	smax.u32 s2, $0x1  }
0xd: {  	s24 =	simm.s32 $0x13600;
	v10 =	vor.u32 $0x7, v0;
	v11 =	vor.u32 $0x8, v0;
	v12 =	vor.u32 $0x9, v0;
	s25 =	sadd.s32 $0xC00, s3;
	[dreg:$0x8] =	wrdreg s26  }
0xe: {  	[tilespmem:$0x1FFE0] =	vst v1;
	v13 =	vor.u32 $0xA, v0;
	v14 =	vor.u32 $0xB, v0;
	v15 =	vor.u32 $0xC, v0;
	s3 =	sadd.s32 $0x10C00, s3;
	s26 =	simm.s32 $0x1;
	[dreg:$0x6] =	wrdreg s25  }
0xf: {  	v16 =	vor.u32 $0xD, v0;
	v17 =	vor.u32 $0xE, v0;
	[tilespmem:$0x1FFF0] =	vst v0;
	v18 =	vor.u32 $0xF, v0;
	[dreg:$0x7] =	wrdreg s3;
	s25 =	simm.s32 $0x13E00;
	s3 =	simm.s32 $0x2  }
.LBB2_1:
0x10: {  	[dreg:$0x9] =	wrdreg s4  }
0x11: {  	s0 =	rddreg [dreg:$0x6];
	s2 =	simm.s32 $0x7  }
0x12: {  	[tilespmem:s6], [sflag:$0x7] =	stream.linear.gather [hbm4b:s0+s6], $0x4000, $0x38;
	[tilespmem:$0x1E600] =	vst v63  }
0x13: {  	_ =	swait.ge [sflag:s2], $0x4000  }
0x14: {  	[sflag:s2] =	ssyncset.done $0x0  }
0x15: {  	s16 =	simm.s32 $0x4000;
	s15 =	rddreg [dreg:$0x7];
	[sflag:s2] =	ssyncadd.s32 $0xFFFFC000  }
0x16: {  	[tilespmem:s16], [sflag:$0x7] =	stream.linear.gather [hbm4b:s15+s6], $0x4000, $0x38;
	[tilespmem:$0x1E600] =	vst v63  }
0x17: {  	_ =	swait.ge [sflag:s2], $0x4000  }
0x18: {  	[sflag:s2] =	ssyncset.done $0x0  }
0x19: {  	[sflag:s2] =	ssyncadd.s32 $0xFFFFC000  }
0x1a: {  	s18 =	simm.s32 $0x8000;
	s17 =	rddreg [dreg:$0x2]  }
0x1b: {  	[tilespmem:s18], [sflag:$0x7] =	stream.linear.gather [hbm4b:s17+s6], $0x300, $0x38;
	[tilespmem:$0x1E600] =	vst v63  }
0x1c: {  	_ =	swait.ge [sflag:s2], $0x300  }
0x1d: {  	[sflag:s2] =	ssyncset.done $0x0  }
0x1e: {  	[sflag:s2] =	ssyncadd.s32 $0xFFFFFD00  }
0x1f: {  	s20 =	simm.s32 $0x8300;
	s19 =	rddreg [dreg:$0x3]  }
0x20: {  	[tilespmem:s20], [sflag:$0x7] =	stream.linear.gather [hbm4b:s19+s6], $0x300, $0x38;
	[tilespmem:$0x1E600] =	vst v63  }
0x21: {  	_ =	swait.ge [sflag:s2], $0x300  }
0x22: {  	[sflag:s2] =	ssyncset.done $0x0  }
0x23: {  	[sflag:s2] =	ssyncadd.s32 $0xFFFFFD00  }
0x24: {  	v19 =	vld [tilespmem:$0x0];
	_ =	sdelay $0x3  }
0x25: {  	v0 =	vld [tilespmem:$0x1FFD0]  }
0x26: {  	v20 =	vshrl.u32 v19, $0x3  }
0x27: {  	v20 =	vmul.u32 $0x30, v20  }
0x28: {  	v19 =	vand.u32 $0x7, v19  }
0x29: {  	v19 =	vor.u32 v19, v20  }
0x2a: {  	v20 =	vperm.xlane v19, v0  }
0x2b: {  	v1 =	vld [tilespmem:$0x1FFE0]  }
0x2c: {  	v20 =	vadd.s32 v2, v20  }
0x2d: {  	v21 =	vld [tilespmem:$0x4000];
	_ =	sdelay $0x2  }
0x2e: {  	s21 =	simm.s32 $0x8600;
	v19 =	vperm.xlane v19, v1  }
0x2f: {  	[tilespmem:s21], [sflag:$0x1] =	stream.indirect_vreg.gather [hbm4b:s1+s6], $0x80, v20, vm0, $0xb8;
	[tilespmem:$0x1E600] =	vst v63  }
0x30: {  	s22 =	simm.s32 $0x8E00;
	v22 =	vshrl.u32 v21, $0x3;
	v19 =	vadd.s32 v2, v19  }
0x31: {  	v22 =	vmul.u32 $0x30, v22;
	[tilespmem:s22], [sflag:$0x1] =	stream.indirect_vreg.gather [hbm4b:s11+s6], $0x80, v20, vm0, $0xb8;
	[tilespmem:$0x1E600] =	vst v63  }
0x32: {  	s2 =	simm.s32 $0x9600;
	v21 =	vand.u32 $0x7, v21  }
0x33: {  	[tilespmem:s2], [sflag:$0x1] =	stream.indirect_vreg.gather [hbm4b:s12+s6], $0x80, v20, vm0, $0xb8;
	v20 =	vor.u32 v21, v22;
	[tilespmem:$0x1E600] =	vst v63  }
0x34: {  	s4 =	simm.s32 $0x9E00;
	v21 =	vperm.xlane v20, v0  }
0x35: {  	[tilespmem:s4], [sflag:$0x1] =	stream.indirect_vreg.gather [hbm4b:s1+s6], $0x80, v19, vm0, $0xb8;
	[tilespmem:$0x1E600] =	vst v63  }
0x36: {  	s15 =	simm.s32 $0xA600;
	v21 =	vadd.s32 v2, v21  }
0x37: {  	[tilespmem:s15], [sflag:$0x1] =	stream.indirect_vreg.gather [hbm4b:s11+s6], $0x80, v19, vm0, $0xb8;
	[tilespmem:$0x1E600] =	vst v63  }
0x38: {  	s16 =	simm.s32 $0xAE00  }
0x39: {  	[tilespmem:s16], [sflag:$0x1] =	stream.indirect_vreg.gather [hbm4b:s12+s6], $0x80, v19, vm0, $0xb8;
	[tilespmem:$0x1E600] =	vst v63  }
0x3a: {  	s17 =	simm.s32 $0xE600;
	v19 =	vperm.xlane v20, v1  }
0x3b: {  	[tilespmem:s17], [sflag:$0x3] =	stream.indirect_vreg.gather [hbm4b:s8+s6], $0x80, v21, vm0, $0xb8;
	[tilespmem:$0x1E600] =	vst v63  }
0x3c: {  	s18 =	simm.s32 $0xEE00;
	v19 =	vadd.s32 v2, v19  }
0x3d: {  	[tilespmem:s18], [sflag:$0x3] =	stream.indirect_vreg.gather [hbm4b:s13+s6], $0x80, v21, vm0, $0xb8;
	[tilespmem:$0x1E600] =	vst v63  }
0x3e: {  	s19 =	simm.s32 $0xF600  }
0x3f: {  	[tilespmem:s19], [sflag:$0x3] =	stream.indirect_vreg.gather [hbm4b:s14+s6], $0x80, v21, vm0, $0xb8;
	[tilespmem:$0x1E600] =	vst v63  }
0x40: {  	s20 =	simm.s32 $0xFE00  }
0x41: {  	[tilespmem:s20], [sflag:$0x3] =	stream.indirect_vreg.gather [hbm4b:s8+s6], $0x80, v19, vm0, $0xb8;
	[tilespmem:$0x1E600] =	vst v63  }
0x42: {  	s21 =	simm.s32 $0x10600  }
0x43: {  	[tilespmem:s21], [sflag:$0x3] =	stream.indirect_vreg.gather [hbm4b:s13+s6], $0x80, v19, vm0, $0xb8;
	[tilespmem:$0x1E600] =	vst v63  }
0x44: {  	s22 =	simm.s32 $0x10E00;
	s16 =	simm.s32 $0x0  }
0x45: {  	[tilespmem:s22], [sflag:$0x3] =	stream.indirect_vreg.gather [hbm4b:s14+s6], $0x80, v19, vm0, $0xb8;
	[tilespmem:$0x1E600] =	vst v63  }
.LBB2_2:
0x46: {  	s15 =	sshllo.u32 s16, $0x1  }
0x47: {  	s0 =	sshll.u32 s15, $0x4  }
0x48: {  	v19 =	vld [tilespmem:s0+$0x0];
	_ =	sdelay $0x3  }
0x49: {  	v0 =	vld [tilespmem:$0x1FFD0]  }
0x4a: {  	v20 =	vshrl.u32 v19, $0x3  }
0x4b: {  	v20 =	vmul.u32 $0x30, v20  }
0x4c: {  	v19 =	vand.u32 $0x7, v19  }
0x4d: {  	v19 =	vor.u32 v19, v20  }
0x4e: {  	v20 =	vperm.xlane v19, v0  }
0x4f: {  	v1 =	vld [tilespmem:$0x1FFE0]  }
0x50: {  	v20 =	vadd.s32 v2, v20  }
0x51: {  	v21 =	vld [tilespmem:s0+$0x4000];
	_ =	sdelay $0x2  }
0x52: {  	s2 =	simm.s32 $0xB600;
	s0 =	simm.s32 $0x0;
	v19 =	vperm.xlane v19, v1  }
0x53: {  	[tilespmem:s2], [sflag:$0x2] =	stream.indirect_vreg.gather [hbm4b:s1+s0], $0x80, v20, vm0, $0xb8;
	[tilespmem:$0x1E600] =	vst v63  }
0x54: {  	s22 =	simm.s32 $0xBE00;
	v22 =	vshrl.u32 v21, $0x3;
	v19 =	vadd.s32 v2, v19  }
0x55: {  	v22 =	vmul.u32 $0x30, v22;
	[tilespmem:s22], [sflag:$0x2] =	stream.indirect_vreg.gather [hbm4b:s11+s0], $0x80, v20, vm0, $0xb8;
	[tilespmem:$0x1E600] =	vst v63  }
0x56: {  	s4 =	simm.s32 $0xC600;
	v21 =	vand.u32 $0x7, v21  }
0x57: {  	[tilespmem:s4], [sflag:$0x2] =	stream.indirect_vreg.gather [hbm4b:s12+s0], $0x80, v20, vm0, $0xb8;
	v20 =	vor.u32 v21, v22;
	[tilespmem:$0x1E600] =	vst v63  }
0x58: {  	s17 =	simm.s32 $0xCE00;
	v21 =	vperm.xlane v20, v0  }
0x59: {  	[tilespmem:s17], [sflag:$0x2] =	stream.indirect_vreg.gather [hbm4b:s1+s0], $0x80, v19, vm0, $0xb8;
	[tilespmem:$0x1E600] =	vst v63  }
0x5a: {  	s18 =	simm.s32 $0xD600;
	v21 =	vadd.s32 v2, v21  }
0x5b: {  	[tilespmem:s18], [sflag:$0x2] =	stream.indirect_vreg.gather [hbm4b:s11+s0], $0x80, v19, vm0, $0xb8;
	[tilespmem:$0x1E600] =	vst v63  }
0x5c: {  	s19 =	simm.s32 $0xDE00  }
0x5d: {  	[tilespmem:s19], [sflag:$0x2] =	stream.indirect_vreg.gather [hbm4b:s12+s0], $0x80, v19, vm0, $0xb8;
	[tilespmem:$0x1E600] =	vst v63  }
0x5e: {  	s20 =	simm.s32 $0x11600;
	v19 =	vperm.xlane v20, v1  }
0x5f: {  	[tilespmem:s20], [sflag:$0x4] =	stream.indirect_vreg.gather [hbm4b:s8+s0], $0x80, v21, vm0, $0xb8;
	[tilespmem:$0x1E600] =	vst v63  }
0x60: {  	s21 =	simm.s32 $0x11E00;
	v19 =	vadd.s32 v2, v19  }
0x61: {  	[tilespmem:s21], [sflag:$0x4] =	stream.indirect_vreg.gather [hbm4b:s13+s0], $0x80, v21, vm0, $0xb8;
	[tilespmem:$0x1E600] =	vst v63  }
0x62: {  	s22 =	simm.s32 $0x12600  }
0x63: {  	[tilespmem:s22], [sflag:$0x4] =	stream.indirect_vreg.gather [hbm4b:s14+s0], $0x80, v21, vm0, $0xb8;
	[tilespmem:$0x1E600] =	vst v63  }
0x64: {  	_ = 	snop  }
0x65: {  	[tilespmem:s23], [sflag:$0x4] =	stream.indirect_vreg.gather [hbm4b:s8+s0], $0x80, v19, vm0, $0xb8;
	[tilespmem:$0x1E600] =	vst v63  }
0x66: {  	_ = 	snop  }
0x67: {  	[tilespmem:s24], [sflag:$0x4] =	stream.indirect_vreg.gather [hbm4b:s13+s0], $0x80, v19, vm0, $0xb8;
	[tilespmem:$0x1E600] =	vst v63  }
0x68: {  	_ = 	snop  }
0x69: {  	[tilespmem:s25], [sflag:$0x4] =	stream.indirect_vreg.gather [hbm4b:s14+s0], $0x80, v19, vm0, $0xb8;
	[tilespmem:$0x1E600] =	vst v63  }
0x6a: {  	_ =	swait.ge [sflag:s26], $0x3000  }
0x6b: {  	[sflag:s26] =	ssyncset.done $0x0  }
0x6c: {  	[sflag:s26] =	ssyncadd.s32 $0xFFFFD000  }
0x6d: {  	_ =	swait.ge [sflag:s28], $0x3000  }
0x6e: {  	[sflag:s28] =	ssyncset.done $0x0  }
0x6f: {  	s2 =	simm.s32 $0x0;
	[sflag:s28] =	ssyncadd.s32 $0xFFFFD000  }
.LBB2_3:
0x70: {  	s4 =	sshrl.u32 s2, $0x3  }
0x71: {  	s17 =	sand.u32 $0x7, s0;
	s4 =	smul.u32 $0x6000, s4  }
0x72: {  	s17 =	sshll.u32 s17, $0x9  }
0x73: {  	s4 =	sor.u32 s17, s4  }
0x74: {  	s17 =	sshra.s32 s4, $0x2  }
0x75: {  	s4 =	sadd.s32 $0xE640, s17  }
0x76: {  	v22 =	vmov s4;
	_ =	sdelay $0x3  }
0x77: {  	s4 =	simm.s32 $0x0  }
0x78: {  	s18 =	sadd.s32 $0x8640, s17;
	v24 =	vld.idx.msk [tilespmem:v22+s4+$0xFFFFFFD0 ss:$0x1], $0xffff  }
0x79: {  	v23 =	vmov s18;
	v28 =	vld.idx.msk [tilespmem:v22+s4+$0xFFFFFFE0 ss:$0x1], $0xffff  }
0x7a: {  	v27 =	vld.idx.msk [tilespmem:v22+s4+$0xFFFFFFC0 ss:$0x1], $0xffff  }
0x7b: {  	v26 =	vld.idx.msk [tilespmem:v22+s4+$0x0 ss:$0x1], $0xffff  }
0x7c: {  	v25 =	vld.idx.msk [tilespmem:v22+s4+$0x30 ss:$0x1], $0xffff  }
0x7d: {  	v29 =	vld.idx.msk [tilespmem:v22+s4+$0xFFFFFFF0 ss:$0x1], $0xffff  }
0x7e: {  	v30 =	vld.idx.msk [tilespmem:v23+s4+$0x10 ss:$0x1], $0xffff  }
0x7f: {  	v32 =	vld.idx.msk [tilespmem:v23+s4+$0xFFFFFFE0 ss:$0x1], $0xffff  }
0x80: {  	v31 =	vld.idx.msk [tilespmem:v22+s4+$0x10 ss:$0x1], $0xffff  }
0x81: {  	s22 =	sadd.s32 $0x1A670, s17;
	v33 =	vld.idx.msk [tilespmem:v23+s4+$0xFFFFFFF0 ss:$0x1], $0xffff  }
0x82: {  	v19 =	vimm.f32 $0.0e+00;
	v21 =	vimm.f32 $0.0e+00;
	s17 =	sshll.u32 s2, $0x7;
	v20 =	vmov s22;
	s18 =	simm.s32 $0x1000;
	v34 =	vld.idx.msk [tilespmem:v23+s4+$0xFFFFFFC0 ss:$0x1], $0xffff  }
.LBB2_4:
0x83: {  	p0 =	sne.s32 s18, $0x5000;
	v35 =	vld.idx.msk [tilespmem:v23+s4+$0x0 ss:$0x1], $0xffff;
	s19 =	smov.u32 s18;
	s18 =	sadd.s32 $0x1000, s18  }
0x84: {  	v36 =	vld.idx.msk [tilespmem:v23+s4+$0xFFFFFFD0 ss:$0x1], $0xffff  }
0x85: {  	v28 =	vadd.f32 v28, v32;
	v37 =	vld.idx.msk [tilespmem:v23+s4+$0x30 ss:$0x1], $0xffff  }
0x86: {  	v32 =	vld.idx.msk [tilespmem:v23+s4+$0x20 ss:$0x1], $0xffff  }
0x87: {  	v30 =	vadd.f32 v31, v30;
	v29 =	vadd.f32 v29, v33;
	v38 =	vld.idx.msk [tilespmem:v22+s4+$0x20 ss:$0x1], $0xffff;
	_ =	sdelay $0x1  }
0x88: {  	v31 =	vmul.f32 v28, v28;
	v27 =	vadd.f32 v27, v34;
	v33 =	vmul.f32 v29, v29  }
0x89: {  	v34 =	vadd.f32 v24, v36;
	v24 =	vadd.f32 v26, v35;
	v26 =	vmul.f32 v30, v30  }
0x8a: {  	v35 =	vadd.f32 v29, v28;
	v25 =	vadd.f32 v25, v37;
	[tilespmem:v20+s4+$0xFFFFFF90 ss:$0x1] =	vst.idx.msk $0xffff, v27  }
0x8b: {  	v36 =	vmul.f32 v27, v27;
	v37 =	vmul.f32 v34, v34;
	[tilespmem:v20+s4+$0xFFFFFFA0 ss:$0x1] =	vst.idx.msk $0xffff, v34  }
0x8c: {  	v32 =	vadd.f32 v38, v32;
	[tilespmem:v20+s4+$0xFFFFFFB0 ss:$0x1] =	vst.idx.msk $0xffff, v28;
	v28 =	vmul.f32 v25, v25  }
0x8d: {  	s19 =	sshra.s32 s19, $0x2;
	v31 =	vadd.f32 v33, v31;
	[tilespmem:v20+s4+$0xFFFFFFC0 ss:$0x1] =	vst.idx.msk $0xffff, v29;
	v29 =	vmul.f32 v24, v24  }
0x8e: {  	v36 =	vadd.f32 v37, v36;
	v33 =	vmul.f32 v32, v32;
	[tilespmem:v20+s4+$0xFFFFFFD0 ss:$0x1] =	vst.idx.msk $0xffff, v24  }
0x8f: {  	v37 =	vadd.f32 v25, v32;
	[tilespmem:v20+s4+$0xFFFFFFE0 ss:$0x1] =	vst.idx.msk $0xffff, v30;
	v26 =	vadd.f32 v26, v29  }
0x90: {  	v29 =	vadd.f32 v30, v24;
	v24 =	vadd.f32 v28, v33;
	[tilespmem:v20+s4+$0xFFFFFFF0 ss:$0x1] =	vst.idx.msk $0xffff, v32  }
0x91: {  	[tilespmem:v20+s4+$0x0 ss:$0x1] =	vst.idx.msk $0xffff, v25;
	s4 =	smov.u32 s19  }
0x92: {  	v25 =	vadd.f32 v31, v36;
	v26 =	vadd.f32 v24, v26  }
0x93: {  	v30 =	vadd.f32 v34, v27;
	v24 =	vld.idx.msk [tilespmem:v22+s4+$0xFFFFFFD0 ss:$0x1], $0xffff  }
0x94: {  	v25 =	vadd.f32 v26, v25;
	v28 =	vld.idx.msk [tilespmem:v22+s4+$0xFFFFFFE0 ss:$0x1], $0xffff  }
0x95: {  	v30 =	vadd.f32 v35, v30;
	v29 =	vadd.f32 v37, v29;
	v27 =	vld.idx.msk [tilespmem:v22+s4+$0xFFFFFFC0 ss:$0x1], $0xffff  }
0x96: {  	v19 =	vadd.f32 v25, v19;
	v26 =	vld.idx.msk [tilespmem:v22+s4+$0x0 ss:$0x1], $0xffff  }
0x97: {  	v31 =	vadd.f32 v29, v30;
	v25 =	vld.idx.msk [tilespmem:v22+s4+$0x30 ss:$0x1], $0xffff  }
0x98: {  	v29 =	vld.idx.msk [tilespmem:v22+s4+$0xFFFFFFF0 ss:$0x1], $0xffff  }
.Ltmp0:
0x99: {  	v21 =	vadd.f32 v31, v21;
	v30 =	vld.idx.msk [tilespmem:v23+s4+$0x10 ss:$0x1], $0xffff;
	(pc) =	sbr.rel @p0 .LBB2_4-.Ltmp0, $4  }
0x9a: {  	v32 =	vld.idx.msk [tilespmem:v23+s4+$0xFFFFFFE0 ss:$0x1], $0xffff  }
0x9b: {  	v31 =	vld.idx.msk [tilespmem:v22+s4+$0x10 ss:$0x1], $0xffff  }
0x9c: {  	v33 =	vld.idx.msk [tilespmem:v23+s4+$0xFFFFFFF0 ss:$0x1], $0xffff  }
0x9d: {  	v34 =	vld.idx.msk [tilespmem:v23+s4+$0xFFFFFFC0 ss:$0x1], $0xffff  }
0x9e: {  	_ =	sdelay $0x3  }
0x9f: {  	v35 =	vld.idx.msk [tilespmem:v23+s4+$0x0 ss:$0x1], $0xffff  }
0xa0: {  	v36 =	vld.idx.msk [tilespmem:v23+s4+$0xFFFFFFD0 ss:$0x1], $0xffff  }
0xa1: {  	v37 =	vld.idx.msk [tilespmem:v23+s4+$0x30 ss:$0x1], $0xffff  }
0xa2: {  	v50 =	vld.idx.msk [tilespmem:v23+s4+$0x20 ss:$0x1], $0xffff  }
0xa3: {  	v22 =	vld.idx.msk [tilespmem:v22+s4+$0x20 ss:$0x1], $0xffff;
	v28 =	vadd.f32 v28, v32  }
0xa4: {  	v30 =	vadd.f32 v31, v30  }
0xa5: {  	v29 =	vadd.f32 v29, v33;
	v51 =	vmul.f32 v28, v28;
	v27 =	vadd.f32 v27, v34  }
0xa6: {  	v53 =	vmul.f32 v30, v30;
	v24 =	vadd.f32 v24, v36;
	v26 =	vadd.f32 v26, v35  }
0xa7: {  	v52 =	vmul.f32 v29, v29;
	v25 =	vadd.f32 v25, v37;
	v54 =	vadd.f32 v29, v28  }
0xa8: {  	v22 =	vadd.f32 v22, v50;
	v55 =	vmul.f32 v27, v27;
	v36 =	vmul.f32 v24, v24  }
0xa9: {  	v56 =	vmul.f32 v25, v25;
	v57 =	vmul.f32 v26, v26;
	v31 =	vadd.f32 v52, v51  }
0xaa: {  	v58 =	vmul.f32 v22, v22;
	v59 =	vadd.f32 v25, v22;
	v38 =	vadd.f32 v30, v26  }
0xab: {  	[tilespmem:v20+s4+$0xFFFFFF90 ss:$0x1] =	vst.idx.msk $0xffff, v27;
	v27 =	vadd.f32 v24, v27;
	v35 =	vadd.f32 v36, v55  }
0xac: {  	[tilespmem:v20+s4+$0xFFFFFFA0 ss:$0x1] =	vst.idx.msk $0xffff, v24;
	v60 =	vadd.f32 v53, v57;
	v23 =	vadd.f32 v56, v58  }
0xad: {  	[tilespmem:v20+s4+$0xFFFFFFB0 ss:$0x1] =	vst.idx.msk $0xffff, v28;
	v27 =	vadd.f32 v54, v27;
	v61 =	vadd.f32 v59, v38  }
0xae: {  	s2 =	sadd.s32 $0x1, s2;
	[tilespmem:v20+s4+$0xFFFFFFC0 ss:$0x1] =	vst.idx.msk $0xffff, v29;
	v62 =	vadd.f32 v31, v35;
	v23 =	vadd.f32 v23, v60  }
0xaf: {  	p0 =	sne.s32 s2, $0x10;
	[tilespmem:v20+s4+$0xFFFFFFD0 ss:$0x1] =	vst.idx.msk $0xffff, v26;
	v63 =	vadd.f32 v61, v27  }
.Ltmp1:
0xb0: {  	[tilespmem:v20+s4+$0xFFFFFFE0 ss:$0x1] =	vst.idx.msk $0xffff, v30;
	v23 =	vadd.f32 v23, v62;
	(pc) =	sbr.rel @p0 .LBB2_3-.Ltmp1, $4  }
0xb1: {  	[tilespmem:v20+s4+$0xFFFFFFF0 ss:$0x1] =	vst.idx.msk $0xffff, v22;
	v21 =	vadd.f32 v63, v21  }
0xb2: {  	[tilespmem:v20+s4+$0x0 ss:$0x1] =	vst.idx.msk $0xffff, v25;
	v19 =	vadd.f32 v23, v19  }
0xb3: {  	[tilespmem:s17+$0x1D600] =	vst v21  }
0xb4: {  	s0 =	sadd.s32 $0x1, s0;
	[tilespmem:s17+$0x1DE00] =	vst v19  }
0xb5: {  	v0 =	vld [tilespmem:$0x1FFF0];
	_ =	sdelay $0x7  }
0xb6: {  	v19 =	vld.idx.msk [tilespmem:v0+s29+$0x0], $0xffff  }
0xb7: {  	v21 =	vld.idx.msk [tilespmem:v4+s29+$0x0], $0xffff  }
0xb8: {  	v20 =	vld.idx.msk [tilespmem:v0+s30+$0x0], $0xffff  }
0xb9: {  	v22 =	vld.idx.msk [tilespmem:v4+s30+$0x0], $0xffff  }
0xba: {  	v23 =	vld.idx.msk [tilespmem:v5+s29+$0x0], $0xffff  }
0xbb: {  	v24 =	vld.idx.msk [tilespmem:v5+s30+$0x0], $0xffff;
	v19 =	vadd.f32 $0.0e+00, v19  }
0xbc: {  	v25 =	vld.idx.msk [tilespmem:v6+s29+$0x0], $0xffff  }
0xbd: {  	v26 =	vld.idx.msk [tilespmem:v7+s29+$0x0], $0xffff;
	v20 =	vadd.f32 $0.0e+00, v20;
	v19 =	vadd.f32 v21, v19  }
0xbe: {  	v21 =	vld.idx.msk [tilespmem:v6+s30+$0x0], $0xffff  }
0xbf: {  	v20 =	vadd.f32 v22, v20;
	v22 =	vld.idx.msk [tilespmem:v7+s30+$0x0], $0xffff;
	v19 =	vadd.f32 v23, v19  }
0xc0: {  	v23 =	vld.idx.msk [tilespmem:v8+s29+$0x0], $0xffff  }
0xc1: {  	v20 =	vadd.f32 v24, v20;
	v24 =	vld.idx.msk [tilespmem:v8+s30+$0x0], $0xffff;
	v19 =	vadd.f32 v25, v19  }
0xc2: {  	v25 =	vld.idx.msk [tilespmem:v9+s29+$0x0], $0xffff  }
0xc3: {  	v20 =	vadd.f32 v21, v20;
	v21 =	vld.idx.msk [tilespmem:v9+s30+$0x0], $0xffff;
	v19 =	vadd.f32 v26, v19  }
0xc4: {  	v26 =	vld.idx.msk [tilespmem:v10+s29+$0x0], $0xffff  }
0xc5: {  	v20 =	vadd.f32 v22, v20;
	v22 =	vld.idx.msk [tilespmem:v10+s30+$0x0], $0xffff;
	v19 =	vadd.f32 v23, v19  }
0xc6: {  	v23 =	vld.idx.msk [tilespmem:v11+s29+$0x0], $0xffff  }
0xc7: {  	v20 =	vadd.f32 v24, v20;
	v24 =	vld.idx.msk [tilespmem:v11+s30+$0x0], $0xffff;
	v19 =	vadd.f32 v25, v19  }
0xc8: {  	v25 =	vld.idx.msk [tilespmem:v12+s29+$0x0], $0xffff  }
0xc9: {  	v20 =	vadd.f32 v21, v20;
	v21 =	vld.idx.msk [tilespmem:v12+s30+$0x0], $0xffff;
	v19 =	vadd.f32 v26, v19  }
0xca: {  	v26 =	vld.idx.msk [tilespmem:v13+s29+$0x0], $0xffff  }
0xcb: {  	v20 =	vadd.f32 v22, v20;
	v22 =	vld.idx.msk [tilespmem:v13+s30+$0x0], $0xffff;
	v19 =	vadd.f32 v23, v19  }
0xcc: {  	v23 =	vld.idx.msk [tilespmem:v14+s29+$0x0], $0xffff  }
0xcd: {  	v20 =	vadd.f32 v24, v20;
	v24 =	vld.idx.msk [tilespmem:v14+s30+$0x0], $0xffff;
	v19 =	vadd.f32 v25, v19  }
0xce: {  	v25 =	vld.idx.msk [tilespmem:v15+s29+$0x0], $0xffff  }
0xcf: {  	v20 =	vadd.f32 v21, v20;
	v21 =	vld.idx.msk [tilespmem:v15+s30+$0x0], $0xffff;
	v19 =	vadd.f32 v26, v19  }
0xd0: {  	v26 =	vld.idx.msk [tilespmem:v16+s29+$0x0], $0xffff  }
0xd1: {  	v20 =	vadd.f32 v22, v20;
	v22 =	vld.idx.msk [tilespmem:v16+s30+$0x0], $0xffff;
	v19 =	vadd.f32 v23, v19  }
0xd2: {  	v23 =	vld.idx.msk [tilespmem:v17+s29+$0x0], $0xffff  }
0xd3: {  	v20 =	vadd.f32 v24, v20;
	v24 =	vld.idx.msk [tilespmem:v17+s30+$0x0], $0xffff;
	v19 =	vadd.f32 v25, v19  }
0xd4: {  	v25 =	vld.idx.msk [tilespmem:v18+s29+$0x0], $0xffff  }
0xd5: {  	v20 =	vadd.f32 v21, v20;
	v19 =	vadd.f32 v26, v19  }
0xd6: {  	v21 =	vld.idx.msk [tilespmem:v18+s30+$0x0], $0xffff  }
0xd7: {  	v20 =	vadd.f32 v22, v20;
	v19 =	vadd.f32 v23, v19;
	_ =	sdelay $0x1  }
0xd8: {  	v20 =	vadd.f32 v24, v20;
	v19 =	vadd.f32 v25, v19;
	_ =	sdelay $0x1  }
0xd9: {  	v20 =	vadd.f32 v21, v20;
	v19 =	vmul.f32 $1.302083370e-03, v19;
	_ =	sdelay $0x1  }
0xda: {  	v20 =	vmul.f32 $1.302083370e-03, v20;
	v21 =	vmul.f32 v19, v19;
	_ =	sdelay $0x1  }
0xdb: {  	v20 =	vsub.f32 v20, v21;
	_ =	sdelay $0x1  }
0xdc: {  	v20 =	vadd.f32 $9.999999960e-13, v20;
	_ =	sdelay $0x1  }
0xdd: {  	v21 =	vshrl.u32 v20, $0x1;
	v20 =	vmul.f32 $5.000000000e-01, v20  }
0xde: {  	v21 =	vsub.s32 $0x5F3759DF, v21  }
0xdf: {  	v22 =	vmul.f32 v21, v20;
	_ =	sdelay $0x1  }
0xe0: {  	v22 =	vmul.f32 v21, v22;
	_ =	sdelay $0x1  }
0xe1: {  	v22 =	vsub.f32 $1.500000000e+00, v22;
	_ =	sdelay $0x1  }
0xe2: {  	v21 =	vmul.f32 v21, v22;
	_ =	sdelay $0x1  }
0xe3: {  	v22 =	vmul.f32 v21, v20;
	_ =	sdelay $0x1  }
0xe4: {  	v22 =	vmul.f32 v22, v21;
	_ =	sdelay $0x1  }
0xe5: {  	v22 =	vsub.f32 $1.500000000e+00, v22;
	_ =	sdelay $0x1  }
0xe6: {  	v21 =	vmul.f32 v22, v21;
	_ =	sdelay $0x1  }
0xe7: {  	v22 =	vmul.f32 v21, v20;
	_ =	sdelay $0x1  }
0xe8: {  	v22 =	vmul.f32 v22, v21;
	_ =	sdelay $0x1  }
0xe9: {  	v22 =	vsub.f32 $1.500000000e+00, v22;
	_ =	sdelay $0x1  }
0xea: {  	v21 =	vmul.f32 v22, v21;
	_ =	sdelay $0x1  }
0xeb: {  	v20 =	vmul.f32 v21, v20;
	_ =	sdelay $0x1  }
0xec: {  	v20 =	vmul.f32 v20, v21;
	_ =	sdelay $0x1  }
0xed: {  	v20 =	vsub.f32 $1.500000000e+00, v20;
	_ =	sdelay $0x1  }
0xee: {  	v24 =	vmul.f32 v20, v21;
	_ =	sdelay $0x1  }
0xef: {  	v43 =	vmul.f32 v24, v19;
	v30 =	vbroadcast v24, $0x0  }
0xf0: {  	v31 =	vbroadcast v24, $0x1;
	v32 =	vbroadcast v24, $0x2  }
0xf1: {  	v33 =	vbroadcast v24, $0x3;
	v36 =	vbroadcast v24, $0x4  }
0xf2: {  	p0 =	seq.s32 s16, $0x0;
	v37 =	vbroadcast v24, $0x5;
	v38 =	vbroadcast v24, $0x6  }
0xf3: {  	s2 =	simm.s32 @!p0 $0x5;
	v29 =	vbroadcast v24, $0x7;
	v27 =	vbroadcast v24, $0x8  }
0xf4: {  	s0 =	simm.s32 $0x0;
	_ =	swait.ge @!p0 [sflag:s2], $0x3000;
	v42 =	vbroadcast v24, $0x9;
	v19 =	vbroadcast v24, $0xA  }
0xf5: {  	s4 =	sand.u32 $0x70, s0;
	s17 =	sand.u32 $0x1C00, s0;
	[sflag:s2] =	ssyncset.done @!p0 $0x0;
	v21 =	vbroadcast v24, $0xB;
	v22 =	vbroadcast v24, $0xC  }
0xf6: {  	[sflag:s2] =	ssyncadd.s32 @!p0 $0xFFFFD000;
	s2 =	sor.u32 s4, s17;
	v23 =	vbroadcast v24, $0xD;
	v20 =	vbroadcast v24, $0xE  }
0xf7: {  	v39 =	vld [tilespmem:s2+$0x1A900];
	v34 =	vbroadcast v24, $0xF;
	v47 =	vbroadcast v43, $0x0  }
0xf8: {  	v53 =	vld [tilespmem:s2+$0x1A700];
	v40 =	vbroadcast v43, $0x1;
	v48 =	vbroadcast v43, $0x2  }
0xf9: {  	v46 =	vld [tilespmem:s2+$0x1A600];
	v49 =	vbroadcast v43, $0x3;
	v50 =	vbroadcast v43, $0x4  }
0xfa: {  	v55 =	vld [tilespmem:s2+$0x1A880];
	v51 =	vbroadcast v43, $0x5;
	v52 =	vbroadcast v43, $0x6  }
0xfb: {  	v54 =	vld [tilespmem:s2+$0x1A780];
	v45 =	vbroadcast v43, $0x7;
	v44 =	vbroadcast v43, $0x8  }
0xfc: {  	v56 =	vld [tilespmem:s2+$0x1A800];
	v41 =	vbroadcast v43, $0x9;
	v24 =	vbroadcast v43, $0xA  }
0xfd: {  	v57 =	vld [tilespmem:s2+$0x1BE80];
	v28 =	vbroadcast v43, $0xB;
	v26 =	vbroadcast v43, $0xC  }
0xfe: {  	s4 =	simm.s32 $0x8000;
	v58 =	vld [tilespmem:s2+$0x1A680];
	v35 =	vbroadcast v43, $0xD;
	v25 =	vbroadcast v43, $0xE  }
0xff: {  	v59 =	vmul.f32 v39, v38;
	v39 =	vld [tilespmem:s4+$0x0];
	v60 =	vmul.f32 v46, v30  }
0x100: {  	v61 =	vmul.f32 v54, v33;
	v46 =	vbroadcast v43, $0xF  }
0x101: {  	s17 =	simm.s32 $0x8300;
	v53 =	vmul.f32 v53, v32;
	v55 =	vmul.f32 v55, v37;
	v54 =	vsub.f32 v59, v52  }
0x102: {  	s18 =	sor.u32 s0, s0;
	v43 =	vld [tilespmem:s17+$0x0];
	v59 =	vsub.f32 v60, v47;
	v60 =	vsub.f32 v61, v49;
	v61 =	vmul.f32 v56, v36  }
0x103: {  	s19 =	sor.u32 $0x380, s18;
	v63 =	vsub.f32 v53, v48;
	v53 =	vmul.f32 v57, v42;
	v56 =	vsub.f32 v55, v51  }
0x104: {  	v57 =	vld [tilespmem:s19+$0x1A600];
	v55 =	vmul.f32 v58, v31;
	v62 =	vsub.f32 v61, v50;
	v59 =	vmul.f32 v59, v39  }
0x105: {  	s18 =	simm.s32 $0x10;
	v58 =	vld [tilespmem:s2+$0x1BE00];
	v61 =	vmul.f32 v63, v39;
	v60 =	vmul.f32 v60, v39  }
.LBB2_7:
0x106: {  	v63 =	vld [tilespmem:s2+$0x1C180];
	v62 =	vmul.f32 v62, v39;
	v54 =	vmul.f32 v54, v39;
	s0 =	sadd.s32 $0x80, s0;
	s4 =	sadd.s32 $0x10, s4;
	s17 =	sadd.s32 $0x10, s17  }
0x107: {  	p1 =	sne.s32 s18, $0x2F0;
	v56 =	vmul.f32 v56, v39;
	s20 =	smov.u32 s18;
	s18 =	sadd.s32 $0x10, s18;
	v0 =	vld [tilespmem:s2+$0x1BF00];
	v61 =	vadd.f32 v61, v43;
	v60 =	vadd.f32 v60, v43  }
0x108: {  	v59 =	vadd.f32 v59, v43;
	v3 =	vld [tilespmem:s2+$0x1BF80];
	v62 =	vadd.f32 v62, v43  }
0x109: {  	v56 =	vadd.f32 v56, v43;
	v1 =	vld [tilespmem:s2+$0x1C000];
	v57 =	vmul.f32 v57, v29;
	[tilespmem:s2+$0x14700] =	vst v61  }
0x10a: {  	v55 =	vsub.f32 v55, v40;
	v61 =	vld [tilespmem:s2+$0x1C080];
	v58 =	vmul.f32 v58, v27;
	[tilespmem:s2+$0x14800] =	vst v62  }
0x10b: {  	v62 =	vld [tilespmem:s2+$0x1C100];
	v57 =	vsub.f32 v57, v45;
	v63 =	vmul.f32 v63, v34;
	[tilespmem:s2+$0x14600] =	vst v59  }
0x10c: {  	v55 =	vmul.f32 v55, v39;
	v54 =	vadd.f32 v54, v43;
	v58 =	vsub.f32 v58, v44;
	[tilespmem:s2+$0x14780] =	vst v60  }
0x10d: {  	v53 =	vsub.f32 v53, v41;
	v57 =	vmul.f32 v57, v39;
	v59 =	vsub.f32 v63, v46;
	[tilespmem:s2+$0x14880] =	vst v56  }
0x10e: {  	v55 =	vadd.f32 v55, v43;
	v56 =	vmul.f32 v58, v39;
	v1 =	vmul.f32 v1, v22;
	[tilespmem:s2+$0x14900] =	vst v54  }
0x10f: {  	v53 =	vmul.f32 v53, v39;
	v54 =	vadd.f32 v57, v43;
	v57 =	vmul.f32 v61, v23  }
0x110: {  	v3 =	vmul.f32 v3, v21;
	v58 =	vmul.f32 v59, v39;
	v56 =	vadd.f32 v56, v43;
	[tilespmem:s2+$0x14680] =	vst v55  }
0x111: {  	v53 =	vadd.f32 v53, v43;
	v55 =	vsub.f32 v57, v35;
	v57 =	vmul.f32 v62, v20;
	[tilespmem:s19+$0x14600] =	vst v54  }
0x112: {  	v0 =	vmul.f32 v0, v19;
	v54 =	vadd.f32 v58, v43;
	[tilespmem:s2+$0x15E00] =	vst v56  }
0x113: {  	s21 =	sand.u32 $0x1C00, s0;
	v3 =	vsub.f32 v3, v28;
	v1 =	vsub.f32 v1, v26;
	s19 =	sand.u32 $0x70, s20;
	v55 =	vmul.f32 v55, v39;
	[tilespmem:s2+$0x15E80] =	vst v53  }
0x114: {  	v0 =	vsub.f32 v0, v24;
	s19 =	sor.u32 s19, s21;
	v53 =	vsub.f32 v57, v25;
	[tilespmem:s2+$0x16180] =	vst v54  }
0x115: {  	v3 =	vmul.f32 v3, v39;
	v1 =	vmul.f32 v1, v39;
	v54 =	vld [tilespmem:s19+$0x1A900];
	v55 =	vadd.f32 v55, v43  }
0x116: {  	v0 =	vmul.f32 v0, v39;
	v39 =	vmul.f32 v53, v39;
	v56 =	vld [tilespmem:s19+$0x1A700]  }
0x117: {  	v3 =	vadd.f32 v3, v43;
	v1 =	vadd.f32 v1, v43;
	v53 =	vld [tilespmem:s19+$0x1A600];
	[tilespmem:s2+$0x16080] =	vst v55  }
0x118: {  	v0 =	vadd.f32 v0, v43;
	v39 =	vadd.f32 v39, v43;
	v55 =	vld [tilespmem:s19+$0x1A880]  }
0x119: {  	v43 =	vld [tilespmem:s19+$0x1A780];
	[tilespmem:s2+$0x15F80] =	vst v3  }
0x11a: {  	v3 =	vld [tilespmem:s19+$0x1A800];
	v54 =	vmul.f32 v54, v38;
	[tilespmem:s2+$0x16000] =	vst v1  }
0x11b: {  	v1 =	vld [tilespmem:s19+$0x1BE80];
	[tilespmem:s2+$0x15F00] =	vst v0  }
0x11c: {  	v0 =	vld [tilespmem:s19+$0x1A680];
	v54 =	vsub.f32 v54, v52;
	[tilespmem:s2+$0x16100] =	vst v39;
	s2 =	smov.u32 s19  }
0x11d: {  	v39 =	vld [tilespmem:s4+$0x0];
	v55 =	vmul.f32 v55, v37  }
0x11e: {  	v53 =	vmul.f32 v53, v30;
	v57 =	vmul.f32 v43, v33  }
.Ltmp2:
0x11f: {  	v58 =	vmul.f32 v56, v32;
	v56 =	vsub.f32 v55, v51;
	(pc) =	sbr.rel @p1 .LBB2_7-.Ltmp2, $4  }
0x120: {  	s19 =	sor.u32 s0, s20;
	v55 =	vsub.f32 v53, v47;
	v3 =	vmul.f32 v3, v36;
	v43 =	vld [tilespmem:s17+$0x0];
	v60 =	vsub.f32 v57, v49  }
0x121: {  	s19 =	sor.u32 $0x380, s19;
	v61 =	vsub.f32 v58, v48;
	v53 =	vmul.f32 v1, v42  }
0x122: {  	v62 =	vsub.f32 v3, v50;
	v57 =	vld [tilespmem:s19+$0x1A600];
	v59 =	vmul.f32 v55, v39;
	v55 =	vmul.f32 v0, v31  }
0x123: {  	v61 =	vmul.f32 v61, v39;
	v60 =	vmul.f32 v60, v39;
	v58 =	vld [tilespmem:s2+$0x1BE00]  }
0x124: {  	v0 =	vld [tilespmem:s2+$0x1C180]  }
0x125: {  	v30 =	vld [tilespmem:s2+$0x1BF80]  }
0x126: {  	v31 =	vmul.f32 v62, v39;
	v32 =	vld [tilespmem:s2+$0x1C000];
	v36 =	vmul.f32 v56, v39;
	v40 =	vsub.f32 v55, v40  }
0x127: {  	v37 =	vld [tilespmem:s2+$0x1C080];
	v38 =	vmul.f32 v54, v39;
	v3 =	vadd.f32 v61, v43;
	v33 =	vadd.f32 v60, v43  }
0x128: {  	v1 =	vld [tilespmem:s2+$0x1BF00];
	v31 =	vadd.f32 v31, v43;
	v36 =	vadd.f32 v36, v43;
	v29 =	vmul.f32 v57, v29  }
0x129: {  	v38 =	vadd.f32 v38, v43;
	[tilespmem:s2+$0x14700] =	vst v3;
	v3 =	vadd.f32 v59, v43  }
0x12a: {  	v59 =	vmul.f32 v40, v39;
	v27 =	vmul.f32 v58, v27;
	v29 =	vsub.f32 v29, v45  }
0x12b: {  	v0 =	vmul.f32 v0, v34;
	[tilespmem:s2+$0x14600] =	vst v3;
	v3 =	vsub.f32 v53, v41;
	v22 =	vmul.f32 v32, v22  }
0x12c: {  	[tilespmem:s2+$0x14780] =	vst v33;
	v58 =	vld [tilespmem:s2+$0x1C100];
	v23 =	vmul.f32 v37, v23;
	v21 =	vmul.f32 v30, v21;
	v27 =	vsub.f32 v27, v44  }
0x12d: {  	[tilespmem:s2+$0x14800] =	vst v31;
	v60 =	vadd.f32 v59, v43;
	v1 =	vmul.f32 v1, v19;
	v29 =	vmul.f32 v29, v39  }
0x12e: {  	[tilespmem:s2+$0x14880] =	vst v36;
	v0 =	vsub.f32 v0, v46;
	v23 =	vsub.f32 v23, v35;
	v27 =	vmul.f32 v27, v39  }
0x12f: {  	[tilespmem:s2+$0x14900] =	vst v38;
	v3 =	vmul.f32 v3, v39;
	v19 =	vsub.f32 v21, v28;
	v29 =	vadd.f32 v29, v43  }
0x130: {  	[tilespmem:s2+$0x14680] =	vst v60;
	v61 =	vsub.f32 v22, v26;
	v0 =	vmul.f32 v0, v39;
	v27 =	vadd.f32 v27, v43  }
0x131: {  	v3 =	vadd.f32 v3, v43;
	v20 =	vmul.f32 v58, v20;
	v62 =	vmul.f32 v23, v39;
	[tilespmem:s19+$0x14600] =	vst v29  }
0x132: {  	s4 =	sshll.u32 s16, $0x5;
	s17 =	sshll.u32 s16, $0x2;
	v1 =	vsub.f32 v1, v24;
	v19 =	vmul.f32 v19, v39;
	v0 =	vadd.f32 v0, v43;
	[tilespmem:s2+$0x15E00] =	vst v27  }
0x133: {  	s0 =	sor.u32 s7, s4;
	s17 =	sand.u32 $0x3C, s17;
	v63 =	vadd.f32 v62, v43;
	[tilespmem:s2+$0x15E80] =	vst v3;
	v3 =	vsub.f32 v20, v25;
	v20 =	vmul.f32 v61, v39  }
0x134: {  	s0 =	sshrl.u32 s0, $0x9;
	s17 =	smul.u32 $0x1800, s17;
	[tilespmem:s2+$0x16180] =	vst v0;
	v0 =	vmul.f32 v1, v39;
	v1 =	vadd.f32 v19, v43  }
0x135: {  	s0 =	smul.u32 $0x60000, s0;
	[tilespmem:s2+$0x16080] =	vst v63;
	v3 =	vmul.f32 v3, v39;
	v19 =	vadd.f32 v20, v43  }
0x136: {  	v0 =	vadd.f32 v0, v43;
	[tilespmem:s2+$0x15F80] =	vst v1  }
0x137: {  	s17 =	sadd.s32 s17, s0;
	v1 =	vadd.f32 v3, v43;
	[tilespmem:s2+$0x16000] =	vst v19  }
0x138: {  	s17 =	sshrl.u32 s17, $0x3;
	[tilespmem:s2+$0x15F00] =	vst v0  }
0x139: {  	p1 =	seq.s32 s16, $0x1FF;
	s22 =	sadd.s32 s5, s17;
	[tilespmem:s2+$0x16100] =	vst v1  }
0x13a: {  	[hbm4b:s22+s6] =	stream.linear.scatter [tilespmem:s31], [sflag:$0x5], $0x3000, $0x38;
	[tilespmem:$0x1E600] =	vst v63  }
0x13b: {  	v0 =	vld @!p1 [tilespmem:s4+$0x20];
	_ =	sdelay $0x4  }
0x13c: {  	v1 =	vshrl.u32 @!p1 v0, $0x3  }
0x13d: {  	v1 =	vmul.u32 @!p1 $0x30, v1  }
0x13e: {  	v3 =	vlaneseq.u32 @!p1;
	v0 =	vand.u32 @!p1 $0x7, v0  }
0x13f: {  	v19 =	vshrl.u32 @!p1 v3, $0x3;
	v0 =	vor.u32 @!p1 v0, v1;
	v1 =	vand.u32 @!p1 $0x7, v3  }
0x140: {  	v19 =	vmul.u32 @!p1 $0x8, v19;
	v20 =	vperm.xlane @!p1 v0, v1;
	_ =	sdelay $0x1  }
0x141: {  	v20 =	vadd.s32 @!p1 v19, v20  }
0x142: {  	v21 =	vld @!p1 [tilespmem:s4+$0x4020];
	_ =	sdelay $0x1  }
0x143: {  	v3 =	vor.u32 @!p1 $0x8, v3  }
0x144: {  	vm1 =	vmmov @!p1 $0xffff;
	s2 =	simm.s32 @!p1 $0x0;
	s4 =	simm.s32 @!p1 $0x8600;
	v0 =	vperm.xlane @!p1 v0, v3  }
0x145: {  	[tilespmem:s4], [sflag:$0x1] =	stream.indirect_vreg.gather @!p1 [hbm4b:s1+s2], $0x80, v20, vm1, $0xb8;
	[tilespmem:$0x1E600] =	vst v63  }
0x146: {  	v22 =	vshrl.u32 @!p1 v21, $0x3;
	v0 =	vadd.s32 @!p1 v19, v0;
	s4 =	simm.s32 @!p1 $0x8E00  }
0x147: {  	v22 =	vmul.u32 @!p1 $0x30, v22;
	[tilespmem:s4], [sflag:$0x1] =	stream.indirect_vreg.gather @!p1 [hbm4b:s11+s2], $0x80, v20, vm1, $0xb8;
	[tilespmem:$0x1E600] =	vst v63  }
0x148: {  	v21 =	vand.u32 @!p1 $0x7, v21;
	s4 =	simm.s32 @!p1 $0x9600  }
0x149: {  	[tilespmem:s4], [sflag:$0x1] =	stream.indirect_vreg.gather @!p1 [hbm4b:s12+s2], $0x80, v20, vm1, $0xb8;
	v20 =	vor.u32 @!p1 v21, v22;
	[tilespmem:$0x1E600] =	vst v63  }
0x14a: {  	s4 =	simm.s32 @!p1 $0x9E00;
	v1 =	vperm.xlane @!p1 v20, v1  }
0x14b: {  	[tilespmem:s4], [sflag:$0x1] =	stream.indirect_vreg.gather @!p1 [hbm4b:s1+s2], $0x80, v0, vm1, $0xb8;
	[tilespmem:$0x1E600] =	vst v63  }
0x14c: {  	s4 =	simm.s32 @!p1 $0xA600;
	v1 =	vadd.s32 @!p1 v19, v1  }
0x14d: {  	[tilespmem:s4], [sflag:$0x1] =	stream.indirect_vreg.gather @!p1 [hbm4b:s11+s2], $0x80, v0, vm1, $0xb8;
	[tilespmem:$0x1E600] =	vst v63  }
0x14e: {  	s4 =	simm.s32 @!p1 $0xAE00  }
0x14f: {  	[tilespmem:s4], [sflag:$0x1] =	stream.indirect_vreg.gather @!p1 [hbm4b:s12+s2], $0x80, v0, vm1, $0xb8;
	[tilespmem:$0x1E600] =	vst v63  }
0x150: {  	s4 =	simm.s32 @!p1 $0xE600;
	v0 =	vperm.xlane @!p1 v20, v3  }
0x151: {  	[tilespmem:s4], [sflag:$0x3] =	stream.indirect_vreg.gather @!p1 [hbm4b:s8+s2], $0x80, v1, vm1, $0xb8;
	[tilespmem:$0x1E600] =	vst v63  }
0x152: {  	s4 =	simm.s32 @!p1 $0xEE00;
	v0 =	vadd.s32 @!p1 v19, v0  }
0x153: {  	[tilespmem:s4], [sflag:$0x3] =	stream.indirect_vreg.gather @!p1 [hbm4b:s13+s2], $0x80, v1, vm1, $0xb8;
	[tilespmem:$0x1E600] =	vst v63  }
0x154: {  	s4 =	simm.s32 @!p1 $0xF600  }
0x155: {  	[tilespmem:s4], [sflag:$0x3] =	stream.indirect_vreg.gather @!p1 [hbm4b:s14+s2], $0x80, v1, vm1, $0xb8;
	[tilespmem:$0x1E600] =	vst v63  }
0x156: {  	s4 =	simm.s32 @!p1 $0xFE00  }
0x157: {  	[tilespmem:s4], [sflag:$0x3] =	stream.indirect_vreg.gather @!p1 [hbm4b:s8+s2], $0x80, v0, vm1, $0xb8;
	[tilespmem:$0x1E600] =	vst v63  }
0x158: {  	s4 =	simm.s32 @!p1 $0x10600  }
0x159: {  	[tilespmem:s4], [sflag:$0x3] =	stream.indirect_vreg.gather @!p1 [hbm4b:s13+s2], $0x80, v0, vm1, $0xb8;
	[tilespmem:$0x1E600] =	vst v63  }
0x15a: {  	s4 =	simm.s32 @!p1 $0x10E00  }
0x15b: {  	[tilespmem:s4], [sflag:$0x3] =	stream.indirect_vreg.gather @!p1 [hbm4b:s14+s2], $0x80, v0, vm1, $0xb8;
	[tilespmem:$0x1E600] =	vst v63  }
0x15c: {  	_ =	swait.ge [sflag:s3], $0x3000  }
0x15d: {  	[sflag:s3] =	ssyncset.done $0x0  }
0x15e: {  	[sflag:s3] =	ssyncadd.s32 $0xFFFFD000  }
0x15f: {  	_ =	swait.ge [sflag:s9], $0x3000  }
0x160: {  	[sflag:s9] =	ssyncset.done $0x0  }
0x161: {  	s2 =	simm.s32 $0x0;
	s4 =	simm.s32 $0x0;
	[sflag:s9] =	ssyncadd.s32 $0xFFFFD000  }
.LBB2_9:
0x162: {  	s17 =	sshrl.u32 s4, $0x3  }
0x163: {  	s18 =	sand.u32 $0x7, s2;
	s17 =	smul.u32 $0x6000, s17  }
0x164: {  	s18 =	sshll.u32 s18, $0x9  }
0x165: {  	s17 =	sor.u32 s18, s17  }
0x166: {  	s18 =	sshra.s32 s17, $0x2  }
0x167: {  	s17 =	sadd.s32 $0x11640, s18  }
0x168: {  	v22 =	vmov s17;
	_ =	sdelay $0x3  }
0x169: {  	s17 =	simm.s32 $0x0  }
0x16a: {  	s19 =	sadd.s32 $0xB640, s18;
	v24 =	vld.idx.msk [tilespmem:v22+s17+$0xFFFFFFD0 ss:$0x1], $0xffff  }
0x16b: {  	v23 =	vmov s19;
	v28 =	vld.idx.msk [tilespmem:v22+s17+$0xFFFFFFE0 ss:$0x1], $0xffff  }
0x16c: {  	v27 =	vld.idx.msk [tilespmem:v22+s17+$0xFFFFFFC0 ss:$0x1], $0xffff  }
0x16d: {  	v26 =	vld.idx.msk [tilespmem:v22+s17+$0x0 ss:$0x1], $0xffff  }
0x16e: {  	v25 =	vld.idx.msk [tilespmem:v22+s17+$0x30 ss:$0x1], $0xffff  }
0x16f: {  	v29 =	vld.idx.msk [tilespmem:v22+s17+$0xFFFFFFF0 ss:$0x1], $0xffff  }
0x170: {  	v30 =	vld.idx.msk [tilespmem:v23+s17+$0x10 ss:$0x1], $0xffff  }
0x171: {  	v32 =	vld.idx.msk [tilespmem:v23+s17+$0xFFFFFFE0 ss:$0x1], $0xffff  }
0x172: {  	v31 =	vld.idx.msk [tilespmem:v22+s17+$0x10 ss:$0x1], $0xffff  }
0x173: {  	s22 =	sadd.s32 $0x1A670, s18;
	v33 =	vld.idx.msk [tilespmem:v23+s17+$0xFFFFFFF0 ss:$0x1], $0xffff  }
0x174: {  	v19 =	vimm.f32 $0.0e+00;
	v21 =	vimm.f32 $0.0e+00;
	s18 =	sshll.u32 s4, $0x7;
	v20 =	vmov s22;
	s19 =	simm.s32 $0x1000;
	v34 =	vld.idx.msk [tilespmem:v23+s17+$0xFFFFFFC0 ss:$0x1], $0xffff  }
.LBB2_10:
0x175: {  	p1 =	sne.s32 s19, $0x5000;
	v0 =	vld.idx.msk [tilespmem:v23+s17+$0x0 ss:$0x1], $0xffff;
	s20 =	smov.u32 s19;
	s19 =	sadd.s32 $0x1000, s19  }
0x176: {  	v1 =	vld.idx.msk [tilespmem:v23+s17+$0xFFFFFFD0 ss:$0x1], $0xffff  }
0x177: {  	v28 =	vadd.f32 v28, v32;
	v3 =	vld.idx.msk [tilespmem:v23+s17+$0x30 ss:$0x1], $0xffff  }
0x178: {  	v32 =	vld.idx.msk [tilespmem:v23+s17+$0x20 ss:$0x1], $0xffff  }
0x179: {  	v30 =	vadd.f32 v31, v30;
	v29 =	vadd.f32 v29, v33;
	v35 =	vld.idx.msk [tilespmem:v22+s17+$0x20 ss:$0x1], $0xffff;
	_ =	sdelay $0x1  }
0x17a: {  	v31 =	vmul.f32 v28, v28;
	v27 =	vadd.f32 v27, v34;
	v33 =	vmul.f32 v29, v29  }
0x17b: {  	v0 =	vadd.f32 v26, v0;
	v1 =	vadd.f32 v24, v1;
	v24 =	vmul.f32 v30, v30  }
0x17c: {  	v3 =	vadd.f32 v25, v3;
	v25 =	vadd.f32 v29, v28;
	[tilespmem:v20+s17+$0xFFFFFF90 ss:$0x1] =	vst.idx.msk $0xffff, v27  }
0x17d: {  	v26 =	vmul.f32 v27, v27;
	v34 =	vmul.f32 v1, v1;
	[tilespmem:v20+s17+$0xFFFFFFA0 ss:$0x1] =	vst.idx.msk $0xffff, v1  }
0x17e: {  	v32 =	vadd.f32 v35, v32;
	[tilespmem:v20+s17+$0xFFFFFFB0 ss:$0x1] =	vst.idx.msk $0xffff, v28;
	v28 =	vmul.f32 v3, v3  }
0x17f: {  	s20 =	sshra.s32 s20, $0x2;
	v31 =	vadd.f32 v33, v31;
	[tilespmem:v20+s17+$0xFFFFFFC0 ss:$0x1] =	vst.idx.msk $0xffff, v29;
	v29 =	vmul.f32 v0, v0  }
0x180: {  	v26 =	vadd.f32 v34, v26;
	v33 =	vmul.f32 v32, v32;
	[tilespmem:v20+s17+$0xFFFFFFD0 ss:$0x1] =	vst.idx.msk $0xffff, v0  }
0x181: {  	v34 =	vadd.f32 v3, v32;
	[tilespmem:v20+s17+$0xFFFFFFE0 ss:$0x1] =	vst.idx.msk $0xffff, v30;
	v24 =	vadd.f32 v24, v29  }
0x182: {  	v0 =	vadd.f32 v30, v0;
	v28 =	vadd.f32 v28, v33;
	[tilespmem:v20+s17+$0xFFFFFFF0 ss:$0x1] =	vst.idx.msk $0xffff, v32  }
0x183: {  	[tilespmem:v20+s17+$0x0 ss:$0x1] =	vst.idx.msk $0xffff, v3;
	s17 =	smov.u32 s20  }
0x184: {  	v3 =	vadd.f32 v31, v26;
	v26 =	vadd.f32 v28, v24  }
0x185: {  	v1 =	vadd.f32 v1, v27;
	v24 =	vld.idx.msk [tilespmem:v22+s17+$0xFFFFFFD0 ss:$0x1], $0xffff  }
0x186: {  	v3 =	vadd.f32 v26, v3;
	v28 =	vld.idx.msk [tilespmem:v22+s17+$0xFFFFFFE0 ss:$0x1], $0xffff  }
0x187: {  	v1 =	vadd.f32 v25, v1;
	v0 =	vadd.f32 v34, v0;
	v27 =	vld.idx.msk [tilespmem:v22+s17+$0xFFFFFFC0 ss:$0x1], $0xffff  }
0x188: {  	v19 =	vadd.f32 v3, v19;
	v26 =	vld.idx.msk [tilespmem:v22+s17+$0x0 ss:$0x1], $0xffff  }
0x189: {  	v0 =	vadd.f32 v0, v1;
	v25 =	vld.idx.msk [tilespmem:v22+s17+$0x30 ss:$0x1], $0xffff  }
0x18a: {  	v29 =	vld.idx.msk [tilespmem:v22+s17+$0xFFFFFFF0 ss:$0x1], $0xffff  }
.Ltmp3:
0x18b: {  	v21 =	vadd.f32 v0, v21;
	v30 =	vld.idx.msk [tilespmem:v23+s17+$0x10 ss:$0x1], $0xffff;
	(pc) =	sbr.rel @p1 .LBB2_10-.Ltmp3, $4  }
0x18c: {  	v32 =	vld.idx.msk [tilespmem:v23+s17+$0xFFFFFFE0 ss:$0x1], $0xffff  }
0x18d: {  	v31 =	vld.idx.msk [tilespmem:v22+s17+$0x10 ss:$0x1], $0xffff  }
0x18e: {  	v33 =	vld.idx.msk [tilespmem:v23+s17+$0xFFFFFFF0 ss:$0x1], $0xffff  }
0x18f: {  	v34 =	vld.idx.msk [tilespmem:v23+s17+$0xFFFFFFC0 ss:$0x1], $0xffff  }
0x190: {  	_ =	sdelay $0x3  }
0x191: {  	v0 =	vld.idx.msk [tilespmem:v23+s17+$0x0 ss:$0x1], $0xffff  }
0x192: {  	v1 =	vld.idx.msk [tilespmem:v23+s17+$0xFFFFFFD0 ss:$0x1], $0xffff  }
0x193: {  	v3 =	vld.idx.msk [tilespmem:v23+s17+$0x30 ss:$0x1], $0xffff  }
0x194: {  	v51 =	vld.idx.msk [tilespmem:v23+s17+$0x20 ss:$0x1], $0xffff  }
0x195: {  	v22 =	vld.idx.msk [tilespmem:v22+s17+$0x20 ss:$0x1], $0xffff;
	v28 =	vadd.f32 v28, v32  }
0x196: {  	v30 =	vadd.f32 v31, v30  }
0x197: {  	v29 =	vadd.f32 v29, v33;
	v52 =	vmul.f32 v28, v28;
	v27 =	vadd.f32 v27, v34  }
0x198: {  	v54 =	vmul.f32 v30, v30;
	v1 =	vadd.f32 v24, v1;
	v0 =	vadd.f32 v26, v0  }
0x199: {  	v53 =	vmul.f32 v29, v29;
	v3 =	vadd.f32 v25, v3;
	v55 =	vadd.f32 v29, v28  }
0x19a: {  	v22 =	vadd.f32 v22, v51;
	v56 =	vmul.f32 v27, v27;
	v57 =	vmul.f32 v1, v1  }
0x19b: {  	v58 =	vmul.f32 v3, v3;
	v59 =	vmul.f32 v0, v0;
	v31 =	vadd.f32 v53, v52  }
0x19c: {  	v60 =	vmul.f32 v22, v22;
	v61 =	vadd.f32 v3, v22;
	v35 =	vadd.f32 v30, v0  }
0x19d: {  	[tilespmem:v20+s17+$0xFFFFFF90 ss:$0x1] =	vst.idx.msk $0xffff, v27;
	v27 =	vadd.f32 v1, v27;
	v26 =	vadd.f32 v57, v56  }
0x19e: {  	[tilespmem:v20+s17+$0xFFFFFFA0 ss:$0x1] =	vst.idx.msk $0xffff, v1;
	v1 =	vadd.f32 v54, v59;
	v23 =	vadd.f32 v58, v60  }
0x19f: {  	[tilespmem:v20+s17+$0xFFFFFFB0 ss:$0x1] =	vst.idx.msk $0xffff, v28;
	v62 =	vadd.f32 v55, v27;
	v63 =	vadd.f32 v61, v35  }
0x1a0: {  	s4 =	sadd.s32 $0x1, s4;
	[tilespmem:v20+s17+$0xFFFFFFC0 ss:$0x1] =	vst.idx.msk $0xffff, v29;
	v26 =	vadd.f32 v31, v26;
	v1 =	vadd.f32 v23, v1  }
0x1a1: {  	p1 =	sne.s32 s4, $0x10;
	[tilespmem:v20+s17+$0xFFFFFFD0 ss:$0x1] =	vst.idx.msk $0xffff, v0;
	v0 =	vadd.f32 v63, v62  }
.Ltmp4:
0x1a2: {  	[tilespmem:v20+s17+$0xFFFFFFE0 ss:$0x1] =	vst.idx.msk $0xffff, v30;
	v1 =	vadd.f32 v1, v26;
	(pc) =	sbr.rel @p1 .LBB2_9-.Ltmp4, $4  }
0x1a3: {  	[tilespmem:v20+s17+$0xFFFFFFF0 ss:$0x1] =	vst.idx.msk $0xffff, v22;
	v0 =	vadd.f32 v0, v21  }
0x1a4: {  	[tilespmem:v20+s17+$0x0 ss:$0x1] =	vst.idx.msk $0xffff, v3;
	v1 =	vadd.f32 v1, v19  }
0x1a5: {  	[tilespmem:s18+$0x1D600] =	vst v0  }
0x1a6: {  	s2 =	sadd.s32 $0x1, s2;
	[tilespmem:s18+$0x1DE00] =	vst v1  }
0x1a7: {  	v1 =	vld [tilespmem:$0x1FFF0];
	_ =	sdelay $0x7  }
0x1a8: {  	v0 =	vld.idx.msk [tilespmem:v1+s29+$0x0], $0xffff  }
0x1a9: {  	v3 =	vld.idx.msk [tilespmem:v4+s29+$0x0], $0xffff  }
0x1aa: {  	v1 =	vld.idx.msk [tilespmem:v1+s30+$0x0], $0xffff  }
0x1ab: {  	v19 =	vld.idx.msk [tilespmem:v4+s30+$0x0], $0xffff  }
0x1ac: {  	v20 =	vld.idx.msk [tilespmem:v5+s29+$0x0], $0xffff  }
0x1ad: {  	v21 =	vld.idx.msk [tilespmem:v5+s30+$0x0], $0xffff;
	v0 =	vadd.f32 $0.0e+00, v0  }
0x1ae: {  	v22 =	vld.idx.msk [tilespmem:v6+s29+$0x0], $0xffff  }
0x1af: {  	v23 =	vld.idx.msk [tilespmem:v7+s29+$0x0], $0xffff;
	v1 =	vadd.f32 $0.0e+00, v1;
	v0 =	vadd.f32 v3, v0  }
0x1b0: {  	v3 =	vld.idx.msk [tilespmem:v6+s30+$0x0], $0xffff  }
0x1b1: {  	v1 =	vadd.f32 v19, v1;
	v19 =	vld.idx.msk [tilespmem:v7+s30+$0x0], $0xffff;
	v0 =	vadd.f32 v20, v0  }
0x1b2: {  	v20 =	vld.idx.msk [tilespmem:v8+s29+$0x0], $0xffff  }
0x1b3: {  	v1 =	vadd.f32 v21, v1;
	v21 =	vld.idx.msk [tilespmem:v8+s30+$0x0], $0xffff;
	v0 =	vadd.f32 v22, v0  }
0x1b4: {  	v22 =	vld.idx.msk [tilespmem:v9+s29+$0x0], $0xffff  }
0x1b5: {  	v1 =	vadd.f32 v3, v1;
	v3 =	vld.idx.msk [tilespmem:v9+s30+$0x0], $0xffff;
	v0 =	vadd.f32 v23, v0  }
0x1b6: {  	v23 =	vld.idx.msk [tilespmem:v10+s29+$0x0], $0xffff  }
0x1b7: {  	v1 =	vadd.f32 v19, v1;
	v19 =	vld.idx.msk [tilespmem:v10+s30+$0x0], $0xffff;
	v0 =	vadd.f32 v20, v0  }
0x1b8: {  	v20 =	vld.idx.msk [tilespmem:v11+s29+$0x0], $0xffff  }
0x1b9: {  	v1 =	vadd.f32 v21, v1;
	v21 =	vld.idx.msk [tilespmem:v11+s30+$0x0], $0xffff;
	v0 =	vadd.f32 v22, v0  }
0x1ba: {  	v22 =	vld.idx.msk [tilespmem:v12+s29+$0x0], $0xffff  }
0x1bb: {  	v1 =	vadd.f32 v3, v1;
	v3 =	vld.idx.msk [tilespmem:v12+s30+$0x0], $0xffff;
	v0 =	vadd.f32 v23, v0  }
0x1bc: {  	v23 =	vld.idx.msk [tilespmem:v13+s29+$0x0], $0xffff  }
0x1bd: {  	v1 =	vadd.f32 v19, v1;
	v19 =	vld.idx.msk [tilespmem:v13+s30+$0x0], $0xffff;
	v0 =	vadd.f32 v20, v0  }
0x1be: {  	v20 =	vld.idx.msk [tilespmem:v14+s29+$0x0], $0xffff  }
0x1bf: {  	v1 =	vadd.f32 v21, v1;
	v21 =	vld.idx.msk [tilespmem:v14+s30+$0x0], $0xffff;
	v0 =	vadd.f32 v22, v0  }
0x1c0: {  	v22 =	vld.idx.msk [tilespmem:v15+s29+$0x0], $0xffff  }
0x1c1: {  	v1 =	vadd.f32 v3, v1;
	v3 =	vld.idx.msk [tilespmem:v15+s30+$0x0], $0xffff;
	v0 =	vadd.f32 v23, v0  }
0x1c2: {  	v23 =	vld.idx.msk [tilespmem:v16+s29+$0x0], $0xffff  }
0x1c3: {  	v1 =	vadd.f32 v19, v1;
	v19 =	vld.idx.msk [tilespmem:v16+s30+$0x0], $0xffff;
	v0 =	vadd.f32 v20, v0  }
0x1c4: {  	v20 =	vld.idx.msk [tilespmem:v17+s29+$0x0], $0xffff  }
0x1c5: {  	v1 =	vadd.f32 v21, v1;
	v21 =	vld.idx.msk [tilespmem:v17+s30+$0x0], $0xffff;
	v0 =	vadd.f32 v22, v0  }
0x1c6: {  	v22 =	vld.idx.msk [tilespmem:v18+s29+$0x0], $0xffff  }
0x1c7: {  	v1 =	vadd.f32 v3, v1;
	v0 =	vadd.f32 v23, v0  }
0x1c8: {  	v3 =	vld.idx.msk [tilespmem:v18+s30+$0x0], $0xffff  }
0x1c9: {  	v1 =	vadd.f32 v19, v1;
	v0 =	vadd.f32 v20, v0;
	_ =	sdelay $0x1  }
0x1ca: {  	v1 =	vadd.f32 v21, v1;
	v0 =	vadd.f32 v22, v0;
	_ =	sdelay $0x1  }
0x1cb: {  	v1 =	vadd.f32 v3, v1;
	v0 =	vmul.f32 $1.302083370e-03, v0;
	_ =	sdelay $0x1  }
0x1cc: {  	v1 =	vmul.f32 $1.302083370e-03, v1;
	v3 =	vmul.f32 v0, v0;
	_ =	sdelay $0x1  }
0x1cd: {  	v1 =	vsub.f32 v1, v3;
	_ =	sdelay $0x1  }
0x1ce: {  	v1 =	vadd.f32 $9.999999960e-13, v1;
	_ =	sdelay $0x1  }
0x1cf: {  	v3 =	vshrl.u32 v1, $0x1;
	v1 =	vmul.f32 $5.000000000e-01, v1  }
0x1d0: {  	v3 =	vsub.s32 $0x5F3759DF, v3  }
0x1d1: {  	v19 =	vmul.f32 v3, v1;
	_ =	sdelay $0x1  }
0x1d2: {  	v19 =	vmul.f32 v3, v19;
	_ =	sdelay $0x1  }
0x1d3: {  	v19 =	vsub.f32 $1.500000000e+00, v19;
	_ =	sdelay $0x1  }
0x1d4: {  	v3 =	vmul.f32 v3, v19;
	_ =	sdelay $0x1  }
0x1d5: {  	v19 =	vmul.f32 v3, v1;
	_ =	sdelay $0x1  }
0x1d6: {  	v19 =	vmul.f32 v19, v3;
	_ =	sdelay $0x1  }
0x1d7: {  	v19 =	vsub.f32 $1.500000000e+00, v19;
	_ =	sdelay $0x1  }
0x1d8: {  	v3 =	vmul.f32 v19, v3;
	_ =	sdelay $0x1  }
0x1d9: {  	v19 =	vmul.f32 v3, v1;
	_ =	sdelay $0x1  }
0x1da: {  	v19 =	vmul.f32 v19, v3;
	_ =	sdelay $0x1  }
0x1db: {  	v19 =	vsub.f32 $1.500000000e+00, v19;
	_ =	sdelay $0x1  }
0x1dc: {  	v3 =	vmul.f32 v19, v3;
	_ =	sdelay $0x1  }
0x1dd: {  	v1 =	vmul.f32 v3, v1;
	_ =	sdelay $0x1  }
0x1de: {  	v1 =	vmul.f32 v1, v3;
	_ =	sdelay $0x1  }
0x1df: {  	v1 =	vsub.f32 $1.500000000e+00, v1;
	_ =	sdelay $0x1  }
0x1e0: {  	v1 =	vmul.f32 v1, v3;
	_ =	sdelay $0x1  }
0x1e1: {  	v0 =	vmul.f32 v1, v0;
	v30 =	vbroadcast v1, $0x0  }
0x1e2: {  	v31 =	vbroadcast v1, $0x1;
	v32 =	vbroadcast v1, $0x2  }
0x1e3: {  	v35 =	vbroadcast v1, $0x3;
	v36 =	vbroadcast v1, $0x4  }
0x1e4: {  	v37 =	vbroadcast v1, $0x5;
	v38 =	vbroadcast v1, $0x6  }
0x1e5: {  	v29 =	vbroadcast v1, $0x7;
	v27 =	vbroadcast v1, $0x8  }
0x1e6: {  	s2 =	simm.s32 @!p0 $0x6;
	v41 =	vbroadcast v1, $0x9;
	v19 =	vbroadcast v1, $0xA  }
0x1e7: {  	s4 =	simm.s32 $0x0;
	_ =	swait.ge @!p0 [sflag:s2], $0x3000;
	v21 =	vbroadcast v1, $0xB;
	v22 =	vbroadcast v1, $0xC  }
0x1e8: {  	s17 =	sand.u32 $0x70, s4;
	s18 =	sand.u32 $0x1C00, s4;
	[sflag:s2] =	ssyncset.done @!p0 $0x0;
	v23 =	vbroadcast v1, $0xD;
	v20 =	vbroadcast v1, $0xE  }
0x1e9: {  	[sflag:s2] =	ssyncadd.s32 @!p0 $0xFFFFD000;
	s2 =	sor.u32 s17, s18;
	v33 =	vbroadcast v1, $0xF;
	v47 =	vbroadcast v0, $0x0  }
0x1ea: {  	v44 =	vld [tilespmem:s2+$0x1A600];
	v39 =	vbroadcast v0, $0x1;
	v48 =	vbroadcast v0, $0x2  }
0x1eb: {  	v46 =	vld [tilespmem:s2+$0x1A780];
	v49 =	vbroadcast v0, $0x3;
	v50 =	vbroadcast v0, $0x4  }
0x1ec: {  	v55 =	vld [tilespmem:s2+$0x1A800];
	v51 =	vbroadcast v0, $0x5;
	v52 =	vbroadcast v0, $0x6  }
0x1ed: {  	v3 =	vld [tilespmem:s2+$0x1A700];
	v45 =	vbroadcast v0, $0x7;
	v43 =	vbroadcast v0, $0x8  }
0x1ee: {  	v1 =	vld [tilespmem:s2+$0x1A900];
	v40 =	vbroadcast v0, $0x9;
	v24 =	vbroadcast v0, $0xA  }
0x1ef: {  	v58 =	vld [tilespmem:s2+$0x1A680];
	v28 =	vbroadcast v0, $0xB;
	v26 =	vbroadcast v0, $0xC  }
0x1f0: {  	s17 =	simm.s32 $0x8000;
	v53 =	vld [tilespmem:s2+$0x1A880];
	v34 =	vbroadcast v0, $0xD;
	v25 =	vbroadcast v0, $0xE  }
0x1f1: {  	v42 =	vld [tilespmem:s17+$0x0];
	v44 =	vmul.f32 v44, v30;
	v57 =	vmul.f32 v46, v35  }
0x1f2: {  	v56 =	vld [tilespmem:s2+$0x1BE80];
	v46 =	vbroadcast v0, $0xF;
	v61 =	vmul.f32 v55, v36  }
0x1f3: {  	s18 =	simm.s32 $0x8300;
	v0 =	vmul.f32 v3, v32;
	v1 =	vmul.f32 v1, v38  }
0x1f4: {  	s19 =	sor.u32 s4, s4;
	v55 =	vmul.f32 v58, v31;
	v3 =	vsub.f32 v44, v47;
	v60 =	vsub.f32 v57, v49;
	v44 =	vld [tilespmem:s18+$0x0]  }
0x1f5: {  	s20 =	sor.u32 $0x380, s19;
	v0 =	vsub.f32 v0, v48;
	v54 =	vsub.f32 v1, v52;
	v1 =	vmul.f32 v53, v37  }
0x1f6: {  	v57 =	vld [tilespmem:s20+$0x1A600];
	v62 =	vsub.f32 v61, v50;
	v59 =	vmul.f32 v3, v42;
	v60 =	vmul.f32 v60, v42  }
0x1f7: {  	s19 =	simm.s32 $0x10;
	v58 =	vld [tilespmem:s2+$0x1BE00];
	v53 =	vmul.f32 v56, v41;
	v61 =	vmul.f32 v0, v42;
	v56 =	vsub.f32 v1, v51  }
.LBB2_13:
0x1f8: {  	v0 =	vld [tilespmem:s2+$0x1C180];
	v1 =	vmul.f32 v62, v42;
	v3 =	vmul.f32 v54, v42;
	s4 =	sadd.s32 $0x80, s4;
	s17 =	sadd.s32 $0x10, s17;
	s18 =	sadd.s32 $0x10, s18  }
0x1f9: {  	p0 =	sne.s32 s19, $0x2F0;
	v56 =	vmul.f32 v56, v42;
	s21 =	smov.u32 s19;
	s19 =	sadd.s32 $0x10, s19;
	v54 =	vld [tilespmem:s2+$0x1BF00];
	v61 =	vadd.f32 v61, v44;
	v60 =	vadd.f32 v60, v44  }
0x1fa: {  	v59 =	vadd.f32 v59, v44;
	v62 =	vld [tilespmem:s2+$0x1BF80];
	v1 =	vadd.f32 v1, v44  }
0x1fb: {  	v56 =	vadd.f32 v56, v44;
	v63 =	vld [tilespmem:s2+$0x1C000];
	v57 =	vmul.f32 v57, v29;
	[tilespmem:s2+$0x17700] =	vst v61  }
0x1fc: {  	v55 =	vsub.f32 v55, v39;
	v61 =	vld [tilespmem:s2+$0x1C080];
	v58 =	vmul.f32 v58, v27;
	[tilespmem:s2+$0x17800] =	vst v1  }
0x1fd: {  	v1 =	vld [tilespmem:s2+$0x1C100];
	v57 =	vsub.f32 v57, v45;
	v0 =	vmul.f32 v0, v33;
	[tilespmem:s2+$0x17600] =	vst v59  }
0x1fe: {  	v55 =	vmul.f32 v55, v42;
	v3 =	vadd.f32 v3, v44;
	v58 =	vsub.f32 v58, v43;
	[tilespmem:s2+$0x17780] =	vst v60  }
0x1ff: {  	v53 =	vsub.f32 v53, v40;
	v57 =	vmul.f32 v57, v42;
	v0 =	vsub.f32 v0, v46;
	[tilespmem:s2+$0x17880] =	vst v56  }
0x200: {  	v55 =	vadd.f32 v55, v44;
	v56 =	vmul.f32 v58, v42;
	v58 =	vmul.f32 v63, v22;
	[tilespmem:s2+$0x17900] =	vst v3  }
0x201: {  	v53 =	vmul.f32 v53, v42;
	v3 =	vadd.f32 v57, v44;
	v57 =	vmul.f32 v61, v23  }
0x202: {  	v59 =	vmul.f32 v62, v21;
	v0 =	vmul.f32 v0, v42;
	v56 =	vadd.f32 v56, v44;
	[tilespmem:s2+$0x17680] =	vst v55  }
0x203: {  	v53 =	vadd.f32 v53, v44;
	v1 =	vmul.f32 v1, v20;
	v55 =	vsub.f32 v57, v34;
	[tilespmem:s20+$0x17600] =	vst v3  }
0x204: {  	v3 =	vmul.f32 v54, v19;
	v0 =	vadd.f32 v0, v44;
	[tilespmem:s2+$0x18E00] =	vst v56  }
0x205: {  	s22 =	sand.u32 $0x1C00, s4;
	s20 =	sand.u32 $0x70, s21;
	v54 =	vsub.f32 v59, v28;
	v56 =	vsub.f32 v58, v26;
	v55 =	vmul.f32 v55, v42;
	[tilespmem:s2+$0x18E80] =	vst v53  }
0x206: {  	s20 =	sor.u32 s20, s22;
	v1 =	vsub.f32 v1, v25;
	v3 =	vsub.f32 v3, v24;
	[tilespmem:s2+$0x19180] =	vst v0  }
0x207: {  	v53 =	vmul.f32 v54, v42;
	v54 =	vmul.f32 v56, v42;
	v0 =	vld [tilespmem:s20+$0x1A900];
	v55 =	vadd.f32 v55, v44  }
0x208: {  	v1 =	vmul.f32 v1, v42;
	v3 =	vmul.f32 v3, v42;
	v56 =	vld [tilespmem:s20+$0x1A700]  }
0x209: {  	v42 =	vadd.f32 v53, v44;
	v53 =	vadd.f32 v54, v44;
	v57 =	vld [tilespmem:s20+$0x1A600];
	[tilespmem:s2+$0x19080] =	vst v55  }
0x20a: {  	v1 =	vadd.f32 v1, v44;
	v3 =	vadd.f32 v3, v44;
	v55 =	vld [tilespmem:s20+$0x1A880]  }
0x20b: {  	v44 =	vld [tilespmem:s20+$0x1A780];
	[tilespmem:s2+$0x18F80] =	vst v42  }
0x20c: {  	v58 =	vld [tilespmem:s20+$0x1A800];
	v0 =	vmul.f32 v0, v38;
	[tilespmem:s2+$0x19000] =	vst v53  }
0x20d: {  	v53 =	vld [tilespmem:s20+$0x1BE80];
	[tilespmem:s2+$0x18F00] =	vst v3  }
0x20e: {  	v3 =	vld [tilespmem:s20+$0x1A680];
	v54 =	vsub.f32 v0, v52;
	[tilespmem:s2+$0x19100] =	vst v1;
	s2 =	smov.u32 s20  }
0x20f: {  	v42 =	vld [tilespmem:s17+$0x0];
	v0 =	vmul.f32 v55, v37  }
0x210: {  	v1 =	vmul.f32 v57, v30;
	v55 =	vmul.f32 v44, v35  }
.Ltmp5:
0x211: {  	v57 =	vmul.f32 v56, v32;
	v56 =	vsub.f32 v0, v51;
	(pc) =	sbr.rel @p0 .LBB2_13-.Ltmp5, $4  }
0x212: {  	s20 =	sor.u32 s4, s21;
	v0 =	vsub.f32 v1, v47;
	v58 =	vmul.f32 v58, v36;
	v44 =	vld [tilespmem:s18+$0x0];
	v1 =	vsub.f32 v55, v49  }
0x213: {  	s20 =	sor.u32 $0x380, s20;
	v60 =	vsub.f32 v57, v48;
	v53 =	vmul.f32 v53, v41  }
0x214: {  	v55 =	vmul.f32 v3, v31;
	v62 =	vsub.f32 v58, v50;
	v57 =	vld [tilespmem:s20+$0x1A600];
	v59 =	vmul.f32 v0, v42  }
0x215: {  	v61 =	vmul.f32 v60, v42;
	v60 =	vmul.f32 v1, v42;
	v58 =	vld [tilespmem:s2+$0x1BE00]  }
0x216: {  	v0 =	vld [tilespmem:s2+$0x1C180]  }
0x217: {  	v30 =	vld [tilespmem:s2+$0x1BF80]  }
0x218: {  	v31 =	vmul.f32 v62, v42;
	v32 =	vld [tilespmem:s2+$0x1C000];
	v36 =	vmul.f32 v56, v42  }
0x219: {  	v37 =	vld [tilespmem:s2+$0x1C080];
	v38 =	vmul.f32 v54, v42;
	v39 =	vsub.f32 v55, v39;
	v3 =	vadd.f32 v61, v44  }
0x21a: {  	v1 =	vld [tilespmem:s2+$0x1BF00];
	v35 =	vadd.f32 v60, v44;
	v31 =	vadd.f32 v31, v44;
	v29 =	vmul.f32 v57, v29  }
0x21b: {  	v36 =	vadd.f32 v36, v44;
	v60 =	vmul.f32 v39, v42;
	[tilespmem:s2+$0x17700] =	vst v3;
	v3 =	vadd.f32 v59, v44  }
0x21c: {  	v38 =	vadd.f32 v38, v44;
	v27 =	vmul.f32 v58, v27;
	v29 =	vsub.f32 v29, v45  }
0x21d: {  	v0 =	vmul.f32 v0, v33;
	[tilespmem:s2+$0x17600] =	vst v3;
	v3 =	vsub.f32 v53, v40;
	v22 =	vmul.f32 v32, v22  }
0x21e: {  	v59 =	vld [tilespmem:s2+$0x1C100];
	[tilespmem:s2+$0x17780] =	vst v35;
	v23 =	vmul.f32 v37, v23;
	v21 =	vmul.f32 v30, v21;
	v27 =	vsub.f32 v27, v43  }
0x21f: {  	[tilespmem:s2+$0x17800] =	vst v31;
	v33 =	vadd.f32 v60, v44;
	v1 =	vmul.f32 v1, v19;
	v29 =	vmul.f32 v29, v42  }
0x220: {  	[tilespmem:s2+$0x17880] =	vst v36;
	v0 =	vsub.f32 v0, v46;
	v23 =	vsub.f32 v23, v34;
	v27 =	vmul.f32 v27, v42  }
0x221: {  	[tilespmem:s2+$0x17900] =	vst v38;
	v3 =	vmul.f32 v3, v42;
	v19 =	vsub.f32 v21, v28;
	v29 =	vadd.f32 v29, v44  }
0x222: {  	[tilespmem:s2+$0x17680] =	vst v33;
	v61 =	vsub.f32 v22, v26;
	v0 =	vmul.f32 v0, v42;
	v27 =	vadd.f32 v27, v44  }
0x223: {  	v20 =	vmul.f32 v59, v20;
	v3 =	vadd.f32 v3, v44;
	v62 =	vmul.f32 v23, v42;
	[tilespmem:s20+$0x17600] =	vst v29  }
0x224: {  	v1 =	vsub.f32 v1, v24;
	v19 =	vmul.f32 v19, v42;
	v0 =	vadd.f32 v0, v44;
	[tilespmem:s2+$0x18E00] =	vst v27  }
0x225: {  	s4 =	sshll.u32 s15, $0x1;
	v63 =	vadd.f32 v62, v44;
	[tilespmem:s2+$0x18E80] =	vst v3;
	v3 =	vsub.f32 v20, v25;
	v20 =	vmul.f32 v61, v42  }
0x226: {  	s16 =	sadd.s32 $0x1, s16;
	s4 =	sand.u32 $0x3E, s4;
	[tilespmem:s2+$0x19180] =	vst v0;
	v0 =	vmul.f32 v1, v42;
	v1 =	vadd.f32 v19, v44  }
0x227: {  	p0 =	sne.s32 s16, $0x200;
	s4 =	smul.u32 $0x1800, s4;
	[tilespmem:s2+$0x19080] =	vst v63;
	v3 =	vmul.f32 v3, v42;
	v19 =	vadd.f32 v20, v44  }
.Ltmp6:
0x228: {  	v0 =	vadd.f32 v0, v44;
	[tilespmem:s2+$0x18F80] =	vst v1;
	(pc) =	sbr.rel @p0 .LBB2_2-.Ltmp6, $4  }
0x229: {  	s0 =	sadd.s32 s0, s4;
	v1 =	vadd.f32 v3, v44;
	[tilespmem:s2+$0x19000] =	vst v19  }
0x22a: {  	s0 =	sshrl.u32 s0, $0x3;
	[tilespmem:s2+$0x18F00] =	vst v0  }
0x22b: {  	s0 =	sadd.s32 s5, s0;
	[tilespmem:s2+$0x19100] =	vst v1  }
0x22c: {  	[hbm4b:s0+s6] =	stream.linear.scatter [tilespmem:s10], [sflag:$0x6], $0x3000, $0x38;
	[tilespmem:$0x1E600] =	vst v63  }
0x22d: {  	s0 =	simm.s32 $0x5  }
0x22e: {  	_ =	swait.ge [sflag:s0], $0x3000  }
0x22f: {  	[sflag:s0] =	ssyncset.done $0x0  }
0x230: {  	s2 =	simm.s32 $0x6;
	[sflag:s0] =	ssyncadd.s32 $0xFFFFD000  }
0x231: {  	_ =	swait.ge [sflag:s2], $0x3000  }
0x232: {  	s4 =	rddreg [dreg:$0x9]  }
0x233: {  	s22 =	rddreg [dreg:$0x8];
	s4 =	sadd.s32 $0x1, s4  }
0x234: {  	p0 =	sne.s32 s4, s22  }
.Ltmp7:
0x235: {  	_ = 	snop;
	(pc) =	sbr.rel @p0 .LBB2_1-.Ltmp7, $3  }
0x236: {  	_ =	sdelay $0x1  }
0x237: {  	[sflag:s2] =	ssyncset.done $0x0  }
0x238: {  	[sflag:s2] =	ssyncadd.s32 $0xFFFFD000  }
0x239: {  	_ =	sfence.sel $0x180000  }
0x23a: {  	[bflag:$0x0] =	sbarrier.arrive $0xFFFF  }
0x23b: {  	_ =	strace $0x90000047  }
0x23c: {  	s0 =	stileid.u32;
	[bflag:$0x2] =	sbarrier.arrive $0xFFFF  }
0x23d: {  	p0 =	sne.s32 s0, $0x0;
	s0 =	rddreg [dreg:$0x5]  }
0x23e: {  	s0 =	sadd.s32 @!p0 $0x100000, s0  }
0x23f: {  	[sflag:s0] =	ssyncadd.tile.s32 @!p0 $0x1;
	_ =	shalt  }
.Lfunc_end2:
_tile_overlayer_lowered:
.L_overlay_start_2:
0x240: {  	(tag) =	ssettag $0x2  }
0x241: {  	s0 =	rddreg [dreg:$0x0];
	s2 =	stileid.u32  }
0x242: {  	s1 =	rddreg [dreg:$0x1];
	p0 =	sne.s32 s2, $0x0  }
0x243: {  	s3 =	rddreg [dreg:$0x2];
	[bflag:$0x3] =	sbarrier.arrive $0xFFFF;
	s2 =	simm.s32 @!p0 $0x1C07  }
0x244: {  	[timem:s3], [sflag:s2] =	dma.local @!p0 [hbm:s0], s1  }
0x245: {  	s0 =	simm.s32 @!p0 $0x7  }
0x246: {  	_ =	swait.ge @!p0 [sflag:s0], s1  }
0x247: {  	s1 =	ssub.s32 @!p0 $0x0, s1;
	[sflag:s0] =	ssyncset.done @!p0 $0x0  }
0x248: {  	[sflag:s0] =	ssyncadd.s32 @!p0 s1  }
0x249: {  	[bflag:$0x3] =	sbarrier.arrive $0xFFFF  }
0x24a: {  	_ =	shalt  }

</sc_bundles>
